<compile_context>
chip_gen: v7x
topology: tpu7x:2x2x1
jax: 0.10.2.dev20260603
libtpu: 0.0.44.dev20260713+nightly
codegen_flags: <defaults>
</compile_context>

<pallas_src>
import jax
import jax.numpy as jnp
from jax import lax
from jax.experimental import pallas as pl
from jax.experimental.pallas import tpu as pltpu
from jax.experimental.pallas import tpu_sc as plsc

BATCH = 4096
MAXLEN = 200
EMBED = 64

_NW = 32
_K = 256
_JPT = BATCH // _K
_NU = MAXLEN * _JPT // _NW
_GK = _K // 128


def _unit_coords(u):
    return u // _JPT, lax.rem(u, _JPT)


def _body(x_hbm, tok_hbm, pos_hbm, out_hbm,
          idx_v, rows_v, tile_v, pos_v, sem_i, sem_g, sem_o):
    wid = lax.axis_index("s") * 2 + lax.axis_index("c")
    u0 = wid * _NU
    iota16 = lax.iota(jnp.int32, 16)

    pltpu.sync_copy(pos_hbm, pos_v)

    def idx_copy(u, b):
        t, j2 = _unit_coords(u)
        return pltpu.make_async_copy(
            x_hbm.at[t, pl.ds(_GK * j2, _GK)], idx_v.at[b], sem_i.at[b])

    def gather_copy(u, b, h):
        return pltpu.make_async_copy(
            tok_hbm.at[idx_v.at[b, h]],
            rows_v.at[b, pl.ds(128 * h, 128)], sem_g.at[b])

    def out_copy(u, b):
        t, j2 = _unit_coords(u)
        return pltpu.make_async_copy(
            tile_v.at[b], out_hbm.at[t, :, pl.ds(_GK * j2, _GK)], sem_o.at[b])

    i_idx = [(iota16 + 16 * k) // 8 for k in range(EMBED // 16)]
    r_idx = [lax.rem(iota16 + 16 * k, 8) for k in range(EMBED // 16)]
    jl_idx = [jnp.full((16,), jl, jnp.int32) for jl in range(_GK)]

    def compute(u, b):
        t, _ = _unit_coords(u)
        rows2 = rows_v.at[b]
        pv = [pos_v[t, pl.ds(16 * k, 16)] for k in range(EMBED // 16)]

        dst = tile_v.at[b]

        @plsc.parallel_loop(0, 128, unroll=4)
        def per_b(b2):
            c16 = jnp.full((16,), b2, jnp.int32)
            for jl in range(_GK):
                row = 128 * jl + b2
                for k in range(EMBED // 16):
                    val = rows2[row, pl.ds(16 * k, 16)] + pv[k]
                    plsc.store_scatter(
                        dst, [i_idx[k], jl_idx[jl], r_idx[k], c16], val)

    idx_copy(u0, 0).start()
    idx_copy(u0 + 1, 1).start()
    idx_copy(u0, 0).wait()
    for h in range(_GK):
        gather_copy(u0, 0, h).start()

    def step(p, carry):
        for b in (0, 1):
            u = u0 + 2 * p + b
            un = 2 * p + b
            for h in range(_GK):
                gather_copy(u, b, h).wait()

            @pl.when(un + 1 < _NU)
            def _():
                idx_copy(u + 1, 1 - b).wait()
                for h in range(_GK):
                    gather_copy(u + 1, 1 - b, h).start()

            @pl.when(un + 2 < _NU)
            def _():
                idx_copy(u + 2, b).start()

            @pl.when(un >= 2)
            def _():
                out_copy(u - 2, b).wait()

            compute(u, b)
            out_copy(u, b).start()
        return carry

    lax.fori_loop(0, _NU // 2, step, 0)
    out_copy(u0 + _NU - 2, 0).wait()
    out_copy(u0 + _NU - 1, 1).wait()


@jax.jit
def _tpe(xt, token_table, pos_table):
    mesh = plsc.VectorSubcoreMesh(core_axis_name="c", subcore_axis_name="s")
    return pl.kernel(
        _body,
        out_type=jax.ShapeDtypeStruct(
            (MAXLEN, EMBED // 8, BATCH // 128, 8, 128), jnp.float32),
        mesh=mesh,
        scratch_types=[
            pltpu.VMEM((2, _GK, 128), jnp.int32),
            pltpu.VMEM((2, _K, EMBED), jnp.float32),
            pltpu.VMEM((2, EMBED // 8, _GK, 8, 128), jnp.float32),
            pltpu.VMEM((MAXLEN, EMBED), jnp.float32),
            pltpu.SemaphoreType.DMA((2,)),
            pltpu.SemaphoreType.DMA((2,)),
            pltpu.SemaphoreType.DMA((2,)),
        ],
        compiler_params=pltpu.CompilerParams(
            use_tc_tiling_on_sc=False, needs_layout_passes=False),
    )(xt, token_table, pos_table)


def kernel(x, token_table, pos_table):
    xt = x.astype(jnp.int32).T.reshape(MAXLEN, BATCH // 128, 128)
    out5 = _tpe(xt, token_table, pos_table)
    return out5.transpose(2, 4, 0, 1, 3).reshape(BATCH, MAXLEN, EMBED)

# --- scband reference (transcript-rebuilt; emitter-appended) ---
"""Pipeline reference for scband-token-and-position-embedding-5016521802343 (READ-ONLY COPY).

The authoritative reference and input builder live on the scoring server;
editing this copy changes nothing except your own understanding.
"""

import jax, jax.numpy as jnp
import numpy as np

VOCAB = 1000000
MAXLEN = 200
EMBED = 64
BATCH = 4096

def setup_inputs(seed: int = 0) -> dict:
    key = jax.random.key(seed)
    k1, k2, k3 = jax.random.split(key, 3)
    x = jax.random.randint(k1, (BATCH, MAXLEN), 0, VOCAB, dtype=jnp.int64 if jax.config.jax_enable_x64 else jnp.int32)
    token_table = jax.random.normal(k2, (VOCAB, EMBED), dtype=jnp.float32) * 0.02
    pos_table = jax.random.normal(k3, (MAXLEN, EMBED), dtype=jnp.float32) * 0.02
    return {"x": x, "token_table": token_table, "pos_table": pos_table}

def reference(x, token_table, pos_table):
    maxlen = x.shape[-1]
    positions = jnp.arange(0, maxlen, 1)
    pos = jnp.take(pos_table, positions, axis=0)
    tok = jnp.take(token_table, x, axis=0)
    return tok + pos

if __name__ == "__main__":
    import jax
    _d = setup_inputs()
    print(jax.jit(kernel)(*tuple(_d.values())))

</pallas_src>

<mosaic_0001>
#map = affine_map<(d0, d1) -> (0, 0, 0)>
#map1 = affine_map<(d0, d1) -> (0, 0)>
#map2 = affine_map<(d0, d1) -> (0, 0, 0, 0, 0)>
module attributes {stable_mosaic.version = 14 : i64} {
  func.func @_body(%arg0: i32, %arg1: i32, %arg2: memref<200x32x128xi32, #tpu.memory_space<hbm>>, %arg3: memref<1000000x64xf32, #tpu.memory_space<hbm>>, %arg4: memref<200x64xf32, #tpu.memory_space<hbm>>, %arg5: memref<200x8x32x8x128xf32, #tpu.memory_space<hbm>>, %arg6: memref<2x2x128xi32, #tpu.memory_space<vmem>>, %arg7: memref<2x256x64xf32, #tpu.memory_space<vmem>>, %arg8: memref<2x8x2x8x128xf32, #tpu.memory_space<vmem>>, %arg9: memref<200x64xf32, #tpu.memory_space<vmem>>, %arg10: memref<2x!tpu.dma_semaphore, #tpu.memory_space<semaphore_mem>>, %arg11: memref<2x!tpu.dma_semaphore, #tpu.memory_space<semaphore_mem>>, %arg12: memref<2x!tpu.dma_semaphore, #tpu.memory_space<semaphore_mem>>) attributes {dimension_semantics = [#tpu.dimension_semantics<core_parallel>, #tpu.dimension_semantics<subcore_parallel>], iteration_bounds = array<i64: 2, 16>, scalar_prefetch = 0 : i64, scratch_operands = 7 : i64, tpu.core_type = #tpu.core_type<sc_vector_subcore>, window_params = [{transform_indices = #map}, {transform_indices = #map1}, {transform_indices = #map1}, {transform_indices = #map2}]} {
    %mul3A = arith.constant 2 : i32
    %mul3A_0 = arith.muli %arg1, %mul3A : i32
    %add3A = arith.addi %mul3A_0, %arg0 : i32
    %mul3A_1 = arith.constant 100 : i32
    %mul3A_2 = arith.muli %add3A, %mul3A_1 : i32
    %iota3A = tpu.iota {dimensions = array<i32: 0>} : vector<16xi32>
    "tpu.region"() ({
      %run_scoped3A = tpu.sem_alloc : memref<!tpu.dma_semaphore, #tpu.memory_space<semaphore_mem>>
      tpu.enqueue_dma source(%arg4 : memref<200x64xf32, #tpu.memory_space<hbm>>) target(%arg9 : memref<200x64xf32, #tpu.memory_space<vmem>>) target_semaphore(%run_scoped3A : memref<!tpu.dma_semaphore, #tpu.memory_space<semaphore_mem>>)
      tpu.wait_dma2 semaphore(%run_scoped3A : memref<!tpu.dma_semaphore, #tpu.memory_space<semaphore_mem>>) src(%arg4 : memref<200x64xf32, #tpu.memory_space<hbm>>) dst(%arg9 : memref<200x64xf32, #tpu.memory_space<vmem>>)
      tpu.yield
    }) : () -> ()
    %add3A_3 = arith.constant 0 : i32
    %add3A_4 = vector.broadcast %add3A_3 : i32 to vector<16xi32>
    %add3A_5 = arith.addi %iota3A, %add3A_4 : vector<16xi32>
    %jit3A = arith.constant 8 : i32
    %div3A = vector.broadcast %jit3A : i32 to vector<16xi32>
    %div3A_6 = arith.divsi %add3A_5, %div3A : vector<16xi32>
    %sign3A = arith.constant 0 : i32
    %sign3A_7 = vector.broadcast %sign3A : i32 to vector<16xi32>
    %sign3A_8 = arith.cmpi sgt, %add3A_5, %sign3A_7 : vector<16xi32>
    %sign3A_9 = arith.extui %sign3A_8 : vector<16xi1> to vector<16xi32>
    %sign3A_10 = arith.constant 0 : i32
    %sign3A_11 = vector.broadcast %sign3A_10 : i32 to vector<16xi32>
    %sign3A_12 = arith.cmpi slt, %add3A_5, %sign3A_11 : vector<16xi32>
    %sign3A_13 = arith.extui %sign3A_12 : vector<16xi1> to vector<16xi32>
    %sign3A_14 = arith.subi %sign3A_9, %sign3A_13 : vector<16xi32>
    %sign3A_15 = arith.constant 0 : i32
    %sign3A_16 = arith.cmpi sgt, %jit3A, %sign3A_15 : i32
    %sign3A_17 = arith.extui %sign3A_16 : i1 to i32
    %sign3A_18 = arith.constant 0 : i32
    %sign3A_19 = arith.cmpi slt, %jit3A, %sign3A_18 : i32
    %sign3A_20 = arith.extui %sign3A_19 : i1 to i32
    %sign3A_21 = arith.subi %sign3A_17, %sign3A_20 : i32
    %ne3A = vector.broadcast %sign3A_21 : i32 to vector<16xi32>
    %ne3A_22 = arith.cmpi ne, %sign3A_14, %ne3A : vector<16xi32>
    %rem3A = vector.broadcast %jit3A : i32 to vector<16xi32>
    %rem3A_23 = arith.remsi %add3A_5, %rem3A : vector<16xi32>
    %ne3A_24 = arith.constant 0 : i32
    %ne3A_25 = vector.broadcast %ne3A_24 : i32 to vector<16xi32>
    %ne3A_26 = arith.cmpi ne, %rem3A_23, %ne3A_25 : vector<16xi32>
    %and3A = arith.andi %ne3A_22, %ne3A_26 : vector<16xi1>
    %sub3A = arith.constant 1 : i32
    %sub3A_27 = vector.broadcast %sub3A : i32 to vector<16xi32>
    %sub3A_28 = arith.subi %div3A_6, %sub3A_27 : vector<16xi32>
    %select_n3A = arith.select %and3A, %sub3A_28, %div3A_6 : vector<16xi1>, vector<16xi32>
    %add3A_29 = arith.constant 16 : i32
    %add3A_30 = vector.broadcast %add3A_29 : i32 to vector<16xi32>
    %add3A_31 = arith.addi %iota3A, %add3A_30 : vector<16xi32>
    %jit3A_32 = arith.constant 8 : i32
    %div3A_33 = vector.broadcast %jit3A_32 : i32 to vector<16xi32>
    %div3A_34 = arith.divsi %add3A_31, %div3A_33 : vector<16xi32>
    %sign3A_35 = arith.constant 0 : i32
    %sign3A_36 = vector.broadcast %sign3A_35 : i32 to vector<16xi32>
    %sign3A_37 = arith.cmpi sgt, %add3A_31, %sign3A_36 : vector<16xi32>
    %sign3A_38 = arith.extui %sign3A_37 : vector<16xi1> to vector<16xi32>
    %sign3A_39 = arith.constant 0 : i32
    %sign3A_40 = vector.broadcast %sign3A_39 : i32 to vector<16xi32>
    %sign3A_41 = arith.cmpi slt, %add3A_31, %sign3A_40 : vector<16xi32>
    %sign3A_42 = arith.extui %sign3A_41 : vector<16xi1> to vector<16xi32>
    %sign3A_43 = arith.subi %sign3A_38, %sign3A_42 : vector<16xi32>
    %sign3A_44 = arith.constant 0 : i32
    %sign3A_45 = arith.cmpi sgt, %jit3A_32, %sign3A_44 : i32
    %sign3A_46 = arith.extui %sign3A_45 : i1 to i32
    %sign3A_47 = arith.constant 0 : i32
    %sign3A_48 = arith.cmpi slt, %jit3A_32, %sign3A_47 : i32
    %sign3A_49 = arith.extui %sign3A_48 : i1 to i32
    %sign3A_50 = arith.subi %sign3A_46, %sign3A_49 : i32
    %ne3A_51 = vector.broadcast %sign3A_50 : i32 to vector<16xi32>
    %ne3A_52 = arith.cmpi ne, %sign3A_43, %ne3A_51 : vector<16xi32>
    %rem3A_53 = vector.broadcast %jit3A_32 : i32 to vector<16xi32>
    %rem3A_54 = arith.remsi %add3A_31, %rem3A_53 : vector<16xi32>
    %ne3A_55 = arith.constant 0 : i32
    %ne3A_56 = vector.broadcast %ne3A_55 : i32 to vector<16xi32>
    %ne3A_57 = arith.cmpi ne, %rem3A_54, %ne3A_56 : vector<16xi32>
    %and3A_58 = arith.andi %ne3A_52, %ne3A_57 : vector<16xi1>
    %sub3A_59 = arith.constant 1 : i32
    %sub3A_60 = vector.broadcast %sub3A_59 : i32 to vector<16xi32>
    %sub3A_61 = arith.subi %div3A_34, %sub3A_60 : vector<16xi32>
    %select_n3A_62 = arith.select %and3A_58, %sub3A_61, %div3A_34 : vector<16xi1>, vector<16xi32>
    %add3A_63 = arith.constant 32 : i32
    %add3A_64 = vector.broadcast %add3A_63 : i32 to vector<16xi32>
    %add3A_65 = arith.addi %iota3A, %add3A_64 : vector<16xi32>
    %jit3A_66 = arith.constant 8 : i32
    %div3A_67 = vector.broadcast %jit3A_66 : i32 to vector<16xi32>
    %div3A_68 = arith.divsi %add3A_65, %div3A_67 : vector<16xi32>
    %sign3A_69 = arith.constant 0 : i32
    %sign3A_70 = vector.broadcast %sign3A_69 : i32 to vector<16xi32>
    %sign3A_71 = arith.cmpi sgt, %add3A_65, %sign3A_70 : vector<16xi32>
    %sign3A_72 = arith.extui %sign3A_71 : vector<16xi1> to vector<16xi32>
    %sign3A_73 = arith.constant 0 : i32
    %sign3A_74 = vector.broadcast %sign3A_73 : i32 to vector<16xi32>
    %sign3A_75 = arith.cmpi slt, %add3A_65, %sign3A_74 : vector<16xi32>
    %sign3A_76 = arith.extui %sign3A_75 : vector<16xi1> to vector<16xi32>
    %sign3A_77 = arith.subi %sign3A_72, %sign3A_76 : vector<16xi32>
    %sign3A_78 = arith.constant 0 : i32
    %sign3A_79 = arith.cmpi sgt, %jit3A_66, %sign3A_78 : i32
    %sign3A_80 = arith.extui %sign3A_79 : i1 to i32
    %sign3A_81 = arith.constant 0 : i32
    %sign3A_82 = arith.cmpi slt, %jit3A_66, %sign3A_81 : i32
    %sign3A_83 = arith.extui %sign3A_82 : i1 to i32
    %sign3A_84 = arith.subi %sign3A_80, %sign3A_83 : i32
    %ne3A_85 = vector.broadcast %sign3A_84 : i32 to vector<16xi32>
    %ne3A_86 = arith.cmpi ne, %sign3A_77, %ne3A_85 : vector<16xi32>
    %rem3A_87 = vector.broadcast %jit3A_66 : i32 to vector<16xi32>
    %rem3A_88 = arith.remsi %add3A_65, %rem3A_87 : vector<16xi32>
    %ne3A_89 = arith.constant 0 : i32
    %ne3A_90 = vector.broadcast %ne3A_89 : i32 to vector<16xi32>
    %ne3A_91 = arith.cmpi ne, %rem3A_88, %ne3A_90 : vector<16xi32>
    %and3A_92 = arith.andi %ne3A_86, %ne3A_91 : vector<16xi1>
    %sub3A_93 = arith.constant 1 : i32
    %sub3A_94 = vector.broadcast %sub3A_93 : i32 to vector<16xi32>
    %sub3A_95 = arith.subi %div3A_68, %sub3A_94 : vector<16xi32>
    %select_n3A_96 = arith.select %and3A_92, %sub3A_95, %div3A_68 : vector<16xi1>, vector<16xi32>
    %add3A_97 = arith.constant 48 : i32
    %add3A_98 = vector.broadcast %add3A_97 : i32 to vector<16xi32>
    %add3A_99 = arith.addi %iota3A, %add3A_98 : vector<16xi32>
    %jit3A_100 = arith.constant 8 : i32
    %div3A_101 = vector.broadcast %jit3A_100 : i32 to vector<16xi32>
    %div3A_102 = arith.divsi %add3A_99, %div3A_101 : vector<16xi32>
    %sign3A_103 = arith.constant 0 : i32
    %sign3A_104 = vector.broadcast %sign3A_103 : i32 to vector<16xi32>
    %sign3A_105 = arith.cmpi sgt, %add3A_99, %sign3A_104 : vector<16xi32>
    %sign3A_106 = arith.extui %sign3A_105 : vector<16xi1> to vector<16xi32>
    %sign3A_107 = arith.constant 0 : i32
    %sign3A_108 = vector.broadcast %sign3A_107 : i32 to vector<16xi32>
    %sign3A_109 = arith.cmpi slt, %add3A_99, %sign3A_108 : vector<16xi32>
    %sign3A_110 = arith.extui %sign3A_109 : vector<16xi1> to vector<16xi32>
    %sign3A_111 = arith.subi %sign3A_106, %sign3A_110 : vector<16xi32>
    %sign3A_112 = arith.constant 0 : i32
    %sign3A_113 = arith.cmpi sgt, %jit3A_100, %sign3A_112 : i32
    %sign3A_114 = arith.extui %sign3A_113 : i1 to i32
    %sign3A_115 = arith.constant 0 : i32
    %sign3A_116 = arith.cmpi slt, %jit3A_100, %sign3A_115 : i32
    %sign3A_117 = arith.extui %sign3A_116 : i1 to i32
    %sign3A_118 = arith.subi %sign3A_114, %sign3A_117 : i32
    %ne3A_119 = vector.broadcast %sign3A_118 : i32 to vector<16xi32>
    %ne3A_120 = arith.cmpi ne, %sign3A_111, %ne3A_119 : vector<16xi32>
    %rem3A_121 = vector.broadcast %jit3A_100 : i32 to vector<16xi32>
    %rem3A_122 = arith.remsi %add3A_99, %rem3A_121 : vector<16xi32>
    %ne3A_123 = arith.constant 0 : i32
    %ne3A_124 = vector.broadcast %ne3A_123 : i32 to vector<16xi32>
    %ne3A_125 = arith.cmpi ne, %rem3A_122, %ne3A_124 : vector<16xi32>
    %and3A_126 = arith.andi %ne3A_120, %ne3A_125 : vector<16xi1>
    %sub3A_127 = arith.constant 1 : i32
    %sub3A_128 = vector.broadcast %sub3A_127 : i32 to vector<16xi32>
    %sub3A_129 = arith.subi %div3A_102, %sub3A_128 : vector<16xi32>
    %select_n3A_130 = arith.select %and3A_126, %sub3A_129, %div3A_102 : vector<16xi1>, vector<16xi32>
    %add3A_131 = arith.constant 0 : i32
    %add3A_132 = vector.broadcast %add3A_131 : i32 to vector<16xi32>
    %add3A_133 = arith.addi %iota3A, %add3A_132 : vector<16xi32>
    %rem3A_134 = arith.constant 8 : i32
    %rem3A_135 = vector.broadcast %rem3A_134 : i32 to vector<16xi32>
    %rem3A_136 = arith.remsi %add3A_133, %rem3A_135 : vector<16xi32>
    %add3A_137 = arith.constant 16 : i32
    %add3A_138 = vector.broadcast %add3A_137 : i32 to vector<16xi32>
    %add3A_139 = arith.addi %iota3A, %add3A_138 : vector<16xi32>
    %rem3A_140 = arith.constant 8 : i32
    %rem3A_141 = vector.broadcast %rem3A_140 : i32 to vector<16xi32>
    %rem3A_142 = arith.remsi %add3A_139, %rem3A_141 : vector<16xi32>
    %add3A_143 = arith.constant 32 : i32
    %add3A_144 = vector.broadcast %add3A_143 : i32 to vector<16xi32>
    %add3A_145 = arith.addi %iota3A, %add3A_144 : vector<16xi32>
    %rem3A_146 = arith.constant 8 : i32
    %rem3A_147 = vector.broadcast %rem3A_146 : i32 to vector<16xi32>
    %rem3A_148 = arith.remsi %add3A_145, %rem3A_147 : vector<16xi32>
    %add3A_149 = arith.constant 48 : i32
    %add3A_150 = vector.broadcast %add3A_149 : i32 to vector<16xi32>
    %add3A_151 = arith.addi %iota3A, %add3A_150 : vector<16xi32>
    %rem3A_152 = arith.constant 8 : i32
    %rem3A_153 = vector.broadcast %rem3A_152 : i32 to vector<16xi32>
    %rem3A_154 = arith.remsi %add3A_151, %rem3A_153 : vector<16xi32>
    %broadcast_in_dim3A = arith.constant 0 : i32
    %broadcast_in_dim3A_155 = vector.broadcast %broadcast_in_dim3A : i32 to vector<16xi32>
    %broadcast_in_dim3A_156 = arith.constant 1 : i32
    %broadcast_in_dim3A_157 = vector.broadcast %broadcast_in_dim3A_156 : i32 to vector<16xi32>
    %jit3A_158 = arith.constant 16 : i32
    %div3A_159 = arith.divsi %mul3A_2, %jit3A_158 : i32
    %sign3A_160 = arith.constant 0 : i32
    %sign3A_161 = arith.cmpi sgt, %mul3A_2, %sign3A_160 : i32
    %sign3A_162 = arith.extui %sign3A_161 : i1 to i32
    %sign3A_163 = arith.constant 0 : i32
    %sign3A_164 = arith.cmpi slt, %mul3A_2, %sign3A_163 : i32
    %sign3A_165 = arith.extui %sign3A_164 : i1 to i32
    %sign3A_166 = arith.subi %sign3A_162, %sign3A_165 : i32
    %sign3A_167 = arith.constant 0 : i32
    %sign3A_168 = arith.cmpi sgt, %jit3A_158, %sign3A_167 : i32
    %sign3A_169 = arith.extui %sign3A_168 : i1 to i32
    %sign3A_170 = arith.constant 0 : i32
    %sign3A_171 = arith.cmpi slt, %jit3A_158, %sign3A_170 : i32
    %sign3A_172 = arith.extui %sign3A_171 : i1 to i32
    %sign3A_173 = arith.subi %sign3A_169, %sign3A_172 : i32
    %ne3A_174 = arith.cmpi ne, %sign3A_166, %sign3A_173 : i32
    %rem3A_175 = arith.remsi %mul3A_2, %jit3A_158 : i32
    %ne3A_176 = arith.constant 0 : i32
    %ne3A_177 = arith.cmpi ne, %rem3A_175, %ne3A_176 : i32
    %and3A_178 = arith.andi %ne3A_174, %ne3A_177 : i1
    %sub3A_179 = arith.constant 1 : i32
    %sub3A_180 = arith.subi %div3A_159, %sub3A_179 : i32
    %select_n3A_181 = arith.select %and3A_178, %sub3A_180, %div3A_159 : i32
    %rem3A_182 = arith.constant 16 : i32
    %rem3A_183 = arith.remsi %mul3A_2, %rem3A_182 : i32
    %mul3A_184 = arith.constant 2 : i32
    %mul3A_185 = arith.muli %mul3A_184, %rem3A_183 : i32
    %dma_start3A = arith.constant 0 : i32
    %dma_start3A_186 = arith.constant 0 : i32
    %dma_start3A_187 = arith.constant 0 : i32
    %dma_start3A_188 = arith.constant 0 : i32
    %dma_start3A_189 = tpu.memref_slice %arg6[%dma_start3A, %dma_start3A_187, %dma_start3A_188] : memref<2x2x128xi32, #tpu.memory_space<vmem>> -> memref<1x2x128xi32, #tpu.memory_space<vmem>>
    %dma_start3A_190 = tpu.memref_squeeze %dma_start3A_189 : memref<1x2x128xi32, #tpu.memory_space<vmem>> -> memref<2x128xi32, #tpu.memory_space<vmem>>
    %dma_start3A_191 = arith.constant 0 : i32
    %dma_start3A_192 = tpu.memref_slice %arg2[%select_n3A_181, %mul3A_185, %dma_start3A_191] : memref<200x32x128xi32, #tpu.memory_space<hbm>> -> memref<1x2x128xi32, #tpu.memory_space<hbm>>
    %dma_start3A_193 = tpu.memref_squeeze %dma_start3A_192 : memref<1x2x128xi32, #tpu.memory_space<hbm>> -> memref<2x128xi32, #tpu.memory_space<hbm>>
    %dma_start3A_194 = tpu.memref_slice %arg10[%dma_start3A_186] : memref<2x!tpu.dma_semaphore, #tpu.memory_space<semaphore_mem>> -> memref<1x!tpu.dma_semaphore, #tpu.memory_space<semaphore_mem>>
    %dma_start3A_195 = tpu.memref_squeeze %dma_start3A_194 : memref<1x!tpu.dma_semaphore, #tpu.memory_space<semaphore_mem>> -> memref<!tpu.dma_semaphore, #tpu.memory_space<semaphore_mem>>
    %dma_start3A_196 = arith.constant 0 : i32
    %dma_start3A_197 = arith.constant 0 : i32
    %dma_start3A_198 = tpu.memref_slice %arg6[%dma_start3A, %dma_start3A_196, %dma_start3A_197] : memref<2x2x128xi32, #tpu.memory_space<vmem>> -> memref<1x2x128xi32, #tpu.memory_space<vmem>>
    %dma_start3A_199 = tpu.memref_squeeze %dma_start3A_198 : memref<1x2x128xi32, #tpu.memory_space<vmem>> -> memref<2x128xi32, #tpu.memory_space<vmem>>
    %dma_start3A_200 = arith.constant 0 : i32
    %dma_start3A_201 = tpu.memref_slice %arg2[%select_n3A_181, %mul3A_185, %dma_start3A_200] : memref<200x32x128xi32, #tpu.memory_space<hbm>> -> memref<1x2x128xi32, #tpu.memory_space<hbm>>
    %dma_start3A_202 = tpu.memref_squeeze %dma_start3A_201 : memref<1x2x128xi32, #tpu.memory_space<hbm>> -> memref<2x128xi32, #tpu.memory_space<hbm>>
    tpu.enqueue_dma source(%dma_start3A_202 : memref<2x128xi32, #tpu.memory_space<hbm>>) target(%dma_start3A_199 : memref<2x128xi32, #tpu.memory_space<vmem>>) target_semaphore(%dma_start3A_195 : memref<!tpu.dma_semaphore, #tpu.memory_space<semaphore_mem>>)
    %add3A_203 = arith.constant 1 : i32
    %add3A_204 = arith.addi %mul3A_2, %add3A_203 : i32
    %jit3A_205 = arith.constant 16 : i32
    %div3A_206 = arith.divsi %add3A_204, %jit3A_205 : i32
    %sign3A_207 = arith.constant 0 : i32
    %sign3A_208 = arith.cmpi sgt, %add3A_204, %sign3A_207 : i32
    %sign3A_209 = arith.extui %sign3A_208 : i1 to i32
    %sign3A_210 = arith.constant 0 : i32
    %sign3A_211 = arith.cmpi slt, %add3A_204, %sign3A_210 : i32
    %sign3A_212 = arith.extui %sign3A_211 : i1 to i32
    %sign3A_213 = arith.subi %sign3A_209, %sign3A_212 : i32
    %sign3A_214 = arith.constant 0 : i32
    %sign3A_215 = arith.cmpi sgt, %jit3A_205, %sign3A_214 : i32
    %sign3A_216 = arith.extui %sign3A_215 : i1 to i32
    %sign3A_217 = arith.constant 0 : i32
    %sign3A_218 = arith.cmpi slt, %jit3A_205, %sign3A_217 : i32
    %sign3A_219 = arith.extui %sign3A_218 : i1 to i32
    %sign3A_220 = arith.subi %sign3A_216, %sign3A_219 : i32
    %ne3A_221 = arith.cmpi ne, %sign3A_213, %sign3A_220 : i32
    %rem3A_222 = arith.remsi %add3A_204, %jit3A_205 : i32
    %ne3A_223 = arith.constant 0 : i32
    %ne3A_224 = arith.cmpi ne, %rem3A_222, %ne3A_223 : i32
    %and3A_225 = arith.andi %ne3A_221, %ne3A_224 : i1
    %sub3A_226 = arith.constant 1 : i32
    %sub3A_227 = arith.subi %div3A_206, %sub3A_226 : i32
    %select_n3A_228 = arith.select %and3A_225, %sub3A_227, %div3A_206 : i32
    %rem3A_229 = arith.constant 16 : i32
    %rem3A_230 = arith.remsi %add3A_204, %rem3A_229 : i32
    %mul3A_231 = arith.constant 2 : i32
    %mul3A_232 = arith.muli %mul3A_231, %rem3A_230 : i32
    %dma_start3A_233 = arith.constant 1 : i32
    %dma_start3A_234 = arith.constant 1 : i32
    %dma_start3A_235 = arith.constant 0 : i32
    %dma_start3A_236 = arith.constant 0 : i32
    %dma_start3A_237 = tpu.memref_slice %arg6[%dma_start3A_233, %dma_start3A_235, %dma_start3A_236] : memref<2x2x128xi32, #tpu.memory_space<vmem>> -> memref<1x2x128xi32, #tpu.memory_space<vmem>>
    %dma_start3A_238 = tpu.memref_squeeze %dma_start3A_237 : memref<1x2x128xi32, #tpu.memory_space<vmem>> -> memref<2x128xi32, #tpu.memory_space<vmem>>
    %dma_start3A_239 = arith.constant 0 : i32
    %dma_start3A_240 = tpu.memref_slice %arg2[%select_n3A_228, %mul3A_232, %dma_start3A_239] : memref<200x32x128xi32, #tpu.memory_space<hbm>> -> memref<1x2x128xi32, #tpu.memory_space<hbm>>
    %dma_start3A_241 = tpu.memref_squeeze %dma_start3A_240 : memref<1x2x128xi32, #tpu.memory_space<hbm>> -> memref<2x128xi32, #tpu.memory_space<hbm>>
    %dma_start3A_242 = tpu.memref_slice %arg10[%dma_start3A_234] : memref<2x!tpu.dma_semaphore, #tpu.memory_space<semaphore_mem>> -> memref<1x!tpu.dma_semaphore, #tpu.memory_space<semaphore_mem>>
    %dma_start3A_243 = tpu.memref_squeeze %dma_start3A_242 : memref<1x!tpu.dma_semaphore, #tpu.memory_space<semaphore_mem>> -> memref<!tpu.dma_semaphore, #tpu.memory_space<semaphore_mem>>
    %dma_start3A_244 = arith.constant 0 : i32
    %dma_start3A_245 = arith.constant 0 : i32
    %dma_start3A_246 = tpu.memref_slice %arg6[%dma_start3A_233, %dma_start3A_244, %dma_start3A_245] : memref<2x2x128xi32, #tpu.memory_space<vmem>> -> memref<1x2x128xi32, #tpu.memory_space<vmem>>
    %dma_start3A_247 = tpu.memref_squeeze %dma_start3A_246 : memref<1x2x128xi32, #tpu.memory_space<vmem>> -> memref<2x128xi32, #tpu.memory_space<vmem>>
    %dma_start3A_248 = arith.constant 0 : i32
    %dma_start3A_249 = tpu.memref_slice %arg2[%select_n3A_228, %mul3A_232, %dma_start3A_248] : memref<200x32x128xi32, #tpu.memory_space<hbm>> -> memref<1x2x128xi32, #tpu.memory_space<hbm>>
    %dma_start3A_250 = tpu.memref_squeeze %dma_start3A_249 : memref<1x2x128xi32, #tpu.memory_space<hbm>> -> memref<2x128xi32, #tpu.memory_space<hbm>>
    tpu.enqueue_dma source(%dma_start3A_250 : memref<2x128xi32, #tpu.memory_space<hbm>>) target(%dma_start3A_247 : memref<2x128xi32, #tpu.memory_space<vmem>>) target_semaphore(%dma_start3A_243 : memref<!tpu.dma_semaphore, #tpu.memory_space<semaphore_mem>>)
    %jit3A_251 = arith.constant 16 : i32
    %div3A_252 = arith.divsi %mul3A_2, %jit3A_251 : i32
    %sign3A_253 = arith.constant 0 : i32
    %sign3A_254 = arith.cmpi sgt, %mul3A_2, %sign3A_253 : i32
    %sign3A_255 = arith.extui %sign3A_254 : i1 to i32
    %sign3A_256 = arith.constant 0 : i32
    %sign3A_257 = arith.cmpi slt, %mul3A_2, %sign3A_256 : i32
    %sign3A_258 = arith.extui %sign3A_257 : i1 to i32
    %sign3A_259 = arith.subi %sign3A_255, %sign3A_258 : i32
    %sign3A_260 = arith.constant 0 : i32
    %sign3A_261 = arith.cmpi sgt, %jit3A_251, %sign3A_260 : i32
    %sign3A_262 = arith.extui %sign3A_261 : i1 to i32
    %sign3A_263 = arith.constant 0 : i32
    %sign3A_264 = arith.cmpi slt, %jit3A_251, %sign3A_263 : i32
    %sign3A_265 = arith.extui %sign3A_264 : i1 to i32
    %sign3A_266 = arith.subi %sign3A_262, %sign3A_265 : i32
    %ne3A_267 = arith.cmpi ne, %sign3A_259, %sign3A_266 : i32
    %rem3A_268 = arith.remsi %mul3A_2, %jit3A_251 : i32
    %ne3A_269 = arith.constant 0 : i32
    %ne3A_270 = arith.cmpi ne, %rem3A_268, %ne3A_269 : i32
    %and3A_271 = arith.andi %ne3A_267, %ne3A_270 : i1
    %sub3A_272 = arith.constant 1 : i32
    %sub3A_273 = arith.subi %div3A_252, %sub3A_272 : i32
    %select_n3A_274 = arith.select %and3A_271, %sub3A_273, %div3A_252 : i32
    %rem3A_275 = arith.constant 16 : i32
    %rem3A_276 = arith.remsi %mul3A_2, %rem3A_275 : i32
    %mul3A_277 = arith.constant 2 : i32
    %mul3A_278 = arith.muli %mul3A_277, %rem3A_276 : i32
    %dma_wait3A = arith.constant 0 : i32
    %dma_wait3A_279 = arith.constant 0 : i32
    %dma_wait3A_280 = arith.constant 0 : i32
    %dma_wait3A_281 = arith.constant 0 : i32
    %dma_wait3A_282 = tpu.memref_slice %arg6[%dma_wait3A, %dma_wait3A_280, %dma_wait3A_281] : memref<2x2x128xi32, #tpu.memory_space<vmem>> -> memref<1x2x128xi32, #tpu.memory_space<vmem>>
    %dma_wait3A_283 = tpu.memref_squeeze %dma_wait3A_282 : memref<1x2x128xi32, #tpu.memory_space<vmem>> -> memref<2x128xi32, #tpu.memory_space<vmem>>
    %dma_wait3A_284 = arith.constant 0 : i32
    %dma_wait3A_285 = tpu.memref_slice %arg2[%select_n3A_274, %mul3A_278, %dma_wait3A_284] : memref<200x32x128xi32, #tpu.memory_space<hbm>> -> memref<1x2x128xi32, #tpu.memory_space<hbm>>
    %dma_wait3A_286 = tpu.memref_squeeze %dma_wait3A_285 : memref<1x2x128xi32, #tpu.memory_space<hbm>> -> memref<2x128xi32, #tpu.memory_space<hbm>>
    %dma_wait3A_287 = tpu.memref_slice %arg10[%dma_wait3A_279] : memref<2x!tpu.dma_semaphore, #tpu.memory_space<semaphore_mem>> -> memref<1x!tpu.dma_semaphore, #tpu.memory_space<semaphore_mem>>
    %dma_wait3A_288 = tpu.memref_squeeze %dma_wait3A_287 : memref<1x!tpu.dma_semaphore, #tpu.memory_space<semaphore_mem>> -> memref<!tpu.dma_semaphore, #tpu.memory_space<semaphore_mem>>
    %dma_wait3A_289 = arith.constant 0 : i32
    %dma_wait3A_290 = arith.constant 0 : i32
    %dma_wait3A_291 = tpu.memref_slice %arg6[%dma_wait3A, %dma_wait3A_289, %dma_wait3A_290] : memref<2x2x128xi32, #tpu.memory_space<vmem>> -> memref<1x2x128xi32, #tpu.memory_space<vmem>>
    %dma_wait3A_292 = tpu.memref_squeeze %dma_wait3A_291 : memref<1x2x128xi32, #tpu.memory_space<vmem>> -> memref<2x128xi32, #tpu.memory_space<vmem>>
    %dma_wait3A_293 = arith.constant 0 : i32
    %dma_wait3A_294 = tpu.memref_slice %arg2[%select_n3A_274, %mul3A_278, %dma_wait3A_293] : memref<200x32x128xi32, #tpu.memory_space<hbm>> -> memref<1x2x128xi32, #tpu.memory_space<hbm>>
    %dma_wait3A_295 = tpu.memref_squeeze %dma_wait3A_294 : memref<1x2x128xi32, #tpu.memory_space<hbm>> -> memref<2x128xi32, #tpu.memory_space<hbm>>
    tpu.wait_dma2 semaphore(%dma_wait3A_288 : memref<!tpu.dma_semaphore, #tpu.memory_space<semaphore_mem>>) src(%dma_wait3A_295 : memref<2x128xi32, #tpu.memory_space<hbm>>) dst(%dma_wait3A_292 : memref<2x128xi32, #tpu.memory_space<vmem>>)
    %dma_start3A_296 = arith.constant 0 : i32
    %dma_start3A_297 = arith.constant 0 : i32
    %dma_start3A_298 = arith.constant 0 : i32
    %dma_start3A_299 = arith.constant 0 : i32
    %dma_start3A_300 = arith.constant 0 : i32
    %dma_start3A_301 = arith.constant 0 : i32
    %dma_start3A_302 = tpu.memref_slice %arg7[%dma_start3A_298, %dma_start3A_300, %dma_start3A_301] : memref<2x256x64xf32, #tpu.memory_space<vmem>> -> memref<1x128x64xf32, #tpu.memory_space<vmem>>
    %dma_start3A_303 = tpu.memref_squeeze %dma_start3A_302 : memref<1x128x64xf32, #tpu.memory_space<vmem>> -> memref<128x64xf32, #tpu.memory_space<vmem>>
    %dma_start3A_304 = arith.constant 0 : i32
    %dma_start3A_305 = tpu.memref_slice %arg6[%dma_start3A_296, %dma_start3A_297, %dma_start3A_304] : memref<2x2x128xi32, #tpu.memory_space<vmem>> -> memref<1x1x128xi32, #tpu.memory_space<vmem>>
    %dma_start3A_306 = tpu.memref_squeeze %dma_start3A_305 : memref<1x1x128xi32, #tpu.memory_space<vmem>> -> memref<128xi32, #tpu.memory_space<vmem>>
    %dma_start3A_307 = arith.constant 0 : i32
    %dma_start3A_308 = arith.constant 0 : i32
    %dma_start3A_309 = tpu.memref_slice %arg3[%dma_start3A_307, %dma_start3A_308] : memref<1000000x64xf32, #tpu.memory_space<hbm>> -> memref<1000000x64xf32, #tpu.memory_space<hbm>>
    %dma_start3A_310 = tpu.memref_slice %arg11[%dma_start3A_299] : memref<2x!tpu.dma_semaphore, #tpu.memory_space<semaphore_mem>> -> memref<1x!tpu.dma_semaphore, #tpu.memory_space<semaphore_mem>>
    %dma_start3A_311 = tpu.memref_squeeze %dma_start3A_310 : memref<1x!tpu.dma_semaphore, #tpu.memory_space<semaphore_mem>> -> memref<!tpu.dma_semaphore, #tpu.memory_space<semaphore_mem>>
    tpu.enqueue_indirect_dma source(%dma_start3A_309 : memref<1000000x64xf32, #tpu.memory_space<hbm>>) target(%dma_start3A_303 : memref<128x64xf32, #tpu.memory_space<vmem>>) offsets(%dma_start3A_306 : memref<128xi32, #tpu.memory_space<vmem>>) semaphore(%dma_start3A_311 : memref<!tpu.dma_semaphore, #tpu.memory_space<semaphore_mem>>)
    %dma_start3A_312 = arith.constant 0 : i32
    %dma_start3A_313 = arith.constant 1 : i32
    %dma_start3A_314 = arith.constant 0 : i32
    %dma_start3A_315 = arith.constant 0 : i32
    %dma_start3A_316 = arith.constant 128 : i32
    %dma_start3A_317 = arith.constant 0 : i32
    %dma_start3A_318 = tpu.memref_slice %arg7[%dma_start3A_314, %dma_start3A_316, %dma_start3A_317] : memref<2x256x64xf32, #tpu.memory_space<vmem>> -> memref<1x128x64xf32, #tpu.memory_space<vmem>>
    %dma_start3A_319 = tpu.memref_squeeze %dma_start3A_318 : memref<1x128x64xf32, #tpu.memory_space<vmem>> -> memref<128x64xf32, #tpu.memory_space<vmem>>
    %dma_start3A_320 = arith.constant 0 : i32
    %dma_start3A_321 = tpu.memref_slice %arg6[%dma_start3A_312, %dma_start3A_313, %dma_start3A_320] : memref<2x2x128xi32, #tpu.memory_space<vmem>> -> memref<1x1x128xi32, #tpu.memory_space<vmem>>
    %dma_start3A_322 = tpu.memref_squeeze %dma_start3A_321 : memref<1x1x128xi32, #tpu.memory_space<vmem>> -> memref<128xi32, #tpu.memory_space<vmem>>
    %dma_start3A_323 = arith.constant 0 : i32
    %dma_start3A_324 = arith.constant 0 : i32
    %dma_start3A_325 = tpu.memref_slice %arg3[%dma_start3A_323, %dma_start3A_324] : memref<1000000x64xf32, #tpu.memory_space<hbm>> -> memref<1000000x64xf32, #tpu.memory_space<hbm>>
    %dma_start3A_326 = tpu.memref_slice %arg11[%dma_start3A_315] : memref<2x!tpu.dma_semaphore, #tpu.memory_space<semaphore_mem>> -> memref<1x!tpu.dma_semaphore, #tpu.memory_space<semaphore_mem>>
    %dma_start3A_327 = tpu.memref_squeeze %dma_start3A_326 : memref<1x!tpu.dma_semaphore, #tpu.memory_space<semaphore_mem>> -> memref<!tpu.dma_semaphore, #tpu.memory_space<semaphore_mem>>
    tpu.enqueue_indirect_dma source(%dma_start3A_325 : memref<1000000x64xf32, #tpu.memory_space<hbm>>) target(%dma_start3A_319 : memref<128x64xf32, #tpu.memory_space<vmem>>) offsets(%dma_start3A_322 : memref<128xi32, #tpu.memory_space<vmem>>) semaphore(%dma_start3A_327 : memref<!tpu.dma_semaphore, #tpu.memory_space<semaphore_mem>>)
    %scan3A = arith.constant 0 : i32
    %scan3A_328 = arith.constant 0 : i32
    %scan3A_329 = arith.constant 50 : i32
    %scan3A_330 = arith.addi %scan3A_328, %scan3A_329 : i32
    %scan3A_331 = arith.constant 1 : i32
    scf.for %scan3A_449 = %scan3A_328 to %scan3A_330 step %scan3A_331  : i32 {
      %mul3A_450 = arith.constant 2 : i32
      %mul3A_451 = arith.muli %mul3A_450, %scan3A_449 : i32
      %add3A_452 = arith.addi %mul3A_2, %mul3A_451 : i32
      %add3A_453 = arith.constant 0 : i32
      %add3A_454 = arith.addi %add3A_452, %add3A_453 : i32
      %mul3A_455 = arith.constant 2 : i32
      %mul3A_456 = arith.muli %mul3A_455, %scan3A_449 : i32
      %add3A_457 = arith.constant 0 : i32
      %add3A_458 = arith.addi %mul3A_456, %add3A_457 : i32
      %dma_wait3A_459 = arith.constant 0 : i32
      %dma_wait3A_460 = arith.constant 0 : i32
      %dma_wait3A_461 = arith.constant 0 : i32
      %dma_wait3A_462 = arith.constant 0 : i32
      %dma_wait3A_463 = arith.constant 0 : i32
      %dma_wait3A_464 = arith.constant 0 : i32
      %dma_wait3A_465 = tpu.memref_slice %arg7[%dma_wait3A_461, %dma_wait3A_463, %dma_wait3A_464] : memref<2x256x64xf32, #tpu.memory_space<vmem>> -> memref<1x128x64xf32, #tpu.memory_space<vmem>>
      %dma_wait3A_466 = tpu.memref_squeeze %dma_wait3A_465 : memref<1x128x64xf32, #tpu.memory_space<vmem>> -> memref<128x64xf32, #tpu.memory_space<vmem>>
      %dma_wait3A_467 = arith.constant 0 : i32
      %dma_wait3A_468 = tpu.memref_slice %arg6[%dma_wait3A_459, %dma_wait3A_460, %dma_wait3A_467] : memref<2x2x128xi32, #tpu.memory_space<vmem>> -> memref<1x1x128xi32, #tpu.memory_space<vmem>>
      %dma_wait3A_469 = tpu.memref_squeeze %dma_wait3A_468 : memref<1x1x128xi32, #tpu.memory_space<vmem>> -> memref<128xi32, #tpu.memory_space<vmem>>
      %dma_wait3A_470 = arith.constant 0 : i32
      %dma_wait3A_471 = arith.constant 0 : i32
      %dma_wait3A_472 = tpu.memref_slice %arg3[%dma_wait3A_470, %dma_wait3A_471] : memref<1000000x64xf32, #tpu.memory_space<hbm>> -> memref<1000000x64xf32, #tpu.memory_space<hbm>>
      %dma_wait3A_473 = tpu.memref_slice %arg11[%dma_wait3A_462] : memref<2x!tpu.dma_semaphore, #tpu.memory_space<semaphore_mem>> -> memref<1x!tpu.dma_semaphore, #tpu.memory_space<semaphore_mem>>
      %dma_wait3A_474 = tpu.memref_squeeze %dma_wait3A_473 : memref<1x!tpu.dma_semaphore, #tpu.memory_space<semaphore_mem>> -> memref<!tpu.dma_semaphore, #tpu.memory_space<semaphore_mem>>
      tpu.wait_indirect_dma semaphore(%dma_wait3A_474 : memref<!tpu.dma_semaphore, #tpu.memory_space<semaphore_mem>>) src(%dma_wait3A_472 : memref<1000000x64xf32, #tpu.memory_space<hbm>>) dst(%dma_wait3A_466 : memref<128x64xf32, #tpu.memory_space<vmem>>)
      %dma_wait3A_475 = arith.constant 0 : i32
      %dma_wait3A_476 = arith.constant 1 : i32
      %dma_wait3A_477 = arith.constant 0 : i32
      %dma_wait3A_478 = arith.constant 0 : i32
      %dma_wait3A_479 = arith.constant 128 : i32
      %dma_wait3A_480 = arith.constant 0 : i32
      %dma_wait3A_481 = tpu.memref_slice %arg7[%dma_wait3A_477, %dma_wait3A_479, %dma_wait3A_480] : memref<2x256x64xf32, #tpu.memory_space<vmem>> -> memref<1x128x64xf32, #tpu.memory_space<vmem>>
      %dma_wait3A_482 = tpu.memref_squeeze %dma_wait3A_481 : memref<1x128x64xf32, #tpu.memory_space<vmem>> -> memref<128x64xf32, #tpu.memory_space<vmem>>
      %dma_wait3A_483 = arith.constant 0 : i32
      %dma_wait3A_484 = tpu.memref_slice %arg6[%dma_wait3A_475, %dma_wait3A_476, %dma_wait3A_483] : memref<2x2x128xi32, #tpu.memory_space<vmem>> -> memref<1x1x128xi32, #tpu.memory_space<vmem>>
      %dma_wait3A_485 = tpu.memref_squeeze %dma_wait3A_484 : memref<1x1x128xi32, #tpu.memory_space<vmem>> -> memref<128xi32, #tpu.memory_space<vmem>>
      %dma_wait3A_486 = arith.constant 0 : i32
      %dma_wait3A_487 = arith.constant 0 : i32
      %dma_wait3A_488 = tpu.memref_slice %arg3[%dma_wait3A_486, %dma_wait3A_487] : memref<1000000x64xf32, #tpu.memory_space<hbm>> -> memref<1000000x64xf32, #tpu.memory_space<hbm>>
      %dma_wait3A_489 = tpu.memref_slice %arg11[%dma_wait3A_478] : memref<2x!tpu.dma_semaphore, #tpu.memory_space<semaphore_mem>> -> memref<1x!tpu.dma_semaphore, #tpu.memory_space<semaphore_mem>>
      %dma_wait3A_490 = tpu.memref_squeeze %dma_wait3A_489 : memref<1x!tpu.dma_semaphore, #tpu.memory_space<semaphore_mem>> -> memref<!tpu.dma_semaphore, #tpu.memory_space<semaphore_mem>>
      tpu.wait_indirect_dma semaphore(%dma_wait3A_490 : memref<!tpu.dma_semaphore, #tpu.memory_space<semaphore_mem>>) src(%dma_wait3A_488 : memref<1000000x64xf32, #tpu.memory_space<hbm>>) dst(%dma_wait3A_482 : memref<128x64xf32, #tpu.memory_space<vmem>>)
      %add3A_491 = arith.constant 1 : i32
      %add3A_492 = arith.addi %add3A_458, %add3A_491 : i32
      %lt3A = arith.constant 100 : i32
      %lt3A_493 = arith.cmpi slt, %add3A_492, %lt3A : i32
      %convert_element_type3A = arith.extui %lt3A_493 : i1 to i32
      %cond3A = arith.constant 0 : i32
      %cond3A_494 = arith.cmpi ne, %convert_element_type3A, %cond3A : i32
      scf.if %cond3A_494 {
        %add3A_758 = arith.constant 1 : i32
        %add3A_759 = arith.addi %add3A_454, %add3A_758 : i32
        %jit3A_760 = arith.constant 16 : i32
        %div3A_761 = arith.divsi %add3A_759, %jit3A_760 : i32
        %sign3A_762 = arith.constant 0 : i32
        %sign3A_763 = arith.cmpi sgt, %add3A_759, %sign3A_762 : i32
        %sign3A_764 = arith.extui %sign3A_763 : i1 to i32
        %sign3A_765 = arith.constant 0 : i32
        %sign3A_766 = arith.cmpi slt, %add3A_759, %sign3A_765 : i32
        %sign3A_767 = arith.extui %sign3A_766 : i1 to i32
        %sign3A_768 = arith.subi %sign3A_764, %sign3A_767 : i32
        %sign3A_769 = arith.constant 0 : i32
        %sign3A_770 = arith.cmpi sgt, %jit3A_760, %sign3A_769 : i32
        %sign3A_771 = arith.extui %sign3A_770 : i1 to i32
        %sign3A_772 = arith.constant 0 : i32
        %sign3A_773 = arith.cmpi slt, %jit3A_760, %sign3A_772 : i32
        %sign3A_774 = arith.extui %sign3A_773 : i1 to i32
        %sign3A_775 = arith.subi %sign3A_771, %sign3A_774 : i32
        %ne3A_776 = arith.cmpi ne, %sign3A_768, %sign3A_775 : i32
        %rem3A_777 = arith.remsi %add3A_759, %jit3A_760 : i32
        %ne3A_778 = arith.constant 0 : i32
        %ne3A_779 = arith.cmpi ne, %rem3A_777, %ne3A_778 : i32
        %and3A_780 = arith.andi %ne3A_776, %ne3A_779 : i1
        %sub3A_781 = arith.constant 1 : i32
        %sub3A_782 = arith.subi %div3A_761, %sub3A_781 : i32
        %select_n3A_783 = arith.select %and3A_780, %sub3A_782, %div3A_761 : i32
        %rem3A_784 = arith.constant 16 : i32
        %rem3A_785 = arith.remsi %add3A_759, %rem3A_784 : i32
        %mul3A_786 = arith.constant 2 : i32
        %mul3A_787 = arith.muli %mul3A_786, %rem3A_785 : i32
        %dma_wait3A_788 = arith.constant 1 : i32
        %dma_wait3A_789 = arith.constant 1 : i32
        %dma_wait3A_790 = arith.constant 0 : i32
        %dma_wait3A_791 = arith.constant 0 : i32
        %dma_wait3A_792 = tpu.memref_slice %arg6[%dma_wait3A_788, %dma_wait3A_790, %dma_wait3A_791] : memref<2x2x128xi32, #tpu.memory_space<vmem>> -> memref<1x2x128xi32, #tpu.memory_space<vmem>>
        %dma_wait3A_793 = tpu.memref_squeeze %dma_wait3A_792 : memref<1x2x128xi32, #tpu.memory_space<vmem>> -> memref<2x128xi32, #tpu.memory_space<vmem>>
        %dma_wait3A_794 = arith.constant 0 : i32
        %dma_wait3A_795 = tpu.memref_slice %arg2[%select_n3A_783, %mul3A_787, %dma_wait3A_794] : memref<200x32x128xi32, #tpu.memory_space<hbm>> -> memref<1x2x128xi32, #tpu.memory_space<hbm>>
        %dma_wait3A_796 = tpu.memref_squeeze %dma_wait3A_795 : memref<1x2x128xi32, #tpu.memory_space<hbm>> -> memref<2x128xi32, #tpu.memory_space<hbm>>
        %dma_wait3A_797 = tpu.memref_slice %arg10[%dma_wait3A_789] : memref<2x!tpu.dma_semaphore, #tpu.memory_space<semaphore_mem>> -> memref<1x!tpu.dma_semaphore, #tpu.memory_space<semaphore_mem>>
        %dma_wait3A_798 = tpu.memref_squeeze %dma_wait3A_797 : memref<1x!tpu.dma_semaphore, #tpu.memory_space<semaphore_mem>> -> memref<!tpu.dma_semaphore, #tpu.memory_space<semaphore_mem>>
        %dma_wait3A_799 = arith.constant 0 : i32
        %dma_wait3A_800 = arith.constant 0 : i32
        %dma_wait3A_801 = tpu.memref_slice %arg6[%dma_wait3A_788, %dma_wait3A_799, %dma_wait3A_800] : memref<2x2x128xi32, #tpu.memory_space<vmem>> -> memref<1x2x128xi32, #tpu.memory_space<vmem>>
        %dma_wait3A_802 = tpu.memref_squeeze %dma_wait3A_801 : memref<1x2x128xi32, #tpu.memory_space<vmem>> -> memref<2x128xi32, #tpu.memory_space<vmem>>
        %dma_wait3A_803 = arith.constant 0 : i32
        %dma_wait3A_804 = tpu.memref_slice %arg2[%select_n3A_783, %mul3A_787, %dma_wait3A_803] : memref<200x32x128xi32, #tpu.memory_space<hbm>> -> memref<1x2x128xi32, #tpu.memory_space<hbm>>
        %dma_wait3A_805 = tpu.memref_squeeze %dma_wait3A_804 : memref<1x2x128xi32, #tpu.memory_space<hbm>> -> memref<2x128xi32, #tpu.memory_space<hbm>>
        tpu.wait_dma2 semaphore(%dma_wait3A_798 : memref<!tpu.dma_semaphore, #tpu.memory_space<semaphore_mem>>) src(%dma_wait3A_805 : memref<2x128xi32, #tpu.memory_space<hbm>>) dst(%dma_wait3A_802 : memref<2x128xi32, #tpu.memory_space<vmem>>)
        %add3A_806 = arith.constant 1 : i32
        %add3A_807 = arith.addi %add3A_454, %add3A_806 : i32
        %dma_start3A_808 = arith.constant 1 : i32
        %dma_start3A_809 = arith.constant 0 : i32
        %dma_start3A_810 = arith.constant 1 : i32
        %dma_start3A_811 = arith.constant 1 : i32
        %dma_start3A_812 = arith.constant 0 : i32
        %dma_start3A_813 = arith.constant 0 : i32
        %dma_start3A_814 = tpu.memref_slice %arg7[%dma_start3A_810, %dma_start3A_812, %dma_start3A_813] : memref<2x256x64xf32, #tpu.memory_space<vmem>> -> memref<1x128x64xf32, #tpu.memory_space<vmem>>
        %dma_start3A_815 = tpu.memref_squeeze %dma_start3A_814 : memref<1x128x64xf32, #tpu.memory_space<vmem>> -> memref<128x64xf32, #tpu.memory_space<vmem>>
        %dma_start3A_816 = arith.constant 0 : i32
        %dma_start3A_817 = tpu.memref_slice %arg6[%dma_start3A_808, %dma_start3A_809, %dma_start3A_816] : memref<2x2x128xi32, #tpu.memory_space<vmem>> -> memref<1x1x128xi32, #tpu.memory_space<vmem>>
        %dma_start3A_818 = tpu.memref_squeeze %dma_start3A_817 : memref<1x1x128xi32, #tpu.memory_space<vmem>> -> memref<128xi32, #tpu.memory_space<vmem>>
        %dma_start3A_819 = arith.constant 0 : i32
        %dma_start3A_820 = arith.constant 0 : i32
        %dma_start3A_821 = tpu.memref_slice %arg3[%dma_start3A_819, %dma_start3A_820] : memref<1000000x64xf32, #tpu.memory_space<hbm>> -> memref<1000000x64xf32, #tpu.memory_space<hbm>>
        %dma_start3A_822 = tpu.memref_slice %arg11[%dma_start3A_811] : memref<2x!tpu.dma_semaphore, #tpu.memory_space<semaphore_mem>> -> memref<1x!tpu.dma_semaphore, #tpu.memory_space<semaphore_mem>>
        %dma_start3A_823 = tpu.memref_squeeze %dma_start3A_822 : memref<1x!tpu.dma_semaphore, #tpu.memory_space<semaphore_mem>> -> memref<!tpu.dma_semaphore, #tpu.memory_space<semaphore_mem>>
        tpu.enqueue_indirect_dma source(%dma_start3A_821 : memref<1000000x64xf32, #tpu.memory_space<hbm>>) target(%dma_start3A_815 : memref<128x64xf32, #tpu.memory_space<vmem>>) offsets(%dma_start3A_818 : memref<128xi32, #tpu.memory_space<vmem>>) semaphore(%dma_start3A_823 : memref<!tpu.dma_semaphore, #tpu.memory_space<semaphore_mem>>)
        %add3A_824 = arith.constant 1 : i32
        %add3A_825 = arith.addi %add3A_454, %add3A_824 : i32
        %dma_start3A_826 = arith.constant 1 : i32
        %dma_start3A_827 = arith.constant 1 : i32
        %dma_start3A_828 = arith.constant 1 : i32
        %dma_start3A_829 = arith.constant 1 : i32
        %dma_start3A_830 = arith.constant 128 : i32
        %dma_start3A_831 = arith.constant 0 : i32
        %dma_start3A_832 = tpu.memref_slice %arg7[%dma_start3A_828, %dma_start3A_830, %dma_start3A_831] : memref<2x256x64xf32, #tpu.memory_space<vmem>> -> memref<1x128x64xf32, #tpu.memory_space<vmem>>
        %dma_start3A_833 = tpu.memref_squeeze %dma_start3A_832 : memref<1x128x64xf32, #tpu.memory_space<vmem>> -> memref<128x64xf32, #tpu.memory_space<vmem>>
        %dma_start3A_834 = arith.constant 0 : i32
        %dma_start3A_835 = tpu.memref_slice %arg6[%dma_start3A_826, %dma_start3A_827, %dma_start3A_834] : memref<2x2x128xi32, #tpu.memory_space<vmem>> -> memref<1x1x128xi32, #tpu.memory_space<vmem>>
        %dma_start3A_836 = tpu.memref_squeeze %dma_start3A_835 : memref<1x1x128xi32, #tpu.memory_space<vmem>> -> memref<128xi32, #tpu.memory_space<vmem>>
        %dma_start3A_837 = arith.constant 0 : i32
        %dma_start3A_838 = arith.constant 0 : i32
        %dma_start3A_839 = tpu.memref_slice %arg3[%dma_start3A_837, %dma_start3A_838] : memref<1000000x64xf32, #tpu.memory_space<hbm>> -> memref<1000000x64xf32, #tpu.memory_space<hbm>>
        %dma_start3A_840 = tpu.memref_slice %arg11[%dma_start3A_829] : memref<2x!tpu.dma_semaphore, #tpu.memory_space<semaphore_mem>> -> memref<1x!tpu.dma_semaphore, #tpu.memory_space<semaphore_mem>>
        %dma_start3A_841 = tpu.memref_squeeze %dma_start3A_840 : memref<1x!tpu.dma_semaphore, #tpu.memory_space<semaphore_mem>> -> memref<!tpu.dma_semaphore, #tpu.memory_space<semaphore_mem>>
        tpu.enqueue_indirect_dma source(%dma_start3A_839 : memref<1000000x64xf32, #tpu.memory_space<hbm>>) target(%dma_start3A_833 : memref<128x64xf32, #tpu.memory_space<vmem>>) offsets(%dma_start3A_836 : memref<128xi32, #tpu.memory_space<vmem>>) semaphore(%dma_start3A_841 : memref<!tpu.dma_semaphore, #tpu.memory_space<semaphore_mem>>)
      } else {
      }
      %add3A_495 = arith.constant 2 : i32
      %add3A_496 = arith.addi %add3A_458, %add3A_495 : i32
      %lt3A_497 = arith.constant 100 : i32
      %lt3A_498 = arith.cmpi slt, %add3A_496, %lt3A_497 : i32
      %convert_element_type3A_499 = arith.extui %lt3A_498 : i1 to i32
      %cond3A_500 = arith.constant 0 : i32
      %cond3A_501 = arith.cmpi ne, %convert_element_type3A_499, %cond3A_500 : i32
      scf.if %cond3A_501 {
        %add3A_758 = arith.constant 2 : i32
        %add3A_759 = arith.addi %add3A_454, %add3A_758 : i32
        %jit3A_760 = arith.constant 16 : i32
        %div3A_761 = arith.divsi %add3A_759, %jit3A_760 : i32
        %sign3A_762 = arith.constant 0 : i32
        %sign3A_763 = arith.cmpi sgt, %add3A_759, %sign3A_762 : i32
        %sign3A_764 = arith.extui %sign3A_763 : i1 to i32
        %sign3A_765 = arith.constant 0 : i32
        %sign3A_766 = arith.cmpi slt, %add3A_759, %sign3A_765 : i32
        %sign3A_767 = arith.extui %sign3A_766 : i1 to i32
        %sign3A_768 = arith.subi %sign3A_764, %sign3A_767 : i32
        %sign3A_769 = arith.constant 0 : i32
        %sign3A_770 = arith.cmpi sgt, %jit3A_760, %sign3A_769 : i32
        %sign3A_771 = arith.extui %sign3A_770 : i1 to i32
        %sign3A_772 = arith.constant 0 : i32
        %sign3A_773 = arith.cmpi slt, %jit3A_760, %sign3A_772 : i32
        %sign3A_774 = arith.extui %sign3A_773 : i1 to i32
        %sign3A_775 = arith.subi %sign3A_771, %sign3A_774 : i32
        %ne3A_776 = arith.cmpi ne, %sign3A_768, %sign3A_775 : i32
        %rem3A_777 = arith.remsi %add3A_759, %jit3A_760 : i32
        %ne3A_778 = arith.constant 0 : i32
        %ne3A_779 = arith.cmpi ne, %rem3A_777, %ne3A_778 : i32
        %and3A_780 = arith.andi %ne3A_776, %ne3A_779 : i1
        %sub3A_781 = arith.constant 1 : i32
        %sub3A_782 = arith.subi %div3A_761, %sub3A_781 : i32
        %select_n3A_783 = arith.select %and3A_780, %sub3A_782, %div3A_761 : i32
        %rem3A_784 = arith.constant 16 : i32
        %rem3A_785 = arith.remsi %add3A_759, %rem3A_784 : i32
        %mul3A_786 = arith.constant 2 : i32
        %mul3A_787 = arith.muli %mul3A_786, %rem3A_785 : i32
        %dma_start3A_788 = arith.constant 0 : i32
        %dma_start3A_789 = arith.constant 0 : i32
        %dma_start3A_790 = arith.constant 0 : i32
        %dma_start3A_791 = arith.constant 0 : i32
        %dma_start3A_792 = tpu.memref_slice %arg6[%dma_start3A_788, %dma_start3A_790, %dma_start3A_791] : memref<2x2x128xi32, #tpu.memory_space<vmem>> -> memref<1x2x128xi32, #tpu.memory_space<vmem>>
        %dma_start3A_793 = tpu.memref_squeeze %dma_start3A_792 : memref<1x2x128xi32, #tpu.memory_space<vmem>> -> memref<2x128xi32, #tpu.memory_space<vmem>>
        %dma_start3A_794 = arith.constant 0 : i32
        %dma_start3A_795 = tpu.memref_slice %arg2[%select_n3A_783, %mul3A_787, %dma_start3A_794] : memref<200x32x128xi32, #tpu.memory_space<hbm>> -> memref<1x2x128xi32, #tpu.memory_space<hbm>>
        %dma_start3A_796 = tpu.memref_squeeze %dma_start3A_795 : memref<1x2x128xi32, #tpu.memory_space<hbm>> -> memref<2x128xi32, #tpu.memory_space<hbm>>
        %dma_start3A_797 = tpu.memref_slice %arg10[%dma_start3A_789] : memref<2x!tpu.dma_semaphore, #tpu.memory_space<semaphore_mem>> -> memref<1x!tpu.dma_semaphore, #tpu.memory_space<semaphore_mem>>
        %dma_start3A_798 = tpu.memref_squeeze %dma_start3A_797 : memref<1x!tpu.dma_semaphore, #tpu.memory_space<semaphore_mem>> -> memref<!tpu.dma_semaphore, #tpu.memory_space<semaphore_mem>>
        %dma_start3A_799 = arith.constant 0 : i32
        %dma_start3A_800 = arith.constant 0 : i32
        %dma_start3A_801 = tpu.memref_slice %arg6[%dma_start3A_788, %dma_start3A_799, %dma_start3A_800] : memref<2x2x128xi32, #tpu.memory_space<vmem>> -> memref<1x2x128xi32, #tpu.memory_space<vmem>>
        %dma_start3A_802 = tpu.memref_squeeze %dma_start3A_801 : memref<1x2x128xi32, #tpu.memory_space<vmem>> -> memref<2x128xi32, #tpu.memory_space<vmem>>
        %dma_start3A_803 = arith.constant 0 : i32
        %dma_start3A_804 = tpu.memref_slice %arg2[%select_n3A_783, %mul3A_787, %dma_start3A_803] : memref<200x32x128xi32, #tpu.memory_space<hbm>> -> memref<1x2x128xi32, #tpu.memory_space<hbm>>
        %dma_start3A_805 = tpu.memref_squeeze %dma_start3A_804 : memref<1x2x128xi32, #tpu.memory_space<hbm>> -> memref<2x128xi32, #tpu.memory_space<hbm>>
        tpu.enqueue_dma source(%dma_start3A_805 : memref<2x128xi32, #tpu.memory_space<hbm>>) target(%dma_start3A_802 : memref<2x128xi32, #tpu.memory_space<vmem>>) target_semaphore(%dma_start3A_798 : memref<!tpu.dma_semaphore, #tpu.memory_space<semaphore_mem>>)
      } else {
      }
      %ge3A = arith.constant 2 : i32
      %ge3A_502 = arith.cmpi sge, %add3A_458, %ge3A : i32
      %convert_element_type3A_503 = arith.extui %ge3A_502 : i1 to i32
      %cond3A_504 = arith.constant 0 : i32
      %cond3A_505 = arith.cmpi ne, %convert_element_type3A_503, %cond3A_504 : i32
      scf.if %cond3A_505 {
        %sub3A_758 = arith.constant 2 : i32
        %sub3A_759 = arith.subi %add3A_454, %sub3A_758 : i32
        %jit3A_760 = arith.constant 16 : i32
        %div3A_761 = arith.divsi %sub3A_759, %jit3A_760 : i32
        %sign3A_762 = arith.constant 0 : i32
        %sign3A_763 = arith.cmpi sgt, %sub3A_759, %sign3A_762 : i32
        %sign3A_764 = arith.extui %sign3A_763 : i1 to i32
        %sign3A_765 = arith.constant 0 : i32
        %sign3A_766 = arith.cmpi slt, %sub3A_759, %sign3A_765 : i32
        %sign3A_767 = arith.extui %sign3A_766 : i1 to i32
        %sign3A_768 = arith.subi %sign3A_764, %sign3A_767 : i32
        %sign3A_769 = arith.constant 0 : i32
        %sign3A_770 = arith.cmpi sgt, %jit3A_760, %sign3A_769 : i32
        %sign3A_771 = arith.extui %sign3A_770 : i1 to i32
        %sign3A_772 = arith.constant 0 : i32
        %sign3A_773 = arith.cmpi slt, %jit3A_760, %sign3A_772 : i32
        %sign3A_774 = arith.extui %sign3A_773 : i1 to i32
        %sign3A_775 = arith.subi %sign3A_771, %sign3A_774 : i32
        %ne3A_776 = arith.cmpi ne, %sign3A_768, %sign3A_775 : i32
        %rem3A_777 = arith.remsi %sub3A_759, %jit3A_760 : i32
        %ne3A_778 = arith.constant 0 : i32
        %ne3A_779 = arith.cmpi ne, %rem3A_777, %ne3A_778 : i32
        %and3A_780 = arith.andi %ne3A_776, %ne3A_779 : i1
        %sub3A_781 = arith.constant 1 : i32
        %sub3A_782 = arith.subi %div3A_761, %sub3A_781 : i32
        %select_n3A_783 = arith.select %and3A_780, %sub3A_782, %div3A_761 : i32
        %rem3A_784 = arith.constant 16 : i32
        %rem3A_785 = arith.remsi %sub3A_759, %rem3A_784 : i32
        %mul3A_786 = arith.constant 2 : i32
        %mul3A_787 = arith.muli %mul3A_786, %rem3A_785 : i32
        %dma_wait3A_788 = arith.constant 0 : i32
        %dma_wait3A_789 = arith.constant 0 : i32
        %dma_wait3A_790 = arith.constant 0 : i32
        %dma_wait3A_791 = arith.constant 0 : i32
        %dma_wait3A_792 = arith.constant 0 : i32
        %dma_wait3A_793 = arith.constant 0 : i32
        %dma_wait3A_794 = tpu.memref_slice %arg8[%dma_wait3A_788, %dma_wait3A_790, %dma_wait3A_791, %dma_wait3A_792, %dma_wait3A_793] : memref<2x8x2x8x128xf32, #tpu.memory_space<vmem>> -> memref<1x8x2x8x128xf32, #tpu.memory_space<vmem>>
        %dma_wait3A_795 = tpu.memref_squeeze %dma_wait3A_794 : memref<1x8x2x8x128xf32, #tpu.memory_space<vmem>> -> memref<8x2x8x128xf32, #tpu.memory_space<vmem>>
        %dma_wait3A_796 = arith.constant 0 : i32
        %dma_wait3A_797 = arith.constant 0 : i32
        %dma_wait3A_798 = arith.constant 0 : i32
        %dma_wait3A_799 = tpu.memref_slice %arg5[%select_n3A_783, %dma_wait3A_796, %mul3A_787, %dma_wait3A_797, %dma_wait3A_798] : memref<200x8x32x8x128xf32, #tpu.memory_space<hbm>> -> memref<1x8x2x8x128xf32, #tpu.memory_space<hbm>>
        %dma_wait3A_800 = tpu.memref_squeeze %dma_wait3A_799 : memref<1x8x2x8x128xf32, #tpu.memory_space<hbm>> -> memref<8x2x8x128xf32, #tpu.memory_space<hbm>>
        %dma_wait3A_801 = tpu.memref_slice %arg12[%dma_wait3A_789] : memref<2x!tpu.dma_semaphore, #tpu.memory_space<semaphore_mem>> -> memref<1x!tpu.dma_semaphore, #tpu.memory_space<semaphore_mem>>
        %dma_wait3A_802 = tpu.memref_squeeze %dma_wait3A_801 : memref<1x!tpu.dma_semaphore, #tpu.memory_space<semaphore_mem>> -> memref<!tpu.dma_semaphore, #tpu.memory_space<semaphore_mem>>
        %dma_wait3A_803 = arith.constant 0 : i32
        %dma_wait3A_804 = arith.constant 0 : i32
        %dma_wait3A_805 = arith.constant 0 : i32
        %dma_wait3A_806 = tpu.memref_slice %arg5[%select_n3A_783, %dma_wait3A_803, %mul3A_787, %dma_wait3A_804, %dma_wait3A_805] : memref<200x8x32x8x128xf32, #tpu.memory_space<hbm>> -> memref<1x8x2x8x128xf32, #tpu.memory_space<hbm>>
        %dma_wait3A_807 = tpu.memref_squeeze %dma_wait3A_806 : memref<1x8x2x8x128xf32, #tpu.memory_space<hbm>> -> memref<8x2x8x128xf32, #tpu.memory_space<hbm>>
        %dma_wait3A_808 = arith.constant 0 : i32
        %dma_wait3A_809 = arith.constant 0 : i32
        %dma_wait3A_810 = arith.constant 0 : i32
        %dma_wait3A_811 = arith.constant 0 : i32
        %dma_wait3A_812 = tpu.memref_slice %arg8[%dma_wait3A_788, %dma_wait3A_808, %dma_wait3A_809, %dma_wait3A_810, %dma_wait3A_811] : memref<2x8x2x8x128xf32, #tpu.memory_space<vmem>> -> memref<1x8x2x8x128xf32, #tpu.memory_space<vmem>>
        %dma_wait3A_813 = tpu.memref_squeeze %dma_wait3A_812 : memref<1x8x2x8x128xf32, #tpu.memory_space<vmem>> -> memref<8x2x8x128xf32, #tpu.memory_space<vmem>>
        tpu.wait_dma2 semaphore(%dma_wait3A_802 : memref<!tpu.dma_semaphore, #tpu.memory_space<semaphore_mem>>) src(%dma_wait3A_813 : memref<8x2x8x128xf32, #tpu.memory_space<vmem>>) dst(%dma_wait3A_807 : memref<8x2x8x128xf32, #tpu.memory_space<hbm>>)
      } else {
      }
      %jit3A_506 = arith.constant 16 : i32
      %div3A_507 = arith.divsi %add3A_454, %jit3A_506 : i32
      %sign3A_508 = arith.constant 0 : i32
      %sign3A_509 = arith.cmpi sgt, %add3A_454, %sign3A_508 : i32
      %sign3A_510 = arith.extui %sign3A_509 : i1 to i32
      %sign3A_511 = arith.constant 0 : i32
      %sign3A_512 = arith.cmpi slt, %add3A_454, %sign3A_511 : i32
      %sign3A_513 = arith.extui %sign3A_512 : i1 to i32
      %sign3A_514 = arith.subi %sign3A_510, %sign3A_513 : i32
      %sign3A_515 = arith.constant 0 : i32
      %sign3A_516 = arith.cmpi sgt, %jit3A_506, %sign3A_515 : i32
      %sign3A_517 = arith.extui %sign3A_516 : i1 to i32
      %sign3A_518 = arith.constant 0 : i32
      %sign3A_519 = arith.cmpi slt, %jit3A_506, %sign3A_518 : i32
      %sign3A_520 = arith.extui %sign3A_519 : i1 to i32
      %sign3A_521 = arith.subi %sign3A_517, %sign3A_520 : i32
      %ne3A_522 = arith.cmpi ne, %sign3A_514, %sign3A_521 : i32
      %rem3A_523 = arith.remsi %add3A_454, %jit3A_506 : i32
      %ne3A_524 = arith.constant 0 : i32
      %ne3A_525 = arith.cmpi ne, %rem3A_523, %ne3A_524 : i32
      %and3A_526 = arith.andi %ne3A_522, %ne3A_525 : i1
      %sub3A_527 = arith.constant 1 : i32
      %sub3A_528 = arith.subi %div3A_507, %sub3A_527 : i32
      %select_n3A_529 = arith.select %and3A_526, %sub3A_528, %div3A_507 : i32
      %rem3A_530 = arith.constant 16 : i32
      %rem3A_531 = arith.remsi %add3A_454, %rem3A_530 : i32
      %get3A = arith.index_cast %select_n3A_529 : i32 to index
      %get3A_532 = arith.constant 0 : index
      %get3A_533 = tpu.vector_load %arg9[%get3A, %get3A_532] {strides = array<i32>} : memref<200x64xf32, #tpu.memory_space<vmem>>, vector<16xf32>,
      %get3A_534 = arith.index_cast %select_n3A_529 : i32 to index
      %get3A_535 = arith.constant 16 : index
      %get3A_536 = tpu.vector_load %arg9[%get3A_534, %get3A_535] {strides = array<i32>} : memref<200x64xf32, #tpu.memory_space<vmem>>, vector<16xf32>,
      %get3A_537 = arith.index_cast %select_n3A_529 : i32 to index
      %get3A_538 = arith.constant 32 : index
      %get3A_539 = tpu.vector_load %arg9[%get3A_537, %get3A_538] {strides = array<i32>} : memref<200x64xf32, #tpu.memory_space<vmem>>, vector<16xf32>,
      %get3A_540 = arith.index_cast %select_n3A_529 : i32 to index
      %get3A_541 = arith.constant 48 : index
      %get3A_542 = tpu.vector_load %arg9[%get3A_540, %get3A_541] {strides = array<i32>} : memref<200x64xf32, #tpu.memory_space<vmem>>, vector<16xf32>,
      %parallel_loop3A = arith.constant 0 : i32
      %parallel_loop3A_543 = arith.constant 128 : i32
      %parallel_loop3A_544 = arith.constant 1 : i32
      %parallel_loop3A_545 = arith.constant 0 : i32
      %parallel_loop3A_546 = arith.constant 0 : i32
      scf.for %parallel_loop3A_758 = %parallel_loop3A to %parallel_loop3A_543 step %parallel_loop3A_544  : i32 {
        %parallel_loop3A_759 = vector.broadcast %parallel_loop3A_758 : i32 to vector<16xi32>
        %parallel_loop3A_760 = arith.constant 0 : i32
        %parallel_loop3A_761 = arith.addi %parallel_loop3A_760, %parallel_loop3A_758 : i32
        %parallel_loop3A_762 = arith.constant 0 : i32
        %parallel_loop3A_763 = arith.constant 0 : i32
        %parallel_loop3A_764 = tpu.memref_slice %arg7[%parallel_loop3A_545, %parallel_loop3A_762, %parallel_loop3A_763] : memref<2x256x64xf32, #tpu.memory_space<vmem>> -> memref<1x256x64xf32, #tpu.memory_space<vmem>>
        %parallel_loop3A_765 = tpu.memref_squeeze %parallel_loop3A_764 : memref<1x256x64xf32, #tpu.memory_space<vmem>> -> memref<256x64xf32, #tpu.memory_space<vmem>>
        %parallel_loop3A_766 = arith.index_cast %parallel_loop3A_761 : i32 to index
        %parallel_loop3A_767 = arith.constant 0 : index
        %parallel_loop3A_768 = tpu.vector_load %parallel_loop3A_765[%parallel_loop3A_766, %parallel_loop3A_767] {strides = array<i32>} : memref<256x64xf32, #tpu.memory_space<vmem>>, vector<16xf32>,
        %parallel_loop3A_769 = arith.addf %parallel_loop3A_768, %get3A_533 : vector<16xf32>
        %parallel_loop3A_770 = arith.constant 0 : i32
        %parallel_loop3A_771 = arith.constant 0 : i32
        %parallel_loop3A_772 = arith.constant 0 : i32
        %parallel_loop3A_773 = arith.constant 0 : i32
        %parallel_loop3A_774 = tpu.memref_slice %arg8[%parallel_loop3A_546, %parallel_loop3A_770, %parallel_loop3A_771, %parallel_loop3A_772, %parallel_loop3A_773] : memref<2x8x2x8x128xf32, #tpu.memory_space<vmem>> -> memref<1x8x2x8x128xf32, #tpu.memory_space<vmem>>
        %parallel_loop3A_775 = tpu.memref_squeeze %parallel_loop3A_774 : memref<1x8x2x8x128xf32, #tpu.memory_space<vmem>> -> memref<8x2x8x128xf32, #tpu.memory_space<vmem>>
        tpu.vector_store_idx %parallel_loop3A_775[%select_n3A, %broadcast_in_dim3A_155, %rem3A_136, %parallel_loop3A_759], %parallel_loop3A_769 : memref<8x2x8x128xf32, #tpu.memory_space<vmem>>[vector<16xi32>, vector<16xi32>, vector<16xi32>, vector<16xi32>], vector<16xf32>,
        %parallel_loop3A_776 = arith.constant 0 : i32
        %parallel_loop3A_777 = arith.constant 0 : i32
        %parallel_loop3A_778 = tpu.memref_slice %arg7[%parallel_loop3A_545, %parallel_loop3A_776, %parallel_loop3A_777] : memref<2x256x64xf32, #tpu.memory_space<vmem>> -> memref<1x256x64xf32, #tpu.memory_space<vmem>>
        %parallel_loop3A_779 = tpu.memref_squeeze %parallel_loop3A_778 : memref<1x256x64xf32, #tpu.memory_space<vmem>> -> memref<256x64xf32, #tpu.memory_space<vmem>>
        %parallel_loop3A_780 = arith.index_cast %parallel_loop3A_761 : i32 to index
        %parallel_loop3A_781 = arith.constant 16 : index
        %parallel_loop3A_782 = tpu.vector_load %parallel_loop3A_779[%parallel_loop3A_780, %parallel_loop3A_781] {strides = array<i32>} : memref<256x64xf32, #tpu.memory_space<vmem>>, vector<16xf32>,
        %parallel_loop3A_783 = arith.addf %parallel_loop3A_782, %get3A_536 : vector<16xf32>
        %parallel_loop3A_784 = arith.constant 0 : i32
        %parallel_loop3A_785 = arith.constant 0 : i32
        %parallel_loop3A_786 = arith.constant 0 : i32
        %parallel_loop3A_787 = arith.constant 0 : i32
        %parallel_loop3A_788 = tpu.memref_slice %arg8[%parallel_loop3A_546, %parallel_loop3A_784, %parallel_loop3A_785, %parallel_loop3A_786, %parallel_loop3A_787] : memref<2x8x2x8x128xf32, #tpu.memory_space<vmem>> -> memref<1x8x2x8x128xf32, #tpu.memory_space<vmem>>
        %parallel_loop3A_789 = tpu.memref_squeeze %parallel_loop3A_788 : memref<1x8x2x8x128xf32, #tpu.memory_space<vmem>> -> memref<8x2x8x128xf32, #tpu.memory_space<vmem>>
        tpu.vector_store_idx %parallel_loop3A_789[%select_n3A_62, %broadcast_in_dim3A_155, %rem3A_142, %parallel_loop3A_759], %parallel_loop3A_783 : memref<8x2x8x128xf32, #tpu.memory_space<vmem>>[vector<16xi32>, vector<16xi32>, vector<16xi32>, vector<16xi32>], vector<16xf32>,
        %parallel_loop3A_790 = arith.constant 0 : i32
        %parallel_loop3A_791 = arith.constant 0 : i32
        %parallel_loop3A_792 = tpu.memref_slice %arg7[%parallel_loop3A_545, %parallel_loop3A_790, %parallel_loop3A_791] : memref<2x256x64xf32, #tpu.memory_space<vmem>> -> memref<1x256x64xf32, #tpu.memory_space<vmem>>
        %parallel_loop3A_793 = tpu.memref_squeeze %parallel_loop3A_792 : memref<1x256x64xf32, #tpu.memory_space<vmem>> -> memref<256x64xf32, #tpu.memory_space<vmem>>
        %parallel_loop3A_794 = arith.index_cast %parallel_loop3A_761 : i32 to index
        %parallel_loop3A_795 = arith.constant 32 : index
        %parallel_loop3A_796 = tpu.vector_load %parallel_loop3A_793[%parallel_loop3A_794, %parallel_loop3A_795] {strides = array<i32>} : memref<256x64xf32, #tpu.memory_space<vmem>>, vector<16xf32>,
        %parallel_loop3A_797 = arith.addf %parallel_loop3A_796, %get3A_539 : vector<16xf32>
        %parallel_loop3A_798 = arith.constant 0 : i32
        %parallel_loop3A_799 = arith.constant 0 : i32
        %parallel_loop3A_800 = arith.constant 0 : i32
        %parallel_loop3A_801 = arith.constant 0 : i32
        %parallel_loop3A_802 = tpu.memref_slice %arg8[%parallel_loop3A_546, %parallel_loop3A_798, %parallel_loop3A_799, %parallel_loop3A_800, %parallel_loop3A_801] : memref<2x8x2x8x128xf32, #tpu.memory_space<vmem>> -> memref<1x8x2x8x128xf32, #tpu.memory_space<vmem>>
        %parallel_loop3A_803 = tpu.memref_squeeze %parallel_loop3A_802 : memref<1x8x2x8x128xf32, #tpu.memory_space<vmem>> -> memref<8x2x8x128xf32, #tpu.memory_space<vmem>>
        tpu.vector_store_idx %parallel_loop3A_803[%select_n3A_96, %broadcast_in_dim3A_155, %rem3A_148, %parallel_loop3A_759], %parallel_loop3A_797 : memref<8x2x8x128xf32, #tpu.memory_space<vmem>>[vector<16xi32>, vector<16xi32>, vector<16xi32>, vector<16xi32>], vector<16xf32>,
        %parallel_loop3A_804 = arith.constant 0 : i32
        %parallel_loop3A_805 = arith.constant 0 : i32
        %parallel_loop3A_806 = tpu.memref_slice %arg7[%parallel_loop3A_545, %parallel_loop3A_804, %parallel_loop3A_805] : memref<2x256x64xf32, #tpu.memory_space<vmem>> -> memref<1x256x64xf32, #tpu.memory_space<vmem>>
        %parallel_loop3A_807 = tpu.memref_squeeze %parallel_loop3A_806 : memref<1x256x64xf32, #tpu.memory_space<vmem>> -> memref<256x64xf32, #tpu.memory_space<vmem>>
        %parallel_loop3A_808 = arith.index_cast %parallel_loop3A_761 : i32 to index
        %parallel_loop3A_809 = arith.constant 48 : index
        %parallel_loop3A_810 = tpu.vector_load %parallel_loop3A_807[%parallel_loop3A_808, %parallel_loop3A_809] {strides = array<i32>} : memref<256x64xf32, #tpu.memory_space<vmem>>, vector<16xf32>,
        %parallel_loop3A_811 = arith.addf %parallel_loop3A_810, %get3A_542 : vector<16xf32>
        %parallel_loop3A_812 = arith.constant 0 : i32
        %parallel_loop3A_813 = arith.constant 0 : i32
        %parallel_loop3A_814 = arith.constant 0 : i32
        %parallel_loop3A_815 = arith.constant 0 : i32
        %parallel_loop3A_816 = tpu.memref_slice %arg8[%parallel_loop3A_546, %parallel_loop3A_812, %parallel_loop3A_813, %parallel_loop3A_814, %parallel_loop3A_815] : memref<2x8x2x8x128xf32, #tpu.memory_space<vmem>> -> memref<1x8x2x8x128xf32, #tpu.memory_space<vmem>>
        %parallel_loop3A_817 = tpu.memref_squeeze %parallel_loop3A_816 : memref<1x8x2x8x128xf32, #tpu.memory_space<vmem>> -> memref<8x2x8x128xf32, #tpu.memory_space<vmem>>
        tpu.vector_store_idx %parallel_loop3A_817[%select_n3A_130, %broadcast_in_dim3A_155, %rem3A_154, %parallel_loop3A_759], %parallel_loop3A_811 : memref<8x2x8x128xf32, #tpu.memory_space<vmem>>[vector<16xi32>, vector<16xi32>, vector<16xi32>, vector<16xi32>], vector<16xf32>,
        %parallel_loop3A_818 = arith.constant 128 : i32
        %parallel_loop3A_819 = arith.addi %parallel_loop3A_818, %parallel_loop3A_758 : i32
        %parallel_loop3A_820 = arith.constant 0 : i32
        %parallel_loop3A_821 = arith.constant 0 : i32
        %parallel_loop3A_822 = tpu.memref_slice %arg7[%parallel_loop3A_545, %parallel_loop3A_820, %parallel_loop3A_821] : memref<2x256x64xf32, #tpu.memory_space<vmem>> -> memref<1x256x64xf32, #tpu.memory_space<vmem>>
        %parallel_loop3A_823 = tpu.memref_squeeze %parallel_loop3A_822 : memref<1x256x64xf32, #tpu.memory_space<vmem>> -> memref<256x64xf32, #tpu.memory_space<vmem>>
        %parallel_loop3A_824 = arith.index_cast %parallel_loop3A_819 : i32 to index
        %parallel_loop3A_825 = arith.constant 0 : index
        %parallel_loop3A_826 = tpu.vector_load %parallel_loop3A_823[%parallel_loop3A_824, %parallel_loop3A_825] {strides = array<i32>} : memref<256x64xf32, #tpu.memory_space<vmem>>, vector<16xf32>,
        %parallel_loop3A_827 = arith.addf %parallel_loop3A_826, %get3A_533 : vector<16xf32>
        %parallel_loop3A_828 = arith.constant 0 : i32
        %parallel_loop3A_829 = arith.constant 0 : i32
        %parallel_loop3A_830 = arith.constant 0 : i32
        %parallel_loop3A_831 = arith.constant 0 : i32
        %parallel_loop3A_832 = tpu.memref_slice %arg8[%parallel_loop3A_546, %parallel_loop3A_828, %parallel_loop3A_829, %parallel_loop3A_830, %parallel_loop3A_831] : memref<2x8x2x8x128xf32, #tpu.memory_space<vmem>> -> memref<1x8x2x8x128xf32, #tpu.memory_space<vmem>>
        %parallel_loop3A_833 = tpu.memref_squeeze %parallel_loop3A_832 : memref<1x8x2x8x128xf32, #tpu.memory_space<vmem>> -> memref<8x2x8x128xf32, #tpu.memory_space<vmem>>
        tpu.vector_store_idx %parallel_loop3A_833[%select_n3A, %broadcast_in_dim3A_157, %rem3A_136, %parallel_loop3A_759], %parallel_loop3A_827 : memref<8x2x8x128xf32, #tpu.memory_space<vmem>>[vector<16xi32>, vector<16xi32>, vector<16xi32>, vector<16xi32>], vector<16xf32>,
        %parallel_loop3A_834 = arith.constant 0 : i32
        %parallel_loop3A_835 = arith.constant 0 : i32
        %parallel_loop3A_836 = tpu.memref_slice %arg7[%parallel_loop3A_545, %parallel_loop3A_834, %parallel_loop3A_835] : memref<2x256x64xf32, #tpu.memory_space<vmem>> -> memref<1x256x64xf32, #tpu.memory_space<vmem>>
        %parallel_loop3A_837 = tpu.memref_squeeze %parallel_loop3A_836 : memref<1x256x64xf32, #tpu.memory_space<vmem>> -> memref<256x64xf32, #tpu.memory_space<vmem>>
        %parallel_loop3A_838 = arith.index_cast %parallel_loop3A_819 : i32 to index
        %parallel_loop3A_839 = arith.constant 16 : index
        %parallel_loop3A_840 = tpu.vector_load %parallel_loop3A_837[%parallel_loop3A_838, %parallel_loop3A_839] {strides = array<i32>} : memref<256x64xf32, #tpu.memory_space<vmem>>, vector<16xf32>,
        %parallel_loop3A_841 = arith.addf %parallel_loop3A_840, %get3A_536 : vector<16xf32>
        %parallel_loop3A_842 = arith.constant 0 : i32
        %parallel_loop3A_843 = arith.constant 0 : i32
        %parallel_loop3A_844 = arith.constant 0 : i32
        %parallel_loop3A_845 = arith.constant 0 : i32
        %parallel_loop3A_846 = tpu.memref_slice %arg8[%parallel_loop3A_546, %parallel_loop3A_842, %parallel_loop3A_843, %parallel_loop3A_844, %parallel_loop3A_845] : memref<2x8x2x8x128xf32, #tpu.memory_space<vmem>> -> memref<1x8x2x8x128xf32, #tpu.memory_space<vmem>>
        %parallel_loop3A_847 = tpu.memref_squeeze %parallel_loop3A_846 : memref<1x8x2x8x128xf32, #tpu.memory_space<vmem>> -> memref<8x2x8x128xf32, #tpu.memory_space<vmem>>
        tpu.vector_store_idx %parallel_loop3A_847[%select_n3A_62, %broadcast_in_dim3A_157, %rem3A_142, %parallel_loop3A_759], %parallel_loop3A_841 : memref<8x2x8x128xf32, #tpu.memory_space<vmem>>[vector<16xi32>, vector<16xi32>, vector<16xi32>, vector<16xi32>], vector<16xf32>,
        %parallel_loop3A_848 = arith.constant 0 : i32
        %parallel_loop3A_849 = arith.constant 0 : i32
        %parallel_loop3A_850 = tpu.memref_slice %arg7[%parallel_loop3A_545, %parallel_loop3A_848, %parallel_loop3A_849] : memref<2x256x64xf32, #tpu.memory_space<vmem>> -> memref<1x256x64xf32, #tpu.memory_space<vmem>>
        %parallel_loop3A_851 = tpu.memref_squeeze %parallel_loop3A_850 : memref<1x256x64xf32, #tpu.memory_space<vmem>> -> memref<256x64xf32, #tpu.memory_space<vmem>>
        %parallel_loop3A_852 = arith.index_cast %parallel_loop3A_819 : i32 to index
        %parallel_loop3A_853 = arith.constant 32 : index
        %parallel_loop3A_854 = tpu.vector_load %parallel_loop3A_851[%parallel_loop3A_852, %parallel_loop3A_853] {strides = array<i32>} : memref<256x64xf32, #tpu.memory_space<vmem>>, vector<16xf32>,
        %parallel_loop3A_855 = arith.addf %parallel_loop3A_854, %get3A_539 : vector<16xf32>
        %parallel_loop3A_856 = arith.constant 0 : i32
        %parallel_loop3A_857 = arith.constant 0 : i32
        %parallel_loop3A_858 = arith.constant 0 : i32
        %parallel_loop3A_859 = arith.constant 0 : i32
        %parallel_loop3A_860 = tpu.memref_slice %arg8[%parallel_loop3A_546, %parallel_loop3A_856, %parallel_loop3A_857, %parallel_loop3A_858, %parallel_loop3A_859] : memref<2x8x2x8x128xf32, #tpu.memory_space<vmem>> -> memref<1x8x2x8x128xf32, #tpu.memory_space<vmem>>
        %parallel_loop3A_861 = tpu.memref_squeeze %parallel_loop3A_860 : memref<1x8x2x8x128xf32, #tpu.memory_space<vmem>> -> memref<8x2x8x128xf32, #tpu.memory_space<vmem>>
        tpu.vector_store_idx %parallel_loop3A_861[%select_n3A_96, %broadcast_in_dim3A_157, %rem3A_148, %parallel_loop3A_759], %parallel_loop3A_855 : memref<8x2x8x128xf32, #tpu.memory_space<vmem>>[vector<16xi32>, vector<16xi32>, vector<16xi32>, vector<16xi32>], vector<16xf32>,
        %parallel_loop3A_862 = arith.constant 0 : i32
        %parallel_loop3A_863 = arith.constant 0 : i32
        %parallel_loop3A_864 = tpu.memref_slice %arg7[%parallel_loop3A_545, %parallel_loop3A_862, %parallel_loop3A_863] : memref<2x256x64xf32, #tpu.memory_space<vmem>> -> memref<1x256x64xf32, #tpu.memory_space<vmem>>
        %parallel_loop3A_865 = tpu.memref_squeeze %parallel_loop3A_864 : memref<1x256x64xf32, #tpu.memory_space<vmem>> -> memref<256x64xf32, #tpu.memory_space<vmem>>
        %parallel_loop3A_866 = arith.index_cast %parallel_loop3A_819 : i32 to index
        %parallel_loop3A_867 = arith.constant 48 : index
        %parallel_loop3A_868 = tpu.vector_load %parallel_loop3A_865[%parallel_loop3A_866, %parallel_loop3A_867] {strides = array<i32>} : memref<256x64xf32, #tpu.memory_space<vmem>>, vector<16xf32>,
        %parallel_loop3A_869 = arith.addf %parallel_loop3A_868, %get3A_542 : vector<16xf32>
        %parallel_loop3A_870 = arith.constant 0 : i32
        %parallel_loop3A_871 = arith.constant 0 : i32
        %parallel_loop3A_872 = arith.constant 0 : i32
        %parallel_loop3A_873 = arith.constant 0 : i32
        %parallel_loop3A_874 = tpu.memref_slice %arg8[%parallel_loop3A_546, %parallel_loop3A_870, %parallel_loop3A_871, %parallel_loop3A_872, %parallel_loop3A_873] : memref<2x8x2x8x128xf32, #tpu.memory_space<vmem>> -> memref<1x8x2x8x128xf32, #tpu.memory_space<vmem>>
        %parallel_loop3A_875 = tpu.memref_squeeze %parallel_loop3A_874 : memref<1x8x2x8x128xf32, #tpu.memory_space<vmem>> -> memref<8x2x8x128xf32, #tpu.memory_space<vmem>>
        tpu.vector_store_idx %parallel_loop3A_875[%select_n3A_130, %broadcast_in_dim3A_157, %rem3A_154, %parallel_loop3A_759], %parallel_loop3A_869 : memref<8x2x8x128xf32, #tpu.memory_space<vmem>>[vector<16xi32>, vector<16xi32>, vector<16xi32>, vector<16xi32>], vector<16xf32>,
      } {sc.loop_unroll_factor = 4 : i64, sc.parallel_access}
      %jit3A_547 = arith.constant 16 : i32
      %div3A_548 = arith.divsi %add3A_454, %jit3A_547 : i32
      %sign3A_549 = arith.constant 0 : i32
      %sign3A_550 = arith.cmpi sgt, %add3A_454, %sign3A_549 : i32
      %sign3A_551 = arith.extui %sign3A_550 : i1 to i32
      %sign3A_552 = arith.constant 0 : i32
      %sign3A_553 = arith.cmpi slt, %add3A_454, %sign3A_552 : i32
      %sign3A_554 = arith.extui %sign3A_553 : i1 to i32
      %sign3A_555 = arith.subi %sign3A_551, %sign3A_554 : i32
      %sign3A_556 = arith.constant 0 : i32
      %sign3A_557 = arith.cmpi sgt, %jit3A_547, %sign3A_556 : i32
      %sign3A_558 = arith.extui %sign3A_557 : i1 to i32
      %sign3A_559 = arith.constant 0 : i32
      %sign3A_560 = arith.cmpi slt, %jit3A_547, %sign3A_559 : i32
      %sign3A_561 = arith.extui %sign3A_560 : i1 to i32
      %sign3A_562 = arith.subi %sign3A_558, %sign3A_561 : i32
      %ne3A_563 = arith.cmpi ne, %sign3A_555, %sign3A_562 : i32
      %rem3A_564 = arith.remsi %add3A_454, %jit3A_547 : i32
      %ne3A_565 = arith.constant 0 : i32
      %ne3A_566 = arith.cmpi ne, %rem3A_564, %ne3A_565 : i32
      %and3A_567 = arith.andi %ne3A_563, %ne3A_566 : i1
      %sub3A_568 = arith.constant 1 : i32
      %sub3A_569 = arith.subi %div3A_548, %sub3A_568 : i32
      %select_n3A_570 = arith.select %and3A_567, %sub3A_569, %div3A_548 : i32
      %rem3A_571 = arith.constant 16 : i32
      %rem3A_572 = arith.remsi %add3A_454, %rem3A_571 : i32
      %mul3A_573 = arith.constant 2 : i32
      %mul3A_574 = arith.muli %mul3A_573, %rem3A_572 : i32
      %dma_start3A_575 = arith.constant 0 : i32
      %dma_start3A_576 = arith.constant 0 : i32
      %dma_start3A_577 = arith.constant 0 : i32
      %dma_start3A_578 = arith.constant 0 : i32
      %dma_start3A_579 = arith.constant 0 : i32
      %dma_start3A_580 = arith.constant 0 : i32
      %dma_start3A_581 = tpu.memref_slice %arg8[%dma_start3A_575, %dma_start3A_577, %dma_start3A_578, %dma_start3A_579, %dma_start3A_580] : memref<2x8x2x8x128xf32, #tpu.memory_space<vmem>> -> memref<1x8x2x8x128xf32, #tpu.memory_space<vmem>>
      %dma_start3A_582 = tpu.memref_squeeze %dma_start3A_581 : memref<1x8x2x8x128xf32, #tpu.memory_space<vmem>> -> memref<8x2x8x128xf32, #tpu.memory_space<vmem>>
      %dma_start3A_583 = arith.constant 0 : i32
      %dma_start3A_584 = arith.constant 0 : i32
      %dma_start3A_585 = arith.constant 0 : i32
      %dma_start3A_586 = tpu.memref_slice %arg5[%select_n3A_570, %dma_start3A_583, %mul3A_574, %dma_start3A_584, %dma_start3A_585] : memref<200x8x32x8x128xf32, #tpu.memory_space<hbm>> -> memref<1x8x2x8x128xf32, #tpu.memory_space<hbm>>
      %dma_start3A_587 = tpu.memref_squeeze %dma_start3A_586 : memref<1x8x2x8x128xf32, #tpu.memory_space<hbm>> -> memref<8x2x8x128xf32, #tpu.memory_space<hbm>>
      %dma_start3A_588 = tpu.memref_slice %arg12[%dma_start3A_576] : memref<2x!tpu.dma_semaphore, #tpu.memory_space<semaphore_mem>> -> memref<1x!tpu.dma_semaphore, #tpu.memory_space<semaphore_mem>>
      %dma_start3A_589 = tpu.memref_squeeze %dma_start3A_588 : memref<1x!tpu.dma_semaphore, #tpu.memory_space<semaphore_mem>> -> memref<!tpu.dma_semaphore, #tpu.memory_space<semaphore_mem>>
      %dma_start3A_590 = arith.constant 0 : i32
      %dma_start3A_591 = arith.constant 0 : i32
      %dma_start3A_592 = arith.constant 0 : i32
      %dma_start3A_593 = tpu.memref_slice %arg5[%select_n3A_570, %dma_start3A_590, %mul3A_574, %dma_start3A_591, %dma_start3A_592] : memref<200x8x32x8x128xf32, #tpu.memory_space<hbm>> -> memref<1x8x2x8x128xf32, #tpu.memory_space<hbm>>
      %dma_start3A_594 = tpu.memref_squeeze %dma_start3A_593 : memref<1x8x2x8x128xf32, #tpu.memory_space<hbm>> -> memref<8x2x8x128xf32, #tpu.memory_space<hbm>>
      %dma_start3A_595 = arith.constant 0 : i32
      %dma_start3A_596 = arith.constant 0 : i32
      %dma_start3A_597 = arith.constant 0 : i32
      %dma_start3A_598 = arith.constant 0 : i32
      %dma_start3A_599 = tpu.memref_slice %arg8[%dma_start3A_575, %dma_start3A_595, %dma_start3A_596, %dma_start3A_597, %dma_start3A_598] : memref<2x8x2x8x128xf32, #tpu.memory_space<vmem>> -> memref<1x8x2x8x128xf32, #tpu.memory_space<vmem>>
      %dma_start3A_600 = tpu.memref_squeeze %dma_start3A_599 : memref<1x8x2x8x128xf32, #tpu.memory_space<vmem>> -> memref<8x2x8x128xf32, #tpu.memory_space<vmem>>
      tpu.enqueue_dma source(%dma_start3A_600 : memref<8x2x8x128xf32, #tpu.memory_space<vmem>>) target(%dma_start3A_594 : memref<8x2x8x128xf32, #tpu.memory_space<hbm>>) target_semaphore(%dma_start3A_589 : memref<!tpu.dma_semaphore, #tpu.memory_space<semaphore_mem>>)
      %mul3A_601 = arith.constant 2 : i32
      %mul3A_602 = arith.muli %mul3A_601, %scan3A_449 : i32
      %add3A_603 = arith.addi %mul3A_2, %mul3A_602 : i32
      %add3A_604 = arith.constant 1 : i32
      %add3A_605 = arith.addi %add3A_603, %add3A_604 : i32
      %mul3A_606 = arith.constant 2 : i32
      %mul3A_607 = arith.muli %mul3A_606, %scan3A_449 : i32
      %add3A_608 = arith.constant 1 : i32
      %add3A_609 = arith.addi %mul3A_607, %add3A_608 : i32
      %dma_wait3A_610 = arith.constant 1 : i32
      %dma_wait3A_611 = arith.constant 0 : i32
      %dma_wait3A_612 = arith.constant 1 : i32
      %dma_wait3A_613 = arith.constant 1 : i32
      %dma_wait3A_614 = arith.constant 0 : i32
      %dma_wait3A_615 = arith.constant 0 : i32
      %dma_wait3A_616 = tpu.memref_slice %arg7[%dma_wait3A_612, %dma_wait3A_614, %dma_wait3A_615] : memref<2x256x64xf32, #tpu.memory_space<vmem>> -> memref<1x128x64xf32, #tpu.memory_space<vmem>>
      %dma_wait3A_617 = tpu.memref_squeeze %dma_wait3A_616 : memref<1x128x64xf32, #tpu.memory_space<vmem>> -> memref<128x64xf32, #tpu.memory_space<vmem>>
      %dma_wait3A_618 = arith.constant 0 : i32
      %dma_wait3A_619 = tpu.memref_slice %arg6[%dma_wait3A_610, %dma_wait3A_611, %dma_wait3A_618] : memref<2x2x128xi32, #tpu.memory_space<vmem>> -> memref<1x1x128xi32, #tpu.memory_space<vmem>>
      %dma_wait3A_620 = tpu.memref_squeeze %dma_wait3A_619 : memref<1x1x128xi32, #tpu.memory_space<vmem>> -> memref<128xi32, #tpu.memory_space<vmem>>
      %dma_wait3A_621 = arith.constant 0 : i32
      %dma_wait3A_622 = arith.constant 0 : i32
      %dma_wait3A_623 = tpu.memref_slice %arg3[%dma_wait3A_621, %dma_wait3A_622] : memref<1000000x64xf32, #tpu.memory_space<hbm>> -> memref<1000000x64xf32, #tpu.memory_space<hbm>>
      %dma_wait3A_624 = tpu.memref_slice %arg11[%dma_wait3A_613] : memref<2x!tpu.dma_semaphore, #tpu.memory_space<semaphore_mem>> -> memref<1x!tpu.dma_semaphore, #tpu.memory_space<semaphore_mem>>
      %dma_wait3A_625 = tpu.memref_squeeze %dma_wait3A_624 : memref<1x!tpu.dma_semaphore, #tpu.memory_space<semaphore_mem>> -> memref<!tpu.dma_semaphore, #tpu.memory_space<semaphore_mem>>
      tpu.wait_indirect_dma semaphore(%dma_wait3A_625 : memref<!tpu.dma_semaphore, #tpu.memory_space<semaphore_mem>>) src(%dma_wait3A_623 : memref<1000000x64xf32, #tpu.memory_space<hbm>>) dst(%dma_wait3A_617 : memref<128x64xf32, #tpu.memory_space<vmem>>)
      %dma_wait3A_626 = arith.constant 1 : i32
      %dma_wait3A_627 = arith.constant 1 : i32
      %dma_wait3A_628 = arith.constant 1 : i32
      %dma_wait3A_629 = arith.constant 1 : i32
      %dma_wait3A_630 = arith.constant 128 : i32
      %dma_wait3A_631 = arith.constant 0 : i32
      %dma_wait3A_632 = tpu.memref_slice %arg7[%dma_wait3A_628, %dma_wait3A_630, %dma_wait3A_631] : memref<2x256x64xf32, #tpu.memory_space<vmem>> -> memref<1x128x64xf32, #tpu.memory_space<vmem>>
      %dma_wait3A_633 = tpu.memref_squeeze %dma_wait3A_632 : memref<1x128x64xf32, #tpu.memory_space<vmem>> -> memref<128x64xf32, #tpu.memory_space<vmem>>
      %dma_wait3A_634 = arith.constant 0 : i32
      %dma_wait3A_635 = tpu.memref_slice %arg6[%dma_wait3A_626, %dma_wait3A_627, %dma_wait3A_634] : memref<2x2x128xi32, #tpu.memory_space<vmem>> -> memref<1x1x128xi32, #tpu.memory_space<vmem>>
      %dma_wait3A_636 = tpu.memref_squeeze %dma_wait3A_635 : memref<1x1x128xi32, #tpu.memory_space<vmem>> -> memref<128xi32, #tpu.memory_space<vmem>>
      %dma_wait3A_637 = arith.constant 0 : i32
      %dma_wait3A_638 = arith.constant 0 : i32
      %dma_wait3A_639 = tpu.memref_slice %arg3[%dma_wait3A_637, %dma_wait3A_638] : memref<1000000x64xf32, #tpu.memory_space<hbm>> -> memref<1000000x64xf32, #tpu.memory_space<hbm>>
      %dma_wait3A_640 = tpu.memref_slice %arg11[%dma_wait3A_629] : memref<2x!tpu.dma_semaphore, #tpu.memory_space<semaphore_mem>> -> memref<1x!tpu.dma_semaphore, #tpu.memory_space<semaphore_mem>>
      %dma_wait3A_641 = tpu.memref_squeeze %dma_wait3A_640 : memref<1x!tpu.dma_semaphore, #tpu.memory_space<semaphore_mem>> -> memref<!tpu.dma_semaphore, #tpu.memory_space<semaphore_mem>>
      tpu.wait_indirect_dma semaphore(%dma_wait3A_641 : memref<!tpu.dma_semaphore, #tpu.memory_space<semaphore_mem>>) src(%dma_wait3A_639 : memref<1000000x64xf32, #tpu.memory_space<hbm>>) dst(%dma_wait3A_633 : memref<128x64xf32, #tpu.memory_space<vmem>>)
      %add3A_642 = arith.constant 1 : i32
      %add3A_643 = arith.addi %add3A_609, %add3A_642 : i32
      %lt3A_644 = arith.constant 100 : i32
      %lt3A_645 = arith.cmpi slt, %add3A_643, %lt3A_644 : i32
      %convert_element_type3A_646 = arith.extui %lt3A_645 : i1 to i32
      %cond3A_647 = arith.constant 0 : i32
      %cond3A_648 = arith.cmpi ne, %convert_element_type3A_646, %cond3A_647 : i32
      scf.if %cond3A_648 {
        %add3A_758 = arith.constant 1 : i32
        %add3A_759 = arith.addi %add3A_605, %add3A_758 : i32
        %jit3A_760 = arith.constant 16 : i32
        %div3A_761 = arith.divsi %add3A_759, %jit3A_760 : i32
        %sign3A_762 = arith.constant 0 : i32
        %sign3A_763 = arith.cmpi sgt, %add3A_759, %sign3A_762 : i32
        %sign3A_764 = arith.extui %sign3A_763 : i1 to i32
        %sign3A_765 = arith.constant 0 : i32
        %sign3A_766 = arith.cmpi slt, %add3A_759, %sign3A_765 : i32
        %sign3A_767 = arith.extui %sign3A_766 : i1 to i32
        %sign3A_768 = arith.subi %sign3A_764, %sign3A_767 : i32
        %sign3A_769 = arith.constant 0 : i32
        %sign3A_770 = arith.cmpi sgt, %jit3A_760, %sign3A_769 : i32
        %sign3A_771 = arith.extui %sign3A_770 : i1 to i32
        %sign3A_772 = arith.constant 0 : i32
        %sign3A_773 = arith.cmpi slt, %jit3A_760, %sign3A_772 : i32
        %sign3A_774 = arith.extui %sign3A_773 : i1 to i32
        %sign3A_775 = arith.subi %sign3A_771, %sign3A_774 : i32
        %ne3A_776 = arith.cmpi ne, %sign3A_768, %sign3A_775 : i32
        %rem3A_777 = arith.remsi %add3A_759, %jit3A_760 : i32
        %ne3A_778 = arith.constant 0 : i32
        %ne3A_779 = arith.cmpi ne, %rem3A_777, %ne3A_778 : i32
        %and3A_780 = arith.andi %ne3A_776, %ne3A_779 : i1
        %sub3A_781 = arith.constant 1 : i32
        %sub3A_782 = arith.subi %div3A_761, %sub3A_781 : i32
        %select_n3A_783 = arith.select %and3A_780, %sub3A_782, %div3A_761 : i32
        %rem3A_784 = arith.constant 16 : i32
        %rem3A_785 = arith.remsi %add3A_759, %rem3A_784 : i32
        %mul3A_786 = arith.constant 2 : i32
        %mul3A_787 = arith.muli %mul3A_786, %rem3A_785 : i32
        %dma_wait3A_788 = arith.constant 0 : i32
        %dma_wait3A_789 = arith.constant 0 : i32
        %dma_wait3A_790 = arith.constant 0 : i32
        %dma_wait3A_791 = arith.constant 0 : i32
        %dma_wait3A_792 = tpu.memref_slice %arg6[%dma_wait3A_788, %dma_wait3A_790, %dma_wait3A_791] : memref<2x2x128xi32, #tpu.memory_space<vmem>> -> memref<1x2x128xi32, #tpu.memory_space<vmem>>
        %dma_wait3A_793 = tpu.memref_squeeze %dma_wait3A_792 : memref<1x2x128xi32, #tpu.memory_space<vmem>> -> memref<2x128xi32, #tpu.memory_space<vmem>>
        %dma_wait3A_794 = arith.constant 0 : i32
        %dma_wait3A_795 = tpu.memref_slice %arg2[%select_n3A_783, %mul3A_787, %dma_wait3A_794] : memref<200x32x128xi32, #tpu.memory_space<hbm>> -> memref<1x2x128xi32, #tpu.memory_space<hbm>>
        %dma_wait3A_796 = tpu.memref_squeeze %dma_wait3A_795 : memref<1x2x128xi32, #tpu.memory_space<hbm>> -> memref<2x128xi32, #tpu.memory_space<hbm>>
        %dma_wait3A_797 = tpu.memref_slice %arg10[%dma_wait3A_789] : memref<2x!tpu.dma_semaphore, #tpu.memory_space<semaphore_mem>> -> memref<1x!tpu.dma_semaphore, #tpu.memory_space<semaphore_mem>>
        %dma_wait3A_798 = tpu.memref_squeeze %dma_wait3A_797 : memref<1x!tpu.dma_semaphore, #tpu.memory_space<semaphore_mem>> -> memref<!tpu.dma_semaphore, #tpu.memory_space<semaphore_mem>>
        %dma_wait3A_799 = arith.constant 0 : i32
        %dma_wait3A_800 = arith.constant 0 : i32
        %dma_wait3A_801 = tpu.memref_slice %arg6[%dma_wait3A_788, %dma_wait3A_799, %dma_wait3A_800] : memref<2x2x128xi32, #tpu.memory_space<vmem>> -> memref<1x2x128xi32, #tpu.memory_space<vmem>>
        %dma_wait3A_802 = tpu.memref_squeeze %dma_wait3A_801 : memref<1x2x128xi32, #tpu.memory_space<vmem>> -> memref<2x128xi32, #tpu.memory_space<vmem>>
        %dma_wait3A_803 = arith.constant 0 : i32
        %dma_wait3A_804 = tpu.memref_slice %arg2[%select_n3A_783, %mul3A_787, %dma_wait3A_803] : memref<200x32x128xi32, #tpu.memory_space<hbm>> -> memref<1x2x128xi32, #tpu.memory_space<hbm>>
        %dma_wait3A_805 = tpu.memref_squeeze %dma_wait3A_804 : memref<1x2x128xi32, #tpu.memory_space<hbm>> -> memref<2x128xi32, #tpu.memory_space<hbm>>
        tpu.wait_dma2 semaphore(%dma_wait3A_798 : memref<!tpu.dma_semaphore, #tpu.memory_space<semaphore_mem>>) src(%dma_wait3A_805 : memref<2x128xi32, #tpu.memory_space<hbm>>) dst(%dma_wait3A_802 : memref<2x128xi32, #tpu.memory_space<vmem>>)
        %add3A_806 = arith.constant 1 : i32
        %add3A_807 = arith.addi %add3A_605, %add3A_806 : i32
        %dma_start3A_808 = arith.constant 0 : i32
        %dma_start3A_809 = arith.constant 0 : i32
        %dma_start3A_810 = arith.constant 0 : i32
        %dma_start3A_811 = arith.constant 0 : i32
        %dma_start3A_812 = arith.constant 0 : i32
        %dma_start3A_813 = arith.constant 0 : i32
        %dma_start3A_814 = tpu.memref_slice %arg7[%dma_start3A_810, %dma_start3A_812, %dma_start3A_813] : memref<2x256x64xf32, #tpu.memory_space<vmem>> -> memref<1x128x64xf32, #tpu.memory_space<vmem>>
        %dma_start3A_815 = tpu.memref_squeeze %dma_start3A_814 : memref<1x128x64xf32, #tpu.memory_space<vmem>> -> memref<128x64xf32, #tpu.memory_space<vmem>>
        %dma_start3A_816 = arith.constant 0 : i32
        %dma_start3A_817 = tpu.memref_slice %arg6[%dma_start3A_808, %dma_start3A_809, %dma_start3A_816] : memref<2x2x128xi32, #tpu.memory_space<vmem>> -> memref<1x1x128xi32, #tpu.memory_space<vmem>>
        %dma_start3A_818 = tpu.memref_squeeze %dma_start3A_817 : memref<1x1x128xi32, #tpu.memory_space<vmem>> -> memref<128xi32, #tpu.memory_space<vmem>>
        %dma_start3A_819 = arith.constant 0 : i32
        %dma_start3A_820 = arith.constant 0 : i32
        %dma_start3A_821 = tpu.memref_slice %arg3[%dma_start3A_819, %dma_start3A_820] : memref<1000000x64xf32, #tpu.memory_space<hbm>> -> memref<1000000x64xf32, #tpu.memory_space<hbm>>
        %dma_start3A_822 = tpu.memref_slice %arg11[%dma_start3A_811] : memref<2x!tpu.dma_semaphore, #tpu.memory_space<semaphore_mem>> -> memref<1x!tpu.dma_semaphore, #tpu.memory_space<semaphore_mem>>
        %dma_start3A_823 = tpu.memref_squeeze %dma_start3A_822 : memref<1x!tpu.dma_semaphore, #tpu.memory_space<semaphore_mem>> -> memref<!tpu.dma_semaphore, #tpu.memory_space<semaphore_mem>>
        tpu.enqueue_indirect_dma source(%dma_start3A_821 : memref<1000000x64xf32, #tpu.memory_space<hbm>>) target(%dma_start3A_815 : memref<128x64xf32, #tpu.memory_space<vmem>>) offsets(%dma_start3A_818 : memref<128xi32, #tpu.memory_space<vmem>>) semaphore(%dma_start3A_823 : memref<!tpu.dma_semaphore, #tpu.memory_space<semaphore_mem>>)
        %add3A_824 = arith.constant 1 : i32
        %add3A_825 = arith.addi %add3A_605, %add3A_824 : i32
        %dma_start3A_826 = arith.constant 0 : i32
        %dma_start3A_827 = arith.constant 1 : i32
        %dma_start3A_828 = arith.constant 0 : i32
        %dma_start3A_829 = arith.constant 0 : i32
        %dma_start3A_830 = arith.constant 128 : i32
        %dma_start3A_831 = arith.constant 0 : i32
        %dma_start3A_832 = tpu.memref_slice %arg7[%dma_start3A_828, %dma_start3A_830, %dma_start3A_831] : memref<2x256x64xf32, #tpu.memory_space<vmem>> -> memref<1x128x64xf32, #tpu.memory_space<vmem>>
        %dma_start3A_833 = tpu.memref_squeeze %dma_start3A_832 : memref<1x128x64xf32, #tpu.memory_space<vmem>> -> memref<128x64xf32, #tpu.memory_space<vmem>>
        %dma_start3A_834 = arith.constant 0 : i32
        %dma_start3A_835 = tpu.memref_slice %arg6[%dma_start3A_826, %dma_start3A_827, %dma_start3A_834] : memref<2x2x128xi32, #tpu.memory_space<vmem>> -> memref<1x1x128xi32, #tpu.memory_space<vmem>>
        %dma_start3A_836 = tpu.memref_squeeze %dma_start3A_835 : memref<1x1x128xi32, #tpu.memory_space<vmem>> -> memref<128xi32, #tpu.memory_space<vmem>>
        %dma_start3A_837 = arith.constant 0 : i32
        %dma_start3A_838 = arith.constant 0 : i32
        %dma_start3A_839 = tpu.memref_slice %arg3[%dma_start3A_837, %dma_start3A_838] : memref<1000000x64xf32, #tpu.memory_space<hbm>> -> memref<1000000x64xf32, #tpu.memory_space<hbm>>
        %dma_start3A_840 = tpu.memref_slice %arg11[%dma_start3A_829] : memref<2x!tpu.dma_semaphore, #tpu.memory_space<semaphore_mem>> -> memref<1x!tpu.dma_semaphore, #tpu.memory_space<semaphore_mem>>
        %dma_start3A_841 = tpu.memref_squeeze %dma_start3A_840 : memref<1x!tpu.dma_semaphore, #tpu.memory_space<semaphore_mem>> -> memref<!tpu.dma_semaphore, #tpu.memory_space<semaphore_mem>>
        tpu.enqueue_indirect_dma source(%dma_start3A_839 : memref<1000000x64xf32, #tpu.memory_space<hbm>>) target(%dma_start3A_833 : memref<128x64xf32, #tpu.memory_space<vmem>>) offsets(%dma_start3A_836 : memref<128xi32, #tpu.memory_space<vmem>>) semaphore(%dma_start3A_841 : memref<!tpu.dma_semaphore, #tpu.memory_space<semaphore_mem>>)
      } else {
      }
      %add3A_649 = arith.constant 2 : i32
      %add3A_650 = arith.addi %add3A_609, %add3A_649 : i32
      %lt3A_651 = arith.constant 100 : i32
      %lt3A_652 = arith.cmpi slt, %add3A_650, %lt3A_651 : i32
      %convert_element_type3A_653 = arith.extui %lt3A_652 : i1 to i32
      %cond3A_654 = arith.constant 0 : i32
      %cond3A_655 = arith.cmpi ne, %convert_element_type3A_653, %cond3A_654 : i32
      scf.if %cond3A_655 {
        %add3A_758 = arith.constant 2 : i32
        %add3A_759 = arith.addi %add3A_605, %add3A_758 : i32
        %jit3A_760 = arith.constant 16 : i32
        %div3A_761 = arith.divsi %add3A_759, %jit3A_760 : i32
        %sign3A_762 = arith.constant 0 : i32
        %sign3A_763 = arith.cmpi sgt, %add3A_759, %sign3A_762 : i32
        %sign3A_764 = arith.extui %sign3A_763 : i1 to i32
        %sign3A_765 = arith.constant 0 : i32
        %sign3A_766 = arith.cmpi slt, %add3A_759, %sign3A_765 : i32
        %sign3A_767 = arith.extui %sign3A_766 : i1 to i32
        %sign3A_768 = arith.subi %sign3A_764, %sign3A_767 : i32
        %sign3A_769 = arith.constant 0 : i32
        %sign3A_770 = arith.cmpi sgt, %jit3A_760, %sign3A_769 : i32
        %sign3A_771 = arith.extui %sign3A_770 : i1 to i32
        %sign3A_772 = arith.constant 0 : i32
        %sign3A_773 = arith.cmpi slt, %jit3A_760, %sign3A_772 : i32
        %sign3A_774 = arith.extui %sign3A_773 : i1 to i32
        %sign3A_775 = arith.subi %sign3A_771, %sign3A_774 : i32
        %ne3A_776 = arith.cmpi ne, %sign3A_768, %sign3A_775 : i32
        %rem3A_777 = arith.remsi %add3A_759, %jit3A_760 : i32
        %ne3A_778 = arith.constant 0 : i32
        %ne3A_779 = arith.cmpi ne, %rem3A_777, %ne3A_778 : i32
        %and3A_780 = arith.andi %ne3A_776, %ne3A_779 : i1
        %sub3A_781 = arith.constant 1 : i32
        %sub3A_782 = arith.subi %div3A_761, %sub3A_781 : i32
        %select_n3A_783 = arith.select %and3A_780, %sub3A_782, %div3A_761 : i32
        %rem3A_784 = arith.constant 16 : i32
        %rem3A_785 = arith.remsi %add3A_759, %rem3A_784 : i32
        %mul3A_786 = arith.constant 2 : i32
        %mul3A_787 = arith.muli %mul3A_786, %rem3A_785 : i32
        %dma_start3A_788 = arith.constant 1 : i32
        %dma_start3A_789 = arith.constant 1 : i32
        %dma_start3A_790 = arith.constant 0 : i32
        %dma_start3A_791 = arith.constant 0 : i32
        %dma_start3A_792 = tpu.memref_slice %arg6[%dma_start3A_788, %dma_start3A_790, %dma_start3A_791] : memref<2x2x128xi32, #tpu.memory_space<vmem>> -> memref<1x2x128xi32, #tpu.memory_space<vmem>>
        %dma_start3A_793 = tpu.memref_squeeze %dma_start3A_792 : memref<1x2x128xi32, #tpu.memory_space<vmem>> -> memref<2x128xi32, #tpu.memory_space<vmem>>
        %dma_start3A_794 = arith.constant 0 : i32
        %dma_start3A_795 = tpu.memref_slice %arg2[%select_n3A_783, %mul3A_787, %dma_start3A_794] : memref<200x32x128xi32, #tpu.memory_space<hbm>> -> memref<1x2x128xi32, #tpu.memory_space<hbm>>
        %dma_start3A_796 = tpu.memref_squeeze %dma_start3A_795 : memref<1x2x128xi32, #tpu.memory_space<hbm>> -> memref<2x128xi32, #tpu.memory_space<hbm>>
        %dma_start3A_797 = tpu.memref_slice %arg10[%dma_start3A_789] : memref<2x!tpu.dma_semaphore, #tpu.memory_space<semaphore_mem>> -> memref<1x!tpu.dma_semaphore, #tpu.memory_space<semaphore_mem>>
        %dma_start3A_798 = tpu.memref_squeeze %dma_start3A_797 : memref<1x!tpu.dma_semaphore, #tpu.memory_space<semaphore_mem>> -> memref<!tpu.dma_semaphore, #tpu.memory_space<semaphore_mem>>
        %dma_start3A_799 = arith.constant 0 : i32
        %dma_start3A_800 = arith.constant 0 : i32
        %dma_start3A_801 = tpu.memref_slice %arg6[%dma_start3A_788, %dma_start3A_799, %dma_start3A_800] : memref<2x2x128xi32, #tpu.memory_space<vmem>> -> memref<1x2x128xi32, #tpu.memory_space<vmem>>
        %dma_start3A_802 = tpu.memref_squeeze %dma_start3A_801 : memref<1x2x128xi32, #tpu.memory_space<vmem>> -> memref<2x128xi32, #tpu.memory_space<vmem>>
        %dma_start3A_803 = arith.constant 0 : i32
        %dma_start3A_804 = tpu.memref_slice %arg2[%select_n3A_783, %mul3A_787, %dma_start3A_803] : memref<200x32x128xi32, #tpu.memory_space<hbm>> -> memref<1x2x128xi32, #tpu.memory_space<hbm>>
        %dma_start3A_805 = tpu.memref_squeeze %dma_start3A_804 : memref<1x2x128xi32, #tpu.memory_space<hbm>> -> memref<2x128xi32, #tpu.memory_space<hbm>>
        tpu.enqueue_dma source(%dma_start3A_805 : memref<2x128xi32, #tpu.memory_space<hbm>>) target(%dma_start3A_802 : memref<2x128xi32, #tpu.memory_space<vmem>>) target_semaphore(%dma_start3A_798 : memref<!tpu.dma_semaphore, #tpu.memory_space<semaphore_mem>>)
      } else {
      }
      %ge3A_656 = arith.constant 2 : i32
      %ge3A_657 = arith.cmpi sge, %add3A_609, %ge3A_656 : i32
      %convert_element_type3A_658 = arith.extui %ge3A_657 : i1 to i32
      %cond3A_659 = arith.constant 0 : i32
      %cond3A_660 = arith.cmpi ne, %convert_element_type3A_658, %cond3A_659 : i32
      scf.if %cond3A_660 {
        %sub3A_758 = arith.constant 2 : i32
        %sub3A_759 = arith.subi %add3A_605, %sub3A_758 : i32
        %jit3A_760 = arith.constant 16 : i32
        %div3A_761 = arith.divsi %sub3A_759, %jit3A_760 : i32
        %sign3A_762 = arith.constant 0 : i32
        %sign3A_763 = arith.cmpi sgt, %sub3A_759, %sign3A_762 : i32
        %sign3A_764 = arith.extui %sign3A_763 : i1 to i32
        %sign3A_765 = arith.constant 0 : i32
        %sign3A_766 = arith.cmpi slt, %sub3A_759, %sign3A_765 : i32
        %sign3A_767 = arith.extui %sign3A_766 : i1 to i32
        %sign3A_768 = arith.subi %sign3A_764, %sign3A_767 : i32
        %sign3A_769 = arith.constant 0 : i32
        %sign3A_770 = arith.cmpi sgt, %jit3A_760, %sign3A_769 : i32
        %sign3A_771 = arith.extui %sign3A_770 : i1 to i32
        %sign3A_772 = arith.constant 0 : i32
        %sign3A_773 = arith.cmpi slt, %jit3A_760, %sign3A_772 : i32
        %sign3A_774 = arith.extui %sign3A_773 : i1 to i32
        %sign3A_775 = arith.subi %sign3A_771, %sign3A_774 : i32
        %ne3A_776 = arith.cmpi ne, %sign3A_768, %sign3A_775 : i32
        %rem3A_777 = arith.remsi %sub3A_759, %jit3A_760 : i32
        %ne3A_778 = arith.constant 0 : i32
        %ne3A_779 = arith.cmpi ne, %rem3A_777, %ne3A_778 : i32
        %and3A_780 = arith.andi %ne3A_776, %ne3A_779 : i1
        %sub3A_781 = arith.constant 1 : i32
        %sub3A_782 = arith.subi %div3A_761, %sub3A_781 : i32
        %select_n3A_783 = arith.select %and3A_780, %sub3A_782, %div3A_761 : i32
        %rem3A_784 = arith.constant 16 : i32
        %rem3A_785 = arith.remsi %sub3A_759, %rem3A_784 : i32
        %mul3A_786 = arith.constant 2 : i32
        %mul3A_787 = arith.muli %mul3A_786, %rem3A_785 : i32
        %dma_wait3A_788 = arith.constant 1 : i32
        %dma_wait3A_789 = arith.constant 1 : i32
        %dma_wait3A_790 = arith.constant 0 : i32
        %dma_wait3A_791 = arith.constant 0 : i32
        %dma_wait3A_792 = arith.constant 0 : i32
        %dma_wait3A_793 = arith.constant 0 : i32
        %dma_wait3A_794 = tpu.memref_slice %arg8[%dma_wait3A_788, %dma_wait3A_790, %dma_wait3A_791, %dma_wait3A_792, %dma_wait3A_793] : memref<2x8x2x8x128xf32, #tpu.memory_space<vmem>> -> memref<1x8x2x8x128xf32, #tpu.memory_space<vmem>>
        %dma_wait3A_795 = tpu.memref_squeeze %dma_wait3A_794 : memref<1x8x2x8x128xf32, #tpu.memory_space<vmem>> -> memref<8x2x8x128xf32, #tpu.memory_space<vmem>>
        %dma_wait3A_796 = arith.constant 0 : i32
        %dma_wait3A_797 = arith.constant 0 : i32
        %dma_wait3A_798 = arith.constant 0 : i32
        %dma_wait3A_799 = tpu.memref_slice %arg5[%select_n3A_783, %dma_wait3A_796, %mul3A_787, %dma_wait3A_797, %dma_wait3A_798] : memref<200x8x32x8x128xf32, #tpu.memory_space<hbm>> -> memref<1x8x2x8x128xf32, #tpu.memory_space<hbm>>
        %dma_wait3A_800 = tpu.memref_squeeze %dma_wait3A_799 : memref<1x8x2x8x128xf32, #tpu.memory_space<hbm>> -> memref<8x2x8x128xf32, #tpu.memory_space<hbm>>
        %dma_wait3A_801 = tpu.memref_slice %arg12[%dma_wait3A_789] : memref<2x!tpu.dma_semaphore, #tpu.memory_space<semaphore_mem>> -> memref<1x!tpu.dma_semaphore, #tpu.memory_space<semaphore_mem>>
        %dma_wait3A_802 = tpu.memref_squeeze %dma_wait3A_801 : memref<1x!tpu.dma_semaphore, #tpu.memory_space<semaphore_mem>> -> memref<!tpu.dma_semaphore, #tpu.memory_space<semaphore_mem>>
        %dma_wait3A_803 = arith.constant 0 : i32
        %dma_wait3A_804 = arith.constant 0 : i32
        %dma_wait3A_805 = arith.constant 0 : i32
        %dma_wait3A_806 = tpu.memref_slice %arg5[%select_n3A_783, %dma_wait3A_803, %mul3A_787, %dma_wait3A_804, %dma_wait3A_805] : memref<200x8x32x8x128xf32, #tpu.memory_space<hbm>> -> memref<1x8x2x8x128xf32, #tpu.memory_space<hbm>>
        %dma_wait3A_807 = tpu.memref_squeeze %dma_wait3A_806 : memref<1x8x2x8x128xf32, #tpu.memory_space<hbm>> -> memref<8x2x8x128xf32, #tpu.memory_space<hbm>>
        %dma_wait3A_808 = arith.constant 0 : i32
        %dma_wait3A_809 = arith.constant 0 : i32
        %dma_wait3A_810 = arith.constant 0 : i32
        %dma_wait3A_811 = arith.constant 0 : i32
        %dma_wait3A_812 = tpu.memref_slice %arg8[%dma_wait3A_788, %dma_wait3A_808, %dma_wait3A_809, %dma_wait3A_810, %dma_wait3A_811] : memref<2x8x2x8x128xf32, #tpu.memory_space<vmem>> -> memref<1x8x2x8x128xf32, #tpu.memory_space<vmem>>
        %dma_wait3A_813 = tpu.memref_squeeze %dma_wait3A_812 : memref<1x8x2x8x128xf32, #tpu.memory_space<vmem>> -> memref<8x2x8x128xf32, #tpu.memory_space<vmem>>
        tpu.wait_dma2 semaphore(%dma_wait3A_802 : memref<!tpu.dma_semaphore, #tpu.memory_space<semaphore_mem>>) src(%dma_wait3A_813 : memref<8x2x8x128xf32, #tpu.memory_space<vmem>>) dst(%dma_wait3A_807 : memref<8x2x8x128xf32, #tpu.memory_space<hbm>>)
      } else {
      }
      %jit3A_661 = arith.constant 16 : i32
      %div3A_662 = arith.divsi %add3A_605, %jit3A_661 : i32
      %sign3A_663 = arith.constant 0 : i32
      %sign3A_664 = arith.cmpi sgt, %add3A_605, %sign3A_663 : i32
      %sign3A_665 = arith.extui %sign3A_664 : i1 to i32
      %sign3A_666 = arith.constant 0 : i32
      %sign3A_667 = arith.cmpi slt, %add3A_605, %sign3A_666 : i32
      %sign3A_668 = arith.extui %sign3A_667 : i1 to i32
      %sign3A_669 = arith.subi %sign3A_665, %sign3A_668 : i32
      %sign3A_670 = arith.constant 0 : i32
      %sign3A_671 = arith.cmpi sgt, %jit3A_661, %sign3A_670 : i32
      %sign3A_672 = arith.extui %sign3A_671 : i1 to i32
      %sign3A_673 = arith.constant 0 : i32
      %sign3A_674 = arith.cmpi slt, %jit3A_661, %sign3A_673 : i32
      %sign3A_675 = arith.extui %sign3A_674 : i1 to i32
      %sign3A_676 = arith.subi %sign3A_672, %sign3A_675 : i32
      %ne3A_677 = arith.cmpi ne, %sign3A_669, %sign3A_676 : i32
      %rem3A_678 = arith.remsi %add3A_605, %jit3A_661 : i32
      %ne3A_679 = arith.constant 0 : i32
      %ne3A_680 = arith.cmpi ne, %rem3A_678, %ne3A_679 : i32
      %and3A_681 = arith.andi %ne3A_677, %ne3A_680 : i1
      %sub3A_682 = arith.constant 1 : i32
      %sub3A_683 = arith.subi %div3A_662, %sub3A_682 : i32
      %select_n3A_684 = arith.select %and3A_681, %sub3A_683, %div3A_662 : i32
      %rem3A_685 = arith.constant 16 : i32
      %rem3A_686 = arith.remsi %add3A_605, %rem3A_685 : i32
      %get3A_687 = arith.index_cast %select_n3A_684 : i32 to index
      %get3A_688 = arith.constant 0 : index
      %get3A_689 = tpu.vector_load %arg9[%get3A_687, %get3A_688] {strides = array<i32>} : memref<200x64xf32, #tpu.memory_space<vmem>>, vector<16xf32>,
      %get3A_690 = arith.index_cast %select_n3A_684 : i32 to index
      %get3A_691 = arith.constant 16 : index
      %get3A_692 = tpu.vector_load %arg9[%get3A_690, %get3A_691] {strides = array<i32>} : memref<200x64xf32, #tpu.memory_space<vmem>>, vector<16xf32>,
      %get3A_693 = arith.index_cast %select_n3A_684 : i32 to index
      %get3A_694 = arith.constant 32 : index
      %get3A_695 = tpu.vector_load %arg9[%get3A_693, %get3A_694] {strides = array<i32>} : memref<200x64xf32, #tpu.memory_space<vmem>>, vector<16xf32>,
      %get3A_696 = arith.index_cast %select_n3A_684 : i32 to index
      %get3A_697 = arith.constant 48 : index
      %get3A_698 = tpu.vector_load %arg9[%get3A_696, %get3A_697] {strides = array<i32>} : memref<200x64xf32, #tpu.memory_space<vmem>>, vector<16xf32>,
      %parallel_loop3A_699 = arith.constant 0 : i32
      %parallel_loop3A_700 = arith.constant 128 : i32
      %parallel_loop3A_701 = arith.constant 1 : i32
      %parallel_loop3A_702 = arith.constant 1 : i32
      %parallel_loop3A_703 = arith.constant 1 : i32
      scf.for %parallel_loop3A_758 = %parallel_loop3A_699 to %parallel_loop3A_700 step %parallel_loop3A_701  : i32 {
        %parallel_loop3A_759 = vector.broadcast %parallel_loop3A_758 : i32 to vector<16xi32>
        %parallel_loop3A_760 = arith.constant 0 : i32
        %parallel_loop3A_761 = arith.addi %parallel_loop3A_760, %parallel_loop3A_758 : i32
        %parallel_loop3A_762 = arith.constant 0 : i32
        %parallel_loop3A_763 = arith.constant 0 : i32
        %parallel_loop3A_764 = tpu.memref_slice %arg7[%parallel_loop3A_702, %parallel_loop3A_762, %parallel_loop3A_763] : memref<2x256x64xf32, #tpu.memory_space<vmem>> -> memref<1x256x64xf32, #tpu.memory_space<vmem>>
        %parallel_loop3A_765 = tpu.memref_squeeze %parallel_loop3A_764 : memref<1x256x64xf32, #tpu.memory_space<vmem>> -> memref<256x64xf32, #tpu.memory_space<vmem>>
        %parallel_loop3A_766 = arith.index_cast %parallel_loop3A_761 : i32 to index
        %parallel_loop3A_767 = arith.constant 0 : index
        %parallel_loop3A_768 = tpu.vector_load %parallel_loop3A_765[%parallel_loop3A_766, %parallel_loop3A_767] {strides = array<i32>} : memref<256x64xf32, #tpu.memory_space<vmem>>, vector<16xf32>,
        %parallel_loop3A_769 = arith.addf %parallel_loop3A_768, %get3A_689 : vector<16xf32>
        %parallel_loop3A_770 = arith.constant 0 : i32
        %parallel_loop3A_771 = arith.constant 0 : i32
        %parallel_loop3A_772 = arith.constant 0 : i32
        %parallel_loop3A_773 = arith.constant 0 : i32
        %parallel_loop3A_774 = tpu.memref_slice %arg8[%parallel_loop3A_703, %parallel_loop3A_770, %parallel_loop3A_771, %parallel_loop3A_772, %parallel_loop3A_773] : memref<2x8x2x8x128xf32, #tpu.memory_space<vmem>> -> memref<1x8x2x8x128xf32, #tpu.memory_space<vmem>>
        %parallel_loop3A_775 = tpu.memref_squeeze %parallel_loop3A_774 : memref<1x8x2x8x128xf32, #tpu.memory_space<vmem>> -> memref<8x2x8x128xf32, #tpu.memory_space<vmem>>
        tpu.vector_store_idx %parallel_loop3A_775[%select_n3A, %broadcast_in_dim3A_155, %rem3A_136, %parallel_loop3A_759], %parallel_loop3A_769 : memref<8x2x8x128xf32, #tpu.memory_space<vmem>>[vector<16xi32>, vector<16xi32>, vector<16xi32>, vector<16xi32>], vector<16xf32>,
        %parallel_loop3A_776 = arith.constant 0 : i32
        %parallel_loop3A_777 = arith.constant 0 : i32
        %parallel_loop3A_778 = tpu.memref_slice %arg7[%parallel_loop3A_702, %parallel_loop3A_776, %parallel_loop3A_777] : memref<2x256x64xf32, #tpu.memory_space<vmem>> -> memref<1x256x64xf32, #tpu.memory_space<vmem>>
        %parallel_loop3A_779 = tpu.memref_squeeze %parallel_loop3A_778 : memref<1x256x64xf32, #tpu.memory_space<vmem>> -> memref<256x64xf32, #tpu.memory_space<vmem>>
        %parallel_loop3A_780 = arith.index_cast %parallel_loop3A_761 : i32 to index
        %parallel_loop3A_781 = arith.constant 16 : index
        %parallel_loop3A_782 = tpu.vector_load %parallel_loop3A_779[%parallel_loop3A_780, %parallel_loop3A_781] {strides = array<i32>} : memref<256x64xf32, #tpu.memory_space<vmem>>, vector<16xf32>,
        %parallel_loop3A_783 = arith.addf %parallel_loop3A_782, %get3A_692 : vector<16xf32>
        %parallel_loop3A_784 = arith.constant 0 : i32
        %parallel_loop3A_785 = arith.constant 0 : i32
        %parallel_loop3A_786 = arith.constant 0 : i32
        %parallel_loop3A_787 = arith.constant 0 : i32
        %parallel_loop3A_788 = tpu.memref_slice %arg8[%parallel_loop3A_703, %parallel_loop3A_784, %parallel_loop3A_785, %parallel_loop3A_786, %parallel_loop3A_787] : memref<2x8x2x8x128xf32, #tpu.memory_space<vmem>> -> memref<1x8x2x8x128xf32, #tpu.memory_space<vmem>>
        %parallel_loop3A_789 = tpu.memref_squeeze %parallel_loop3A_788 : memref<1x8x2x8x128xf32, #tpu.memory_space<vmem>> -> memref<8x2x8x128xf32, #tpu.memory_space<vmem>>
        tpu.vector_store_idx %parallel_loop3A_789[%select_n3A_62, %broadcast_in_dim3A_155, %rem3A_142, %parallel_loop3A_759], %parallel_loop3A_783 : memref<8x2x8x128xf32, #tpu.memory_space<vmem>>[vector<16xi32>, vector<16xi32>, vector<16xi32>, vector<16xi32>], vector<16xf32>,
        %parallel_loop3A_790 = arith.constant 0 : i32
        %parallel_loop3A_791 = arith.constant 0 : i32
        %parallel_loop3A_792 = tpu.memref_slice %arg7[%parallel_loop3A_702, %parallel_loop3A_790, %parallel_loop3A_791] : memref<2x256x64xf32, #tpu.memory_space<vmem>> -> memref<1x256x64xf32, #tpu.memory_space<vmem>>
        %parallel_loop3A_793 = tpu.memref_squeeze %parallel_loop3A_792 : memref<1x256x64xf32, #tpu.memory_space<vmem>> -> memref<256x64xf32, #tpu.memory_space<vmem>>
        %parallel_loop3A_794 = arith.index_cast %parallel_loop3A_761 : i32 to index
        %parallel_loop3A_795 = arith.constant 32 : index
        %parallel_loop3A_796 = tpu.vector_load %parallel_loop3A_793[%parallel_loop3A_794, %parallel_loop3A_795] {strides = array<i32>} : memref<256x64xf32, #tpu.memory_space<vmem>>, vector<16xf32>,
        %parallel_loop3A_797 = arith.addf %parallel_loop3A_796, %get3A_695 : vector<16xf32>
        %parallel_loop3A_798 = arith.constant 0 : i32
        %parallel_loop3A_799 = arith.constant 0 : i32
        %parallel_loop3A_800 = arith.constant 0 : i32
        %parallel_loop3A_801 = arith.constant 0 : i32
        %parallel_loop3A_802 = tpu.memref_slice %arg8[%parallel_loop3A_703, %parallel_loop3A_798, %parallel_loop3A_799, %parallel_loop3A_800, %parallel_loop3A_801] : memref<2x8x2x8x128xf32, #tpu.memory_space<vmem>> -> memref<1x8x2x8x128xf32, #tpu.memory_space<vmem>>
        %parallel_loop3A_803 = tpu.memref_squeeze %parallel_loop3A_802 : memref<1x8x2x8x128xf32, #tpu.memory_space<vmem>> -> memref<8x2x8x128xf32, #tpu.memory_space<vmem>>
        tpu.vector_store_idx %parallel_loop3A_803[%select_n3A_96, %broadcast_in_dim3A_155, %rem3A_148, %parallel_loop3A_759], %parallel_loop3A_797 : memref<8x2x8x128xf32, #tpu.memory_space<vmem>>[vector<16xi32>, vector<16xi32>, vector<16xi32>, vector<16xi32>], vector<16xf32>,
        %parallel_loop3A_804 = arith.constant 0 : i32
        %parallel_loop3A_805 = arith.constant 0 : i32
        %parallel_loop3A_806 = tpu.memref_slice %arg7[%parallel_loop3A_702, %parallel_loop3A_804, %parallel_loop3A_805] : memref<2x256x64xf32, #tpu.memory_space<vmem>> -> memref<1x256x64xf32, #tpu.memory_space<vmem>>
        %parallel_loop3A_807 = tpu.memref_squeeze %parallel_loop3A_806 : memref<1x256x64xf32, #tpu.memory_space<vmem>> -> memref<256x64xf32, #tpu.memory_space<vmem>>
        %parallel_loop3A_808 = arith.index_cast %parallel_loop3A_761 : i32 to index
        %parallel_loop3A_809 = arith.constant 48 : index
        %parallel_loop3A_810 = tpu.vector_load %parallel_loop3A_807[%parallel_loop3A_808, %parallel_loop3A_809] {strides = array<i32>} : memref<256x64xf32, #tpu.memory_space<vmem>>, vector<16xf32>,
        %parallel_loop3A_811 = arith.addf %parallel_loop3A_810, %get3A_698 : vector<16xf32>
        %parallel_loop3A_812 = arith.constant 0 : i32
        %parallel_loop3A_813 = arith.constant 0 : i32
        %parallel_loop3A_814 = arith.constant 0 : i32
        %parallel_loop3A_815 = arith.constant 0 : i32
        %parallel_loop3A_816 = tpu.memref_slice %arg8[%parallel_loop3A_703, %parallel_loop3A_812, %parallel_loop3A_813, %parallel_loop3A_814, %parallel_loop3A_815] : memref<2x8x2x8x128xf32, #tpu.memory_space<vmem>> -> memref<1x8x2x8x128xf32, #tpu.memory_space<vmem>>
        %parallel_loop3A_817 = tpu.memref_squeeze %parallel_loop3A_816 : memref<1x8x2x8x128xf32, #tpu.memory_space<vmem>> -> memref<8x2x8x128xf32, #tpu.memory_space<vmem>>
        tpu.vector_store_idx %parallel_loop3A_817[%select_n3A_130, %broadcast_in_dim3A_155, %rem3A_154, %parallel_loop3A_759], %parallel_loop3A_811 : memref<8x2x8x128xf32, #tpu.memory_space<vmem>>[vector<16xi32>, vector<16xi32>, vector<16xi32>, vector<16xi32>], vector<16xf32>,
        %parallel_loop3A_818 = arith.constant 128 : i32
        %parallel_loop3A_819 = arith.addi %parallel_loop3A_818, %parallel_loop3A_758 : i32
        %parallel_loop3A_820 = arith.constant 0 : i32
        %parallel_loop3A_821 = arith.constant 0 : i32
        %parallel_loop3A_822 = tpu.memref_slice %arg7[%parallel_loop3A_702, %parallel_loop3A_820, %parallel_loop3A_821] : memref<2x256x64xf32, #tpu.memory_space<vmem>> -> memref<1x256x64xf32, #tpu.memory_space<vmem>>
        %parallel_loop3A_823 = tpu.memref_squeeze %parallel_loop3A_822 : memref<1x256x64xf32, #tpu.memory_space<vmem>> -> memref<256x64xf32, #tpu.memory_space<vmem>>
        %parallel_loop3A_824 = arith.index_cast %parallel_loop3A_819 : i32 to index
        %parallel_loop3A_825 = arith.constant 0 : index
        %parallel_loop3A_826 = tpu.vector_load %parallel_loop3A_823[%parallel_loop3A_824, %parallel_loop3A_825] {strides = array<i32>} : memref<256x64xf32, #tpu.memory_space<vmem>>, vector<16xf32>,
        %parallel_loop3A_827 = arith.addf %parallel_loop3A_826, %get3A_689 : vector<16xf32>
        %parallel_loop3A_828 = arith.constant 0 : i32
        %parallel_loop3A_829 = arith.constant 0 : i32
        %parallel_loop3A_830 = arith.constant 0 : i32
        %parallel_loop3A_831 = arith.constant 0 : i32
        %parallel_loop3A_832 = tpu.memref_slice %arg8[%parallel_loop3A_703, %parallel_loop3A_828, %parallel_loop3A_829, %parallel_loop3A_830, %parallel_loop3A_831] : memref<2x8x2x8x128xf32, #tpu.memory_space<vmem>> -> memref<1x8x2x8x128xf32, #tpu.memory_space<vmem>>
        %parallel_loop3A_833 = tpu.memref_squeeze %parallel_loop3A_832 : memref<1x8x2x8x128xf32, #tpu.memory_space<vmem>> -> memref<8x2x8x128xf32, #tpu.memory_space<vmem>>
        tpu.vector_store_idx %parallel_loop3A_833[%select_n3A, %broadcast_in_dim3A_157, %rem3A_136, %parallel_loop3A_759], %parallel_loop3A_827 : memref<8x2x8x128xf32, #tpu.memory_space<vmem>>[vector<16xi32>, vector<16xi32>, vector<16xi32>, vector<16xi32>], vector<16xf32>,
        %parallel_loop3A_834 = arith.constant 0 : i32
        %parallel_loop3A_835 = arith.constant 0 : i32
        %parallel_loop3A_836 = tpu.memref_slice %arg7[%parallel_loop3A_702, %parallel_loop3A_834, %parallel_loop3A_835] : memref<2x256x64xf32, #tpu.memory_space<vmem>> -> memref<1x256x64xf32, #tpu.memory_space<vmem>>
        %parallel_loop3A_837 = tpu.memref_squeeze %parallel_loop3A_836 : memref<1x256x64xf32, #tpu.memory_space<vmem>> -> memref<256x64xf32, #tpu.memory_space<vmem>>
        %parallel_loop3A_838 = arith.index_cast %parallel_loop3A_819 : i32 to index
        %parallel_loop3A_839 = arith.constant 16 : index
        %parallel_loop3A_840 = tpu.vector_load %parallel_loop3A_837[%parallel_loop3A_838, %parallel_loop3A_839] {strides = array<i32>} : memref<256x64xf32, #tpu.memory_space<vmem>>, vector<16xf32>,
        %parallel_loop3A_841 = arith.addf %parallel_loop3A_840, %get3A_692 : vector<16xf32>
        %parallel_loop3A_842 = arith.constant 0 : i32
        %parallel_loop3A_843 = arith.constant 0 : i32
        %parallel_loop3A_844 = arith.constant 0 : i32
        %parallel_loop3A_845 = arith.constant 0 : i32
        %parallel_loop3A_846 = tpu.memref_slice %arg8[%parallel_loop3A_703, %parallel_loop3A_842, %parallel_loop3A_843, %parallel_loop3A_844, %parallel_loop3A_845] : memref<2x8x2x8x128xf32, #tpu.memory_space<vmem>> -> memref<1x8x2x8x128xf32, #tpu.memory_space<vmem>>
        %parallel_loop3A_847 = tpu.memref_squeeze %parallel_loop3A_846 : memref<1x8x2x8x128xf32, #tpu.memory_space<vmem>> -> memref<8x2x8x128xf32, #tpu.memory_space<vmem>>
        tpu.vector_store_idx %parallel_loop3A_847[%select_n3A_62, %broadcast_in_dim3A_157, %rem3A_142, %parallel_loop3A_759], %parallel_loop3A_841 : memref<8x2x8x128xf32, #tpu.memory_space<vmem>>[vector<16xi32>, vector<16xi32>, vector<16xi32>, vector<16xi32>], vector<16xf32>,
        %parallel_loop3A_848 = arith.constant 0 : i32
        %parallel_loop3A_849 = arith.constant 0 : i32
        %parallel_loop3A_850 = tpu.memref_slice %arg7[%parallel_loop3A_702, %parallel_loop3A_848, %parallel_loop3A_849] : memref<2x256x64xf32, #tpu.memory_space<vmem>> -> memref<1x256x64xf32, #tpu.memory_space<vmem>>
        %parallel_loop3A_851 = tpu.memref_squeeze %parallel_loop3A_850 : memref<1x256x64xf32, #tpu.memory_space<vmem>> -> memref<256x64xf32, #tpu.memory_space<vmem>>
        %parallel_loop3A_852 = arith.index_cast %parallel_loop3A_819 : i32 to index
        %parallel_loop3A_853 = arith.constant 32 : index
        %parallel_loop3A_854 = tpu.vector_load %parallel_loop3A_851[%parallel_loop3A_852, %parallel_loop3A_853] {strides = array<i32>} : memref<256x64xf32, #tpu.memory_space<vmem>>, vector<16xf32>,
        %parallel_loop3A_855 = arith.addf %parallel_loop3A_854, %get3A_695 : vector<16xf32>
        %parallel_loop3A_856 = arith.constant 0 : i32
        %parallel_loop3A_857 = arith.constant 0 : i32
        %parallel_loop3A_858 = arith.constant 0 : i32
        %parallel_loop3A_859 = arith.constant 0 : i32
        %parallel_loop3A_860 = tpu.memref_slice %arg8[%parallel_loop3A_703, %parallel_loop3A_856, %parallel_loop3A_857, %parallel_loop3A_858, %parallel_loop3A_859] : memref<2x8x2x8x128xf32, #tpu.memory_space<vmem>> -> memref<1x8x2x8x128xf32, #tpu.memory_space<vmem>>
        %parallel_loop3A_861 = tpu.memref_squeeze %parallel_loop3A_860 : memref<1x8x2x8x128xf32, #tpu.memory_space<vmem>> -> memref<8x2x8x128xf32, #tpu.memory_space<vmem>>
        tpu.vector_store_idx %parallel_loop3A_861[%select_n3A_96, %broadcast_in_dim3A_157, %rem3A_148, %parallel_loop3A_759], %parallel_loop3A_855 : memref<8x2x8x128xf32, #tpu.memory_space<vmem>>[vector<16xi32>, vector<16xi32>, vector<16xi32>, vector<16xi32>], vector<16xf32>,
        %parallel_loop3A_862 = arith.constant 0 : i32
        %parallel_loop3A_863 = arith.constant 0 : i32
        %parallel_loop3A_864 = tpu.memref_slice %arg7[%parallel_loop3A_702, %parallel_loop3A_862, %parallel_loop3A_863] : memref<2x256x64xf32, #tpu.memory_space<vmem>> -> memref<1x256x64xf32, #tpu.memory_space<vmem>>
        %parallel_loop3A_865 = tpu.memref_squeeze %parallel_loop3A_864 : memref<1x256x64xf32, #tpu.memory_space<vmem>> -> memref<256x64xf32, #tpu.memory_space<vmem>>
        %parallel_loop3A_866 = arith.index_cast %parallel_loop3A_819 : i32 to index
        %parallel_loop3A_867 = arith.constant 48 : index
        %parallel_loop3A_868 = tpu.vector_load %parallel_loop3A_865[%parallel_loop3A_866, %parallel_loop3A_867] {strides = array<i32>} : memref<256x64xf32, #tpu.memory_space<vmem>>, vector<16xf32>,
        %parallel_loop3A_869 = arith.addf %parallel_loop3A_868, %get3A_698 : vector<16xf32>
        %parallel_loop3A_870 = arith.constant 0 : i32
        %parallel_loop3A_871 = arith.constant 0 : i32
        %parallel_loop3A_872 = arith.constant 0 : i32
        %parallel_loop3A_873 = arith.constant 0 : i32
        %parallel_loop3A_874 = tpu.memref_slice %arg8[%parallel_loop3A_703, %parallel_loop3A_870, %parallel_loop3A_871, %parallel_loop3A_872, %parallel_loop3A_873] : memref<2x8x2x8x128xf32, #tpu.memory_space<vmem>> -> memref<1x8x2x8x128xf32, #tpu.memory_space<vmem>>
        %parallel_loop3A_875 = tpu.memref_squeeze %parallel_loop3A_874 : memref<1x8x2x8x128xf32, #tpu.memory_space<vmem>> -> memref<8x2x8x128xf32, #tpu.memory_space<vmem>>
        tpu.vector_store_idx %parallel_loop3A_875[%select_n3A_130, %broadcast_in_dim3A_157, %rem3A_154, %parallel_loop3A_759], %parallel_loop3A_869 : memref<8x2x8x128xf32, #tpu.memory_space<vmem>>[vector<16xi32>, vector<16xi32>, vector<16xi32>, vector<16xi32>], vector<16xf32>,
      } {sc.loop_unroll_factor = 4 : i64, sc.parallel_access}
      %jit3A_704 = arith.constant 16 : i32
      %div3A_705 = arith.divsi %add3A_605, %jit3A_704 : i32
      %sign3A_706 = arith.constant 0 : i32
      %sign3A_707 = arith.cmpi sgt, %add3A_605, %sign3A_706 : i32
      %sign3A_708 = arith.extui %sign3A_707 : i1 to i32
      %sign3A_709 = arith.constant 0 : i32
      %sign3A_710 = arith.cmpi slt, %add3A_605, %sign3A_709 : i32
      %sign3A_711 = arith.extui %sign3A_710 : i1 to i32
      %sign3A_712 = arith.subi %sign3A_708, %sign3A_711 : i32
      %sign3A_713 = arith.constant 0 : i32
      %sign3A_714 = arith.cmpi sgt, %jit3A_704, %sign3A_713 : i32
      %sign3A_715 = arith.extui %sign3A_714 : i1 to i32
      %sign3A_716 = arith.constant 0 : i32
      %sign3A_717 = arith.cmpi slt, %jit3A_704, %sign3A_716 : i32
      %sign3A_718 = arith.extui %sign3A_717 : i1 to i32
      %sign3A_719 = arith.subi %sign3A_715, %sign3A_718 : i32
      %ne3A_720 = arith.cmpi ne, %sign3A_712, %sign3A_719 : i32
      %rem3A_721 = arith.remsi %add3A_605, %jit3A_704 : i32
      %ne3A_722 = arith.constant 0 : i32
      %ne3A_723 = arith.cmpi ne, %rem3A_721, %ne3A_722 : i32
      %and3A_724 = arith.andi %ne3A_720, %ne3A_723 : i1
      %sub3A_725 = arith.constant 1 : i32
      %sub3A_726 = arith.subi %div3A_705, %sub3A_725 : i32
      %select_n3A_727 = arith.select %and3A_724, %sub3A_726, %div3A_705 : i32
      %rem3A_728 = arith.constant 16 : i32
      %rem3A_729 = arith.remsi %add3A_605, %rem3A_728 : i32
      %mul3A_730 = arith.constant 2 : i32
      %mul3A_731 = arith.muli %mul3A_730, %rem3A_729 : i32
      %dma_start3A_732 = arith.constant 1 : i32
      %dma_start3A_733 = arith.constant 1 : i32
      %dma_start3A_734 = arith.constant 0 : i32
      %dma_start3A_735 = arith.constant 0 : i32
      %dma_start3A_736 = arith.constant 0 : i32
      %dma_start3A_737 = arith.constant 0 : i32
      %dma_start3A_738 = tpu.memref_slice %arg8[%dma_start3A_732, %dma_start3A_734, %dma_start3A_735, %dma_start3A_736, %dma_start3A_737] : memref<2x8x2x8x128xf32, #tpu.memory_space<vmem>> -> memref<1x8x2x8x128xf32, #tpu.memory_space<vmem>>
      %dma_start3A_739 = tpu.memref_squeeze %dma_start3A_738 : memref<1x8x2x8x128xf32, #tpu.memory_space<vmem>> -> memref<8x2x8x128xf32, #tpu.memory_space<vmem>>
      %dma_start3A_740 = arith.constant 0 : i32
      %dma_start3A_741 = arith.constant 0 : i32
      %dma_start3A_742 = arith.constant 0 : i32
      %dma_start3A_743 = tpu.memref_slice %arg5[%select_n3A_727, %dma_start3A_740, %mul3A_731, %dma_start3A_741, %dma_start3A_742] : memref<200x8x32x8x128xf32, #tpu.memory_space<hbm>> -> memref<1x8x2x8x128xf32, #tpu.memory_space<hbm>>
      %dma_start3A_744 = tpu.memref_squeeze %dma_start3A_743 : memref<1x8x2x8x128xf32, #tpu.memory_space<hbm>> -> memref<8x2x8x128xf32, #tpu.memory_space<hbm>>
      %dma_start3A_745 = tpu.memref_slice %arg12[%dma_start3A_733] : memref<2x!tpu.dma_semaphore, #tpu.memory_space<semaphore_mem>> -> memref<1x!tpu.dma_semaphore, #tpu.memory_space<semaphore_mem>>
      %dma_start3A_746 = tpu.memref_squeeze %dma_start3A_745 : memref<1x!tpu.dma_semaphore, #tpu.memory_space<semaphore_mem>> -> memref<!tpu.dma_semaphore, #tpu.memory_space<semaphore_mem>>
      %dma_start3A_747 = arith.constant 0 : i32
      %dma_start3A_748 = arith.constant 0 : i32
      %dma_start3A_749 = arith.constant 0 : i32
      %dma_start3A_750 = tpu.memref_slice %arg5[%select_n3A_727, %dma_start3A_747, %mul3A_731, %dma_start3A_748, %dma_start3A_749] : memref<200x8x32x8x128xf32, #tpu.memory_space<hbm>> -> memref<1x8x2x8x128xf32, #tpu.memory_space<hbm>>
      %dma_start3A_751 = tpu.memref_squeeze %dma_start3A_750 : memref<1x8x2x8x128xf32, #tpu.memory_space<hbm>> -> memref<8x2x8x128xf32, #tpu.memory_space<hbm>>
      %dma_start3A_752 = arith.constant 0 : i32
      %dma_start3A_753 = arith.constant 0 : i32
      %dma_start3A_754 = arith.constant 0 : i32
      %dma_start3A_755 = arith.constant 0 : i32
      %dma_start3A_756 = tpu.memref_slice %arg8[%dma_start3A_732, %dma_start3A_752, %dma_start3A_753, %dma_start3A_754, %dma_start3A_755] : memref<2x8x2x8x128xf32, #tpu.memory_space<vmem>> -> memref<1x8x2x8x128xf32, #tpu.memory_space<vmem>>
      %dma_start3A_757 = tpu.memref_squeeze %dma_start3A_756 : memref<1x8x2x8x128xf32, #tpu.memory_space<vmem>> -> memref<8x2x8x128xf32, #tpu.memory_space<vmem>>
      tpu.enqueue_dma source(%dma_start3A_757 : memref<8x2x8x128xf32, #tpu.memory_space<vmem>>) target(%dma_start3A_751 : memref<8x2x8x128xf32, #tpu.memory_space<hbm>>) target_semaphore(%dma_start3A_746 : memref<!tpu.dma_semaphore, #tpu.memory_space<semaphore_mem>>)
    }
    %scan3A_332 = arith.constant 50 : i32
    %add3A_333 = arith.constant 100 : i32
    %add3A_334 = arith.addi %mul3A_2, %add3A_333 : i32
    %sub3A_335 = arith.constant 2 : i32
    %sub3A_336 = arith.subi %add3A_334, %sub3A_335 : i32
    %jit3A_337 = arith.constant 16 : i32
    %div3A_338 = arith.divsi %sub3A_336, %jit3A_337 : i32
    %sign3A_339 = arith.constant 0 : i32
    %sign3A_340 = arith.cmpi sgt, %sub3A_336, %sign3A_339 : i32
    %sign3A_341 = arith.extui %sign3A_340 : i1 to i32
    %sign3A_342 = arith.constant 0 : i32
    %sign3A_343 = arith.cmpi slt, %sub3A_336, %sign3A_342 : i32
    %sign3A_344 = arith.extui %sign3A_343 : i1 to i32
    %sign3A_345 = arith.subi %sign3A_341, %sign3A_344 : i32
    %sign3A_346 = arith.constant 0 : i32
    %sign3A_347 = arith.cmpi sgt, %jit3A_337, %sign3A_346 : i32
    %sign3A_348 = arith.extui %sign3A_347 : i1 to i32
    %sign3A_349 = arith.constant 0 : i32
    %sign3A_350 = arith.cmpi slt, %jit3A_337, %sign3A_349 : i32
    %sign3A_351 = arith.extui %sign3A_350 : i1 to i32
    %sign3A_352 = arith.subi %sign3A_348, %sign3A_351 : i32
    %ne3A_353 = arith.cmpi ne, %sign3A_345, %sign3A_352 : i32
    %rem3A_354 = arith.remsi %sub3A_336, %jit3A_337 : i32
    %ne3A_355 = arith.constant 0 : i32
    %ne3A_356 = arith.cmpi ne, %rem3A_354, %ne3A_355 : i32
    %and3A_357 = arith.andi %ne3A_353, %ne3A_356 : i1
    %sub3A_358 = arith.constant 1 : i32
    %sub3A_359 = arith.subi %div3A_338, %sub3A_358 : i32
    %select_n3A_360 = arith.select %and3A_357, %sub3A_359, %div3A_338 : i32
    %rem3A_361 = arith.constant 16 : i32
    %rem3A_362 = arith.remsi %sub3A_336, %rem3A_361 : i32
    %mul3A_363 = arith.constant 2 : i32
    %mul3A_364 = arith.muli %mul3A_363, %rem3A_362 : i32
    %dma_wait3A_365 = arith.constant 0 : i32
    %dma_wait3A_366 = arith.constant 0 : i32
    %dma_wait3A_367 = arith.constant 0 : i32
    %dma_wait3A_368 = arith.constant 0 : i32
    %dma_wait3A_369 = arith.constant 0 : i32
    %dma_wait3A_370 = arith.constant 0 : i32
    %dma_wait3A_371 = tpu.memref_slice %arg8[%dma_wait3A_365, %dma_wait3A_367, %dma_wait3A_368, %dma_wait3A_369, %dma_wait3A_370] : memref<2x8x2x8x128xf32, #tpu.memory_space<vmem>> -> memref<1x8x2x8x128xf32, #tpu.memory_space<vmem>>
    %dma_wait3A_372 = tpu.memref_squeeze %dma_wait3A_371 : memref<1x8x2x8x128xf32, #tpu.memory_space<vmem>> -> memref<8x2x8x128xf32, #tpu.memory_space<vmem>>
    %dma_wait3A_373 = arith.constant 0 : i32
    %dma_wait3A_374 = arith.constant 0 : i32
    %dma_wait3A_375 = arith.constant 0 : i32
    %dma_wait3A_376 = tpu.memref_slice %arg5[%select_n3A_360, %dma_wait3A_373, %mul3A_364, %dma_wait3A_374, %dma_wait3A_375] : memref<200x8x32x8x128xf32, #tpu.memory_space<hbm>> -> memref<1x8x2x8x128xf32, #tpu.memory_space<hbm>>
    %dma_wait3A_377 = tpu.memref_squeeze %dma_wait3A_376 : memref<1x8x2x8x128xf32, #tpu.memory_space<hbm>> -> memref<8x2x8x128xf32, #tpu.memory_space<hbm>>
    %dma_wait3A_378 = tpu.memref_slice %arg12[%dma_wait3A_366] : memref<2x!tpu.dma_semaphore, #tpu.memory_space<semaphore_mem>> -> memref<1x!tpu.dma_semaphore, #tpu.memory_space<semaphore_mem>>
    %dma_wait3A_379 = tpu.memref_squeeze %dma_wait3A_378 : memref<1x!tpu.dma_semaphore, #tpu.memory_space<semaphore_mem>> -> memref<!tpu.dma_semaphore, #tpu.memory_space<semaphore_mem>>
    %dma_wait3A_380 = arith.constant 0 : i32
    %dma_wait3A_381 = arith.constant 0 : i32
    %dma_wait3A_382 = arith.constant 0 : i32
    %dma_wait3A_383 = tpu.memref_slice %arg5[%select_n3A_360, %dma_wait3A_380, %mul3A_364, %dma_wait3A_381, %dma_wait3A_382] : memref<200x8x32x8x128xf32, #tpu.memory_space<hbm>> -> memref<1x8x2x8x128xf32, #tpu.memory_space<hbm>>
    %dma_wait3A_384 = tpu.memref_squeeze %dma_wait3A_383 : memref<1x8x2x8x128xf32, #tpu.memory_space<hbm>> -> memref<8x2x8x128xf32, #tpu.memory_space<hbm>>
    %dma_wait3A_385 = arith.constant 0 : i32
    %dma_wait3A_386 = arith.constant 0 : i32
    %dma_wait3A_387 = arith.constant 0 : i32
    %dma_wait3A_388 = arith.constant 0 : i32
    %dma_wait3A_389 = tpu.memref_slice %arg8[%dma_wait3A_365, %dma_wait3A_385, %dma_wait3A_386, %dma_wait3A_387, %dma_wait3A_388] : memref<2x8x2x8x128xf32, #tpu.memory_space<vmem>> -> memref<1x8x2x8x128xf32, #tpu.memory_space<vmem>>
    %dma_wait3A_390 = tpu.memref_squeeze %dma_wait3A_389 : memref<1x8x2x8x128xf32, #tpu.memory_space<vmem>> -> memref<8x2x8x128xf32, #tpu.memory_space<vmem>>
    tpu.wait_dma2 semaphore(%dma_wait3A_379 : memref<!tpu.dma_semaphore, #tpu.memory_space<semaphore_mem>>) src(%dma_wait3A_390 : memref<8x2x8x128xf32, #tpu.memory_space<vmem>>) dst(%dma_wait3A_384 : memref<8x2x8x128xf32, #tpu.memory_space<hbm>>)
    %add3A_391 = arith.constant 100 : i32
    %add3A_392 = arith.addi %mul3A_2, %add3A_391 : i32
    %sub3A_393 = arith.constant 1 : i32
    %sub3A_394 = arith.subi %add3A_392, %sub3A_393 : i32
    %jit3A_395 = arith.constant 16 : i32
    %div3A_396 = arith.divsi %sub3A_394, %jit3A_395 : i32
    %sign3A_397 = arith.constant 0 : i32
    %sign3A_398 = arith.cmpi sgt, %sub3A_394, %sign3A_397 : i32
    %sign3A_399 = arith.extui %sign3A_398 : i1 to i32
    %sign3A_400 = arith.constant 0 : i32
    %sign3A_401 = arith.cmpi slt, %sub3A_394, %sign3A_400 : i32
    %sign3A_402 = arith.extui %sign3A_401 : i1 to i32
    %sign3A_403 = arith.subi %sign3A_399, %sign3A_402 : i32
    %sign3A_404 = arith.constant 0 : i32
    %sign3A_405 = arith.cmpi sgt, %jit3A_395, %sign3A_404 : i32
    %sign3A_406 = arith.extui %sign3A_405 : i1 to i32
    %sign3A_407 = arith.constant 0 : i32
    %sign3A_408 = arith.cmpi slt, %jit3A_395, %sign3A_407 : i32
    %sign3A_409 = arith.extui %sign3A_408 : i1 to i32
    %sign3A_410 = arith.subi %sign3A_406, %sign3A_409 : i32
    %ne3A_411 = arith.cmpi ne, %sign3A_403, %sign3A_410 : i32
    %rem3A_412 = arith.remsi %sub3A_394, %jit3A_395 : i32
    %ne3A_413 = arith.constant 0 : i32
    %ne3A_414 = arith.cmpi ne, %rem3A_412, %ne3A_413 : i32
    %and3A_415 = arith.andi %ne3A_411, %ne3A_414 : i1
    %sub3A_416 = arith.constant 1 : i32
    %sub3A_417 = arith.subi %div3A_396, %sub3A_416 : i32
    %select_n3A_418 = arith.select %and3A_415, %sub3A_417, %div3A_396 : i32
    %rem3A_419 = arith.constant 16 : i32
    %rem3A_420 = arith.remsi %sub3A_394, %rem3A_419 : i32
    %mul3A_421 = arith.constant 2 : i32
    %mul3A_422 = arith.muli %mul3A_421, %rem3A_420 : i32
    %dma_wait3A_423 = arith.constant 1 : i32
    %dma_wait3A_424 = arith.constant 1 : i32
    %dma_wait3A_425 = arith.constant 0 : i32
    %dma_wait3A_426 = arith.constant 0 : i32
    %dma_wait3A_427 = arith.constant 0 : i32
    %dma_wait3A_428 = arith.constant 0 : i32
    %dma_wait3A_429 = tpu.memref_slice %arg8[%dma_wait3A_423, %dma_wait3A_425, %dma_wait3A_426, %dma_wait3A_427, %dma_wait3A_428] : memref<2x8x2x8x128xf32, #tpu.memory_space<vmem>> -> memref<1x8x2x8x128xf32, #tpu.memory_space<vmem>>
    %dma_wait3A_430 = tpu.memref_squeeze %dma_wait3A_429 : memref<1x8x2x8x128xf32, #tpu.memory_space<vmem>> -> memref<8x2x8x128xf32, #tpu.memory_space<vmem>>
    %dma_wait3A_431 = arith.constant 0 : i32
    %dma_wait3A_432 = arith.constant 0 : i32
    %dma_wait3A_433 = arith.constant 0 : i32
    %dma_wait3A_434 = tpu.memref_slice %arg5[%select_n3A_418, %dma_wait3A_431, %mul3A_422, %dma_wait3A_432, %dma_wait3A_433] : memref<200x8x32x8x128xf32, #tpu.memory_space<hbm>> -> memref<1x8x2x8x128xf32, #tpu.memory_space<hbm>>
    %dma_wait3A_435 = tpu.memref_squeeze %dma_wait3A_434 : memref<1x8x2x8x128xf32, #tpu.memory_space<hbm>> -> memref<8x2x8x128xf32, #tpu.memory_space<hbm>>
    %dma_wait3A_436 = tpu.memref_slice %arg12[%dma_wait3A_424] : memref<2x!tpu.dma_semaphore, #tpu.memory_space<semaphore_mem>> -> memref<1x!tpu.dma_semaphore, #tpu.memory_space<semaphore_mem>>
    %dma_wait3A_437 = tpu.memref_squeeze %dma_wait3A_436 : memref<1x!tpu.dma_semaphore, #tpu.memory_space<semaphore_mem>> -> memref<!tpu.dma_semaphore, #tpu.memory_space<semaphore_mem>>
    %dma_wait3A_438 = arith.constant 0 : i32
    %dma_wait3A_439 = arith.constant 0 : i32
    %dma_wait3A_440 = arith.constant 0 : i32
    %dma_wait3A_441 = tpu.memref_slice %arg5[%select_n3A_418, %dma_wait3A_438, %mul3A_422, %dma_wait3A_439, %dma_wait3A_440] : memref<200x8x32x8x128xf32, #tpu.memory_space<hbm>> -> memref<1x8x2x8x128xf32, #tpu.memory_space<hbm>>
    %dma_wait3A_442 = tpu.memref_squeeze %dma_wait3A_441 : memref<1x8x2x8x128xf32, #tpu.memory_space<hbm>> -> memref<8x2x8x128xf32, #tpu.memory_space<hbm>>
    %dma_wait3A_443 = arith.constant 0 : i32
    %dma_wait3A_444 = arith.constant 0 : i32
    %dma_wait3A_445 = arith.constant 0 : i32
    %dma_wait3A_446 = arith.constant 0 : i32
    %dma_wait3A_447 = tpu.memref_slice %arg8[%dma_wait3A_423, %dma_wait3A_443, %dma_wait3A_444, %dma_wait3A_445, %dma_wait3A_446] : memref<2x8x2x8x128xf32, #tpu.memory_space<vmem>> -> memref<1x8x2x8x128xf32, #tpu.memory_space<vmem>>
    %dma_wait3A_448 = tpu.memref_squeeze %dma_wait3A_447 : memref<1x8x2x8x128xf32, #tpu.memory_space<vmem>> -> memref<8x2x8x128xf32, #tpu.memory_space<vmem>>
    tpu.wait_dma2 semaphore(%dma_wait3A_437 : memref<!tpu.dma_semaphore, #tpu.memory_space<semaphore_mem>>) src(%dma_wait3A_448 : memref<8x2x8x128xf32, #tpu.memory_space<vmem>>) dst(%dma_wait3A_442 : memref<8x2x8x128xf32, #tpu.memory_space<hbm>>)
    return
  }
}

</mosaic_0001>

<sc_bundles>
// kernel: _tpe.3.cloned.1.call-start
scs
__scs_entry_jumppad:
0x0: {  	(pc) =	sbr.rel $0x88, $3  }
0x1: {  	(tag) =	ssettag $0x0;
	lr =	simm.s32 $0x1  }
0x2: {  	[smem:$0x3F9E] =	sst lr;
	_ =	strace $0xD0000000  }
0x3: {  	_ = 	snop  }
0x4: {  	_ = 	snop  }
0x5: {  	_ = 	snop  }
0x6: {  	_ = 	snop  }
0x7: {  	_ = 	snop  }
__scs_overlays_trampoline_lowered:
0x8: {  	[smem:$0x3FAD] =	sst s0  }
0x9: {  	[smem:$0x3FAE] =	sst s1  }
0xa: {  	[smem:$0x3FAF] =	sst s2  }
0xb: {  	[smem:$0x3FB0] =	sst s3  }
0xc: {  	[smem:$0x3FB1] =	sst s4  }
0xd: {  	[smem:$0x3FB2] =	sst s5  }
0xe: {  	[smem:$0x3FB3] =	sst s6  }
0xf: {  	[smem:$0x3FB4] =	sst s7  }
0x10: {  	[smem:$0x3FB5] =	sst s8  }
0x11: {  	[smem:$0x3FB6] =	sst s9;
	s0 =	simm.s32 @!p0 $0x0  }
0x12: {  	s1 =	sld [smem:$0x3F9C];
	s0 =	simm.s32 @p0 $0x1  }
0x13: {  	[smem:$0x3FB7] =	sst s0;
	s0 =	simm.s32 @!p1 $0x0  }
0x14: {  	s2 =	sld [smem:$0x3F9B];
	s0 =	simm.s32 @p1 $0x1  }
0x15: {  	[smem:$0x3FB8] =	sst s0;
	s0 =	simm.s32 @!p2 $0x0  }
0x16: {  	s3 =	sld [smem:$0x3FDB];
	s0 =	simm.s32 @p2 $0x1  }
0x17: {  	s4 =	simm.s32 $0x1BF5;
	[smem:$0x3FBA] =	sst s0  }
0x18: {  	s0 =	sld [smem:$0x3F9D];
	_ =	swait.ge [sflag:s4], $0x0  }
0x19: {  	s7 =	sld [smem:$0x3F9E]  }
0x1a: {  	s8 =	sadd.s32 $0xFFFFE003, lr  }
0x1b: {  	s9 =	sadd.s32 $0xFFFFFEF7, lr;
	s5 =	simm.s32 $0xFFFFFFFF;
	p2 =	slt.u32 s8, $0xFFFFF086  }
0x1c: {  	p1 =	slt.u32 s9, $0xF7A;
	s5 =	simm.s32 @!p2 $0x0  }
0x1d: {  	s5 =	simm.s32 @p1 $0x1;
	p0 =	seq.s32 s7, s2  }
0x1e: {  	s7 =	smul.u32 @!p0 $0xF7A, s2;
	p2 =	seq.s32 @!p0 s5, $0x0  }
0x1f: {  	s9 =	smul.u32 $0xF7A, s1;
	s8 =	simm.s32 @!p0 $0x1BF5;
	p2 =	por !p2, p0  }
0x20: {  	[sflag:s8] =	ssyncset.s32 @!p0 $0xFFFFF086;
	s6 =	sadd.s32 @!p0 s3, s7;
	s7 =	simm.s32 @!p0 $0x108  }
0x21: {  	s3 =	sadd.s32 s3, s9;
	s6 =	sadd.s32 @!p0 $0x88, s6;
	s7 =	simm.s32 @p2 $0x1082  }
0x22: {  	[simem:s7], [sflag:s8] =	dma.local @!p0 [hbm:s6], $0xF7A  }
0x23: {  	s9 =	sor.u32 $0xD0000000, s2;
	s6 =	simm.s32 $0x108;
	_ =	swait.ge @!p0 [sflag:s8], $0x0  }
0x24: {  	s3 =	sadd.s32 $0x88, s3;
	s6 =	simm.s32 @!p1 $0x1082;
	[sflag:s4] =	ssyncset.s32 $0xFFFFF086  }
0x25: {  	[simem:s6], [sflag:s4] =	dma.local [hbm:s3], $0xF7A  }
0x26: {  	[smem:$0x3F9E] =	sst s1;
	(tag) =	ssettag s2;
	_ =	strace s9  }
0x27: {  	s1 =	sld [smem:$0x3FAE]  }
0x28: {  	s2 =	sld [smem:$0x3FAF]  }
0x29: {  	s4 =	sld [smem:$0x3FB1]  }
0x2a: {  	p0 =	seq.s32 s5, $0x0;
	s5 =	sld [smem:$0x3FB2]  }
0x2b: {  	s6 =	sld [smem:$0x3FB3]  }
0x2c: {  	s7 =	sld [smem:$0x3FB4]  }
0x2d: {  	s3 =	simm.s32 $0x108;
	s8 =	sld [smem:$0x3FB5]  }
0x2e: {  	s3 =	simm.s32 @!p0 $0x1082;
	s9 =	sld [smem:$0x3FB6]  }
0x2f: {  	lr =	sadd.s32 s0, s3;
	s0 =	sld [smem:$0x3FAD]  }
0x30: {  	s3 =	sld [smem:$0x3FB0]  }
0x31: {  	[smem:$0x3FB9] =	sst s10  }
0x32: {  	s10 =	sld [smem:$0x3FB7];
	_ =	sdelay $0x3  }
0x33: {  	p0 =	seq.s32 s10, $0x1;
	s10 =	sld [smem:$0x3FB9];
	_ =	sdelay $0x3  }
0x34: {  	[smem:$0x3FB9] =	sst s10  }
0x35: {  	s10 =	sld [smem:$0x3FB8];
	_ =	sdelay $0x3  }
0x36: {  	p1 =	seq.s32 s10, $0x1;
	s10 =	sld [smem:$0x3FB9];
	_ =	sdelay $0x3  }
0x37: {  	[smem:$0x3FB9] =	sst s10  }
0x38: {  	s10 =	sld [smem:$0x3FBA]  }
0x39: {  	_ = 	snop;
	(pc) =	sbr.ind lr, $3  }
0x3a: {  	_ = 	snop  }
0x3b: {  	_ = 	snop  }
0x3c: {  	p2 =	seq.s32 s10, $0x1;
	s10 =	sld [smem:$0x3FB9]  }
0x3d: {  	_ =	shalt  }
0x3e: {  	_ =	shalt  }
0x3f: {  	_ =	shalt  }
0x40: {  	_ =	shalt  }
0x41: {  	_ =	shalt  }
0x42: {  	_ =	shalt  }
0x43: {  	_ =	shalt  }
0x44: {  	_ =	shalt  }
0x45: {  	_ =	shalt  }
0x46: {  	_ =	shalt  }
0x47: {  	_ =	shalt  }
0x48: {  	_ =	shalt  }
0x49: {  	_ =	shalt  }
0x4a: {  	_ =	shalt  }
0x4b: {  	_ =	shalt  }
0x4c: {  	_ =	shalt  }
0x4d: {  	_ =	shalt  }
0x4e: {  	_ =	shalt  }
0x4f: {  	_ =	shalt  }
0x50: {  	_ =	shalt  }
0x51: {  	_ =	shalt  }
0x52: {  	_ =	shalt  }
0x53: {  	_ =	shalt  }
0x54: {  	_ =	shalt  }
0x55: {  	_ =	shalt  }
0x56: {  	_ =	shalt  }
0x57: {  	_ =	shalt  }
0x58: {  	_ =	shalt  }
0x59: {  	_ =	shalt  }
0x5a: {  	_ =	shalt  }
0x5b: {  	_ =	shalt  }
0x5c: {  	_ =	shalt  }
0x5d: {  	_ =	shalt  }
0x5e: {  	_ =	shalt  }
0x5f: {  	_ =	shalt  }
0x60: {  	_ =	shalt  }
0x61: {  	_ =	shalt  }
0x62: {  	_ =	shalt  }
0x63: {  	_ =	shalt  }
0x64: {  	_ =	shalt  }
0x65: {  	_ =	shalt  }
0x66: {  	_ =	shalt  }
0x67: {  	_ =	shalt  }
0x68: {  	_ =	shalt  }
0x69: {  	_ =	shalt  }
0x6a: {  	_ =	shalt  }
0x6b: {  	_ =	shalt  }
0x6c: {  	_ =	shalt  }
0x6d: {  	_ =	shalt  }
0x6e: {  	_ =	shalt  }
0x6f: {  	_ =	shalt  }
0x70: {  	_ =	shalt  }
0x71: {  	_ =	shalt  }
0x72: {  	_ =	shalt  }
0x73: {  	_ =	shalt  }
0x74: {  	_ =	shalt  }
0x75: {  	_ =	shalt  }
0x76: {  	_ =	shalt  }
0x77: {  	_ =	shalt  }
0x78: {  	_ =	shalt  }
0x79: {  	_ =	shalt  }
0x7a: {  	_ =	shalt  }
0x7b: {  	_ =	shalt  }
0x7c: {  	_ =	shalt  }
0x7d: {  	_ =	shalt  }
0x7e: {  	_ =	shalt  }
0x7f: {  	_ =	shalt  }
0x80: {  	_ =	shalt  }
0x81: {  	_ =	shalt  }
0x82: {  	_ =	shalt  }
0x83: {  	_ =	shalt  }
0x84: {  	_ =	shalt  }
0x85: {  	_ =	shalt  }
0x86: {  	_ =	shalt  }
0x87: {  	_ =	shalt  }
.Lfunc_end0:
.L_simem_size_0:
called_computation_lowered:
.L_overlay_start_0:
0x88: {  	s2 =	sld [smem:$0x3FD9]  }
0x89: {  	s3 =	sld [smem:$0x3FFE];
	_ =	sdelay $0x1  }
0x8a: {  	s1 =	srdreg.scid  }
0x8b: {  	s0 =	sand.u32 $0x1, s1  }
0x8c: {  	s17 =	sshll.u32 s0, $0xA;
	s2 =	sadd.s32 s3, s2  }
0x8d: {  	s2 =	sadd.s32 s2, s17  }
0x8e: {  	[smem:$0x3FC5] =	sst s2  }
0x8f: {  	_ = 	snop  }
0x90: {  	s2 =	sld [smem:$0x3FC9]  }
0x91: {  	s18 =	sld [smem:$0x3FD0];
	(tm) =	ssettm $0x1  }
0x92: {  	s4 =	sld [smem:$0x3FFB];
	_ =	sdelay $0x3  }
0x93: {  	_ =	strace s4  }
0x94: {  	s4 =	sld [smem:$0x3FFC];
	_ =	sdelay $0x3  }
0x95: {  	_ =	strace s4  }
0x96: {  	s4 =	sld [smem:$0x3FFD];
	_ =	sdelay $0x3  }
0x97: {  	_ =	strace s4  }
0x98: {  	_ =	strace $0x8FFFFFFF  }
0x99: {  	s19 =	sld [smem:$0x3FDB];
	_ =	sdelay $0x1  }
0x9a: {  	s5 =	simm.s32 $_scs_section_size  }
0x9b: {  	s6 =	simm.s32 $_size__tile_overlayer_lowered;
	s7 =	simm.s32 $_tile_overlayer_lowered  }
0x9c: {  	s22 =	simm.s32 $0x1BFF;
	s21 =	sshll.u32 s7, $0x1;
	s4 =	sadd.s32 s5, s19  }
0x9d: {  	s8 =	simm.s32 $0x0;
	s20 =	sshll.u32 s6, $0x1;
	s6 =	sadd.s32 s21, s4  }
0x9e: {  	[timem:s8], [sflag:s22] =	dma.local [hbm:s6], s20  }
0x9f: {  	_ =	swait.ge [sflag:s22], s20  }
0xa0: {  	s5 =	ssub.s32 $0x0, s20;
	[sflag:s22] =	ssyncset.done $0x0  }
0xa1: {  	[sflag:s22] =	ssyncadd.s32 s5;
	_ =	sdelay $0x1  }
0xa2: {  	s23 =	simm.s32 $0x1B8B  }
0xa3: {  	_ =	swait.ge [sflag:s23], $0x1  }
0xa4: {  	[sflag:s23] =	ssyncset.done $0x0  }
0xa5: {  	s25 =	simm.s32 $0x1B8E;
	s24 =	sld [smem:$0x3FFE];
	[sflag:s23] =	ssyncadd.s32 $0xFFFFFFFF  }
0xa6: {  	s26 =	simm.s32 $execute0_lowered;
	[smem:$0x3FD2] =	sst s25  }
0xa7: {  	s6 =	sshll.u32 s26, $0x1;
	_ =	strace $0x80000046;
	[dreg:$0x1] =	wrdreg $0xFFFFFFFF  }
0xa8: {  	s28 =	simm.s32 $_size_execute0_lowered;
	s4 =	sadd.s32 s4, s6;
	[dreg:$0x0] =	wrdreg $0x0  }
0xa9: {  	s6 =	sshll.u32 s28, $0x1;
	[dreg:$0x2] =	wrdreg s4  }
0xaa: {  	[dreg:$0x3] =	wrdreg s6  }
0xab: {  	[dreg:$0x4] =	wrdreg $0xC0  }
0xac: {  	_ =	task [dreg:s8], $0x5FFFF  }
0xad: {  	[dreg:$0x1] =	wrdreg $0xFFFFFFFF  }
0xae: {  	[dreg:$0x0] =	wrdreg $0x60  }
0xaf: {  	[dreg:$0x2] =	wrdreg s2  }
0xb0: {  	[dreg:$0x3] =	wrdreg s24  }
0xb1: {  	[dreg:$0x4] =	wrdreg s18  }
0xb2: {  	[dreg:$0x5] =	wrdreg $0x9  }
0xb3: {  	_ =	task.clear_ibuf [dreg:s8], $0x6FFFF;
	_ =	strace $0x90000046  }
0xb4: {  	s29 =	simm.s32 $0x9;
	_ =	strace $0x80000048  }
0xb5: {  	_ =	swait.ge [sflag:s29], $0x1  }
0xb6: {  	[sflag:s29] =	ssyncadd.s32 $0xFFFFFFFF  }
0xb7: {  	_ =	strace $0x90000048  }
0xb8: {  	_ =	sfence  }
0xb9: {  	s30 =	sld [smem:$0x0];
	_ =	sdelay $0x2  }
0xba: {  	s31 =	sshll.u32 s1, $0xD;
	s1 =	sshrl.u32 s1, $0x2  }
0xbb: {  	s3 =	sand.u32 $0x4000, s31;
	s1 =	sadd.s32 s1, s30  }
0xbc: {  	s0 =	sor.u32 s3, s0;
	s1 =	sshll.u32 s1, $0x11  }
0xbd: {  	s0 =	sor.u32 s1, s0  }
0xbe: {  	s0 =	sadd.s32 $0x8F2B, s0  }
0xbf: {  	[sflag:s0] =	ssyncadd.remote.s32 $0x1  }
0xc0: {  	_ =	sfence.sel $0xFFFF  }
0xc1: {  	[dreg:$0x0] =	wrdreg $0xFFFFFFFF;
	(pc) =	sbr.abs _section_cstart, $3  }
0xc2: {  	[dreg:$0x1] =	wrdreg $0xFFFFFFFF  }
0xc3: {  	_ =	task.clear_ibuf [dreg:s8], $0x2FFFF;
	_ =	strace $0x9FFFFFFF  }
0xc4: {  	(tm) =	ssettm $0x7FFFFFFF  }
0xc5: {  	_ =	shalt  }
tec
execute0_lowered:
.L_overlay_start_1:
0x0: {  	(tag) =	ssettag $0x1  }
0x1: {  	v0 =	vimm.s32 $0xB80;
	vm14 =	vcmask $0x300  }
0x2: {  	v1 =	vimm.s32 $0x1B80;
	vm13 =	vcmask $0x704;
	vm12 =	vcmask $0xB08  }
0x3: {  	vm11 =	vcmask $0xF0C;
	vm10 =	vcmask $0x1310;
	vm9 =	vcmask $0x1714  }
0x4: {  	vm8 =	vcmask $0x1B18;
	vm7 =	vcmask $0x1F1C;
	vm6 =	vcmask $0x2320  }
0x5: {  	vm5 =	vcmask $0x2724;
	vm4 =	vcmask $0x2B28;
	vm3 =	vcmask $0x2F2C  }
0x6: {  	vm2 =	vcmask $0x3330;
	vm1 =	vcmask $0x3734;
	vm0 =	vcmask $0x3B38  }
0x7: {  	v2 =	vimm.s32 $0x2B80;
	v3 =	vimm.s32 $0x3B80;
	v4 =	vimm.s32 $0xF80  }
0x8: {  	v5 =	vimm.s32 $0x1F80;
	v6 =	vimm.s32 $0x2F80;
	v7 =	vimm.s32 $0x3F80  }
0x9: {  	v0 =	vsel vm14, $0x0, v0;
	v1 =	vsel vm14, $0x1000, v1;
	v2 =	vsel vm14, $0x2000, v2  }
0xa: {  	v3 =	vsel vm14, $0x3000, v3;
	v4 =	vsel vm14, $0x400, v4;
	v5 =	vsel vm14, $0x1400, v5  }
0xb: {  	v6 =	vsel vm14, $0x2400, v6;
	v7 =	vsel vm14, $0x3400, v7;
	v0 =	vsel vm13, $0x80, v0  }
0xc: {  	v1 =	vsel vm13, $0x1080, v1;
	v2 =	vsel vm13, $0x2080, v2;
	v3 =	vsel vm13, $0x3080, v3  }
0xd: {  	v4 =	vsel vm13, $0x480, v4;
	v5 =	vsel vm13, $0x1480, v5;
	v6 =	vsel vm13, $0x2480, v6  }
0xe: {  	v7 =	vsel vm13, $0x3480, v7;
	v0 =	vsel vm12, $0x100, v0;
	v1 =	vsel vm12, $0x1100, v1  }
0xf: {  	v2 =	vsel vm12, $0x2100, v2;
	v3 =	vsel vm12, $0x3100, v3;
	v4 =	vsel vm12, $0x500, v4  }
0x10: {  	v5 =	vsel vm12, $0x1500, v5;
	v6 =	vsel vm12, $0x2500, v6;
	v7 =	vsel vm12, $0x3500, v7  }
0x11: {  	v0 =	vsel vm11, $0x180, v0;
	v1 =	vsel vm11, $0x1180, v1;
	v2 =	vsel vm11, $0x2180, v2  }
0x12: {  	v3 =	vsel vm11, $0x3180, v3;
	v4 =	vsel vm11, $0x580, v4;
	v5 =	vsel vm11, $0x1580, v5  }
0x13: {  	v6 =	vsel vm11, $0x2580, v6;
	v7 =	vsel vm11, $0x3580, v7;
	v0 =	vsel vm10, $0x200, v0  }
0x14: {  	v1 =	vsel vm10, $0x1200, v1;
	v2 =	vsel vm10, $0x2200, v2;
	v3 =	vsel vm10, $0x3200, v3  }
0x15: {  	v4 =	vsel vm10, $0x600, v4;
	v5 =	vsel vm10, $0x1600, v5;
	v6 =	vsel vm10, $0x2600, v6  }
0x16: {  	v7 =	vsel vm10, $0x3600, v7;
	v0 =	vsel vm9, $0x280, v0;
	v1 =	vsel vm9, $0x1280, v1  }
0x17: {  	v2 =	vsel vm9, $0x2280, v2;
	v3 =	vsel vm9, $0x3280, v3;
	v4 =	vsel vm9, $0x680, v4  }
0x18: {  	v5 =	vsel vm9, $0x1680, v5;
	v6 =	vsel vm9, $0x2680, v6;
	v7 =	vsel vm9, $0x3680, v7  }
0x19: {  	v0 =	vsel vm8, $0x300, v0;
	v1 =	vsel vm8, $0x1300, v1;
	v2 =	vsel vm8, $0x2300, v2  }
0x1a: {  	v3 =	vsel vm8, $0x3300, v3;
	v4 =	vsel vm8, $0x700, v4;
	v5 =	vsel vm8, $0x1700, v5  }
0x1b: {  	v6 =	vsel vm8, $0x2700, v6;
	v7 =	vsel vm8, $0x3700, v7;
	v0 =	vsel vm7, $0x380, v0  }
0x1c: {  	v1 =	vsel vm7, $0x1380, v1;
	v2 =	vsel vm7, $0x2380, v2;
	v3 =	vsel vm7, $0x3380, v3  }
0x1d: {  	v4 =	vsel vm7, $0x780, v4;
	v5 =	vsel vm7, $0x1780, v5;
	v6 =	vsel vm7, $0x2780, v6  }
0x1e: {  	v7 =	vsel vm7, $0x3780, v7;
	v0 =	vsel vm6, $0x800, v0;
	v1 =	vsel vm6, $0x1800, v1  }
0x1f: {  	v2 =	vsel vm6, $0x2800, v2;
	v3 =	vsel vm6, $0x3800, v3;
	v4 =	vsel vm6, $0xC00, v4  }
0x20: {  	s0 =	rddreg [dreg:$0x0];
	v5 =	vsel vm6, $0x1C00, v5;
	v6 =	vsel vm6, $0x2C00, v6;
	v7 =	vsel vm6, $0x3C00, v7  }
0x21: {  	s1 =	rddreg [dreg:$0x1];
	s3 =	srdreg.scid;
	v0 =	vsel vm5, $0x880, v0;
	v1 =	vsel vm5, $0x1880, v1;
	v2 =	vsel vm5, $0x2880, v2  }
0x22: {  	s4 =	stileid.u32;
	s2 =	rddreg [dreg:$0x2];
	s14 =	simm.s32 $0x100;
	v3 =	vsel vm5, $0x3880, v3;
	v4 =	vsel vm5, $0xC80, v4;
	v5 =	vsel vm5, $0x1C80, v5  }
0x23: {  	s15 =	simm.s32 $0x1;
	s16 =	simm.s32 $0x80;
	s19 =	simm.s32 $0x3;
	v6 =	vsel vm5, $0x2C80, v6;
	v7 =	vsel vm5, $0x3C80, v7;
	v0 =	vsel vm4, $0x900, v0  }
0x24: {  	s20 =	simm.s32 $0x2;
	s21 =	simm.s32 $0x4200;
	s22 =	simm.s32 $0x180;
	v1 =	vsel vm4, $0x1900, v1;
	v2 =	vsel vm4, $0x2900, v2;
	v3 =	vsel vm4, $0x3900, v3  }
0x25: {  	s23 =	simm.s32 $0x6200;
	s24 =	simm.s32 $0x8200;
	s28 =	simm.s32 $0x4;
	v4 =	vsel vm4, $0xD00, v4;
	v5 =	vsel vm4, $0x1D00, v5;
	v6 =	vsel vm4, $0x2D00, v6  }
0x26: {  	s29 =	simm.s32 $0xC200;
	s5 =	sand.u32 $0x1, s3;
	s4 =	sshll.u32 s4, $0x1;
	v7 =	vsel vm4, $0x3D00, v7;
	v0 =	vsel vm3, $0x980, v0;
	v1 =	vsel vm3, $0x1980, v1  }
0x27: {  	s30 =	simm.s32 $0x5;
	s3 =	simm.s32 $0x0;
	s6 =	sor.u32 s5, s4;
	v2 =	vsel vm3, $0x2980, v2;
	v3 =	vsel vm3, $0x3980, v3;
	v4 =	vsel vm3, $0xD80, v4  }
0x28: {  	s31 =	simm.s32 $0x6;
	[smem:$0x7FF] =	sst s3;
	s4 =	smul.u32 $0x6400, s6;
	v5 =	vsel vm3, $0x1D80, v5;
	v6 =	vsel vm3, $0x2D80, v6;
	v7 =	vsel vm3, $0x3D80, v7  }
0x29: {  	s10 =	sadd.s32 $0x40, s0;
	_ =	strace $0x80000047;
	s7 =	sshll.u32 s6, $0xA;
	v0 =	vsel vm2, $0xA00, v0;
	v1 =	vsel vm2, $0x1A00, v1;
	v2 =	vsel vm2, $0x2A00, v2  }
0x2a: {  	s5 =	ssub.s32 $0x2, s5;
	s7 =	sand.u32 $0xC00, s7;
	s8 =	sand.u32 $0xFF000, s4;
	v3 =	vsel vm2, $0x3A00, v3;
	v4 =	vsel vm2, $0xE00, v4;
	v5 =	vsel vm2, $0x1E00, v5  }
0x2b: {  	s25 =	sshrl.u32 s5, $0x1;
	s4 =	sadd.s32 $0xF42A00, s1;
	s1 =	sadd.s32 $0x600, s1;
	v6 =	vsel vm2, $0x2E00, v6;
	v7 =	vsel vm2, $0x3E00, v7;
	v0 =	vsel vm1, $0xA80, v0  }
0x2c: {  	s7 =	sor.u32 s7, s8;
	[dreg:$0x4] =	wrdreg s1;
	s1 =	ssub.s32 s5, s25;
	v1 =	vsel vm1, $0x1A80, v1;
	v2 =	vsel vm1, $0x2A80, v2;
	v3 =	vsel vm1, $0x3A80, v3  }
0x2d: {  	s11 =	sadd.s32 $0x60, s0;
	s7 =	sshrl.u32 s7, $0x3;
	s1 =	smax.u32 s1, $0x1;
	v4 =	vsel vm1, $0xE80, v4;
	v5 =	vsel vm1, $0x1E80, v5;
	v6 =	vsel vm1, $0x2E80, v6  }
0x2e: {  	s6 =	smul.u32 $0x64, s6;
	s26 =	sadd.s32 s0, s7;
	[dreg:$0x7] =	wrdreg s1;
	v7 =	vsel vm1, $0x3E80, v7;
	v0 =	vsel vm0, $0xB00, v0;
	v1 =	vsel vm0, $0x1B00, v1  }
0x2f: {  	s25 =	simm.s32 $0x800;
	[dreg:$0x5] =	wrdreg s26;
	s5 =	sadd.s32 $0x20, s26;
	v2 =	vsel vm0, $0x2B00, v2;
	v3 =	vsel vm0, $0x3B00, v3;
	v4 =	vsel vm0, $0xF00, v4  }
0x30: {  	s1 =	simm.s32 $0x0;
	s26 =	simm.s32 $0x8000;
	[dreg:$0x6] =	wrdreg s5;
	v5 =	vsel vm0, $0x1F00, v5;
	v6 =	vsel vm0, $0x2F00, v6;
	v7 =	vsel vm0, $0x3F00, v7  }
.LBB2_1:
0x31: {  	s0 =	rddreg [dreg:$0x4];
	s5 =	simm.s32 $0x10200;
	s9 =	simm.s32 $0x7  }
0x32: {  	[tilespmem:s5], [sflag:$0x7] =	stream.linear.gather [hbm4b:s0+s3], $0x3200, $0x38;
	[tilespmem:$0x13400] =	vst v63  }
0x33: {  	_ =	swait.ge [sflag:s9], $0x3200  }
0x34: {  	[sflag:s9] =	ssyncset.done $0x0  }
0x35: {  	s12 =	rddreg [dreg:$0x5];
	[sflag:s9] =	ssyncadd.s32 $0xFFFFCE00  }
0x36: {  	[tilespmem:s3], [sflag:$0x1] =	stream.linear.gather [hbm4b:s12+s3], $0x100, $0x38;
	[tilespmem:$0x13400] =	vst v63  }
0x37: {  	s13 =	rddreg [dreg:$0x6]  }
0x38: {  	[tilespmem:s14], [sflag:$0x2] =	stream.linear.gather [hbm4b:s13+s3], $0x100, $0x38;
	[tilespmem:$0x13400] =	vst v63  }
0x39: {  	_ =	swait.ge [sflag:s15], $0x100  }
0x3a: {  	[sflag:s15] =	ssyncset.done $0x0  }
0x3b: {  	s17 =	simm.s32 $0x200;
	[sflag:s15] =	ssyncadd.s32 $0xFFFFFF00  }
0x3c: {  	[tilespmem:s17], [sflag:$0x3] =	stream.indirect.gather [hbm4b:s4+s16], $0x40, s3, s16, $0xb8;
	[tilespmem:$0x13400] =	vst v63  }
0x3d: {  	s18 =	simm.s32 $0x2200;
	s0 =	simm.s32 $0x0  }
0x3e: {  	[tilespmem:s18], [sflag:$0x3] =	stream.indirect.gather [hbm4b:s4+s16], $0x40, s16, s16, $0xb8;
	[tilespmem:$0x13400] =	vst v63  }
.LBB2_2:
0x3f: {  	_ =	swait.ge [sflag:s19], $0x2000  }
0x40: {  	[sflag:s19] =	ssyncset.done $0x0  }
0x41: {  	[sflag:s19] =	ssyncadd.s32 $0xFFFFE000  }
0x42: {  	_ =	swait.ge [sflag:s19], $0x2000  }
0x43: {  	[sflag:s19] =	ssyncset.done $0x0  }
0x44: {  	[sflag:s19] =	ssyncadd.s32 $0xFFFFE000  }
0x45: {  	p0 =	seq.s32 s0, $0x31;
	_ =	swait.ge [sflag:s20], $0x100  }
0x46: {  	p1 =	seq.s32 @!p0 s0, $0x0;
	[sflag:s20] =	ssyncset.done $0x0  }
0x47: {  	s5 =	sshll.u32 s0, $0x1;
	p1 =	por p0, !p1;
	[sflag:s20] =	ssyncadd.s32 $0xFFFFFF00  }
0x48: {  	[tilespmem:s21], [sflag:$0x4] =	stream.indirect.gather [hbm4b:s4+s16], $0x40, s14, s16, $0xb8;
	[tilespmem:$0x13400] =	vst v63  }
.Ltmp0:
0x49: {  	s5 =	sadd.s32 s6, s5;
	(pc) =	sbr.rel @!p1 .LBB2_3-.Ltmp0, $4  }
0x4a: {  	s17 =	sshll.u32 @!p0 s5, $0x5  }
0x4b: {  	[tilespmem:s23], [sflag:$0x4] =	stream.indirect.gather [hbm4b:s4+s16], $0x40, s22, s16, $0xb8;
	[tilespmem:$0x13400] =	vst v63  }
0x4c: {  	s8 =	simm.s32 @!p0 $0x0;
	s7 =	sadd.s32 @!p0 s10, s17  }
0x4d: {  	[tilespmem:s8], [sflag:$0x1] =	stream.linear.gather @!p0 [hbm4b:s7+s8], $0x100, $0x38;
	[tilespmem:$0x13400] =	vst v63  }
.Ltmp1:
0x4e: {  	(pc) =	sbr.rel .LBB2_5-.Ltmp1, $4  }
0x4f: {  	_ = 	snop  }
0x50: {  	_ =	swait.ge [sflag:s30], $0x4000  }
0x51: {  	[sflag:s30] =	ssyncset.done $0x0  }
0x52: {  	p1 =	por $0x0, $0x0;
	[sflag:s30] =	ssyncadd.s32 $0xFFFFC000  }
.LBB2_3:
0x53: {  	p1 =	por @!p0 $0x1, $0x1  }
.LBB2_5:
0x54: {  	s7 =	sshll.u32 s5, $0x2;
	s8 =	simm.s32 $0x3  }
0x55: {  	s12 =	sand.u32 $0x3FFFFFC0, s7;
	v8 =	vmov s8  }
0x56: {  	s8 =	simm.s32 $0x2200;
	v11 =	vld [tilespmem:s12+$0x10200];
	v8 =	vand.u32 $0x7F, v8  }
0x57: {  	s13 =	simm.s32 $0x1;
	v12 =	vld [tilespmem:s8+$0xFFFFE0C0];
	v19 =	vbroadcast v8, $0x0  }
0x58: {  	s18 =	simm.s32 $0x2;
	v8 =	vmov s13  }
0x59: {  	v13 =	vmov s18;
	v10 =	vld [tilespmem:s12+$0x10210];
	v8 =	vand.u32 $0x7D, v8;
	v14 =	vor.u32 v0, v19  }
0x5a: {  	s9 =	simm.s32 $0x0;
	v13 =	vand.u32 $0x7E, v13;
	v15 =	vld [tilespmem:s8+$0xFFFFE040];
	v16 =	vbroadcast v8, $0x0  }
0x5b: {  	v18 =	vmov s9;
	v9 =	vld [tilespmem:s12+$0x10220];
	v17 =	vbroadcast v13, $0x0  }
0x5c: {  	v20 =	vld [tilespmem:s8+$0xFFFFE080];
	v13 =	vand.u32 $0x7C, v18;
	v21 =	vor.u32 v0, v16;
	v12 =	vadd.f32 v12, v11  }
0x5d: {  	v18 =	vbroadcast v13, $0x0;
	v13 =	vld [tilespmem:s8+$0xFFFFE000]  }
0x5e: {  	v8 =	vld [tilespmem:s12+$0x10230];
	v22 =	vor.u32 v0, v17;
	[tilespmem:v14+s24+$0x0] =	vst.idx.msk $0xffff, v12  }
0x5f: {  	v12 =	vor.u32 v0, v18;
	v14 =	vadd.f32 v15, v11;
	v15 =	vld [tilespmem:s8+$0xFFFFE0D0];
	_ =	sdelay $0x1  }
0x60: {  	v20 =	vadd.f32 v20, v11;
	[tilespmem:v21+s24+$0x0] =	vst.idx.msk $0xffff, v14;
	v14 =	vor.u32 v1, v19  }
0x61: {  	v13 =	vadd.f32 v13, v11;
	v21 =	vld [tilespmem:s8+$0xFFFFE050]  }
0x62: {  	[tilespmem:v22+s24+$0x0] =	vst.idx.msk $0xffff, v20  }
0x63: {  	v20 =	vld [tilespmem:s8+$0xFFFFE090];
	[tilespmem:v12+s24+$0x0] =	vst.idx.msk $0xffff, v13;
	v12 =	vor.u32 v1, v16;
	v13 =	vadd.f32 v15, v10  }
0x64: {  	v15 =	vld [tilespmem:s8+$0xFFFFE010]  }
0x65: {  	v22 =	vor.u32 v1, v17;
	[tilespmem:v14+s24+$0x0] =	vst.idx.msk $0xffff, v13  }
0x66: {  	v13 =	vor.u32 v1, v18;
	v14 =	vadd.f32 v21, v10;
	v21 =	vld [tilespmem:s8+$0xFFFFE0E0];
	_ =	sdelay $0x1  }
0x67: {  	v20 =	vadd.f32 v20, v10;
	[tilespmem:v12+s24+$0x0] =	vst.idx.msk $0xffff, v14;
	v12 =	vor.u32 v2, v19  }
0x68: {  	v14 =	vadd.f32 v15, v10;
	v15 =	vld [tilespmem:s8+$0xFFFFE060]  }
0x69: {  	[tilespmem:v22+s24+$0x0] =	vst.idx.msk $0xffff, v20  }
0x6a: {  	v20 =	vld [tilespmem:s8+$0xFFFFE0A0];
	[tilespmem:v13+s24+$0x0] =	vst.idx.msk $0xffff, v14;
	v13 =	vor.u32 v2, v16;
	v14 =	vadd.f32 v21, v9  }
0x6b: {  	v21 =	vld [tilespmem:s8+$0xFFFFE020]  }
0x6c: {  	v22 =	vor.u32 v2, v17;
	[tilespmem:v12+s24+$0x0] =	vst.idx.msk $0xffff, v14  }
0x6d: {  	v12 =	vor.u32 v2, v18;
	v14 =	vadd.f32 v15, v9;
	v15 =	vld [tilespmem:s8+$0xFFFFE0F0];
	_ =	sdelay $0x1  }
0x6e: {  	v20 =	vadd.f32 v20, v9;
	[tilespmem:v13+s24+$0x0] =	vst.idx.msk $0xffff, v14;
	v13 =	vor.u32 v3, v19  }
0x6f: {  	s9 =	simm.s32 $0x5;
	v14 =	vadd.f32 v21, v9;
	v21 =	vld [tilespmem:s8+$0xFFFFE070]  }
0x70: {  	s18 =	simm.s32 $0x7;
	v23 =	vmov s9;
	s13 =	simm.s32 $0x4;
	v26 =	vor.u32 v3, v17;
	[tilespmem:v22+s24+$0x0] =	vst.idx.msk $0xffff, v20  }
0x71: {  	v20 =	vmov s13;
	v22 =	vld [tilespmem:s8+$0xFFFFE0B0];
	[tilespmem:v12+s24+$0x0] =	vst.idx.msk $0xffff, v14;
	v14 =	vadd.f32 v15, v8;
	v15 =	vmov s18  }
0x72: {  	v24 =	vor.u32 v3, v16;
	v12 =	vand.u32 $0x7C, v20;
	v20 =	vld [tilespmem:s8+$0xFFFFE030];
	s18 =	simm.s32 $0x2300;
	v15 =	vand.u32 $0x7F, v15  }
0x73: {  	v31 =	vor.u32 v4, v19;
	v33 =	vor.u32 v4, v17;
	s13 =	simm.s32 $0x6;
	v27 =	vld [tilespmem:s18+$0xFFFFE0C0];
	[tilespmem:v13+s24+$0x0] =	vst.idx.msk $0xffff, v14;
	v13 =	vbroadcast v15, $0x0  }
0x74: {  	v28 =	vor.u32 v3, v18;
	v25 =	vmov s13;
	v15 =	vadd.f32 v21, v8;
	v21 =	vld [tilespmem:s8+$0xC0]  }
0x75: {  	v12 =	vbroadcast v12, $0x0;
	v14 =	vand.u32 $0x7D, v23;
	v23 =	vld [tilespmem:s18+$0xFFFFE000];
	v29 =	vor.u32 v0, v13  }
0x76: {  	v25 =	vand.u32 $0x7E, v25;
	v22 =	vadd.f32 v22, v8;
	v30 =	vld [tilespmem:s18+$0xFFFFE040];
	v14 =	vbroadcast v14, $0x0  }
0x77: {  	v32 =	vld [tilespmem:s18+$0xFFFFE080];
	[tilespmem:v24+s24+$0x0] =	vst.idx.msk $0xffff, v15;
	v24 =	vor.u32 v0, v12;
	v15 =	vbroadcast v25, $0x0;
	v20 =	vadd.f32 v20, v8  }
0x78: {  	[tilespmem:v26+s24+$0x0] =	vst.idx.msk $0xffff, v22;
	v22 =	vor.u32 v0, v14;
	v26 =	vld [tilespmem:s8+$0x40];
	v25 =	vadd.f32 v27, v11  }
0x79: {  	v27 =	vld [tilespmem:s8+$0x80];
	[tilespmem:v28+s24+$0x0] =	vst.idx.msk $0xffff, v20;
	v20 =	vor.u32 v0, v15;
	v21 =	vadd.f32 v21, v11  }
0x7a: {  	v23 =	vadd.f32 v23, v11;
	v28 =	vor.u32 v4, v16;
	[tilespmem:v29+s24+$0x0] =	vst.idx.msk $0xffff, v25;
	v25 =	vld [tilespmem:s8+$0x0]  }
0x7b: {  	v61 =	vor.u32 v5, v17;
	v29 =	vadd.f32 v30, v11;
	v30 =	vld [tilespmem:s18+$0xFFFFE0D0];
	[tilespmem:v31+s24+$0x0] =	vst.idx.msk $0xffff, v21  }
0x7c: {  	[tilespmem:v24+s24+$0x0] =	vst.idx.msk $0xffff, v23;
	v23 =	vor.u32 v4, v18;
	v21 =	vadd.f32 v32, v11;
	v24 =	vld [tilespmem:s8+$0xD0]  }
0x7d: {  	v31 =	vld [tilespmem:s18+$0xFFFFE010];
	v26 =	vadd.f32 v26, v11;
	[tilespmem:v22+s24+$0x0] =	vst.idx.msk $0xffff, v29;
	v22 =	vor.u32 v1, v13  }
0x7e: {  	v29 =	vld [tilespmem:s18+$0xFFFFE050];
	[tilespmem:v20+s24+$0x0] =	vst.idx.msk $0xffff, v21;
	v20 =	vadd.f32 v27, v11;
	v21 =	vor.u32 v5, v19  }
0x7f: {  	v27 =	vor.u32 v1, v12;
	[tilespmem:v28+s24+$0x0] =	vst.idx.msk $0xffff, v26;
	v60 =	vld [tilespmem:s18+$0xFFFFE090];
	v25 =	vadd.f32 v25, v11  }
0x80: {  	v26 =	vor.u32 v1, v14;
	[tilespmem:v33+s24+$0x0] =	vst.idx.msk $0xffff, v20;
	v28 =	vadd.f32 v30, v10;
	v30 =	vld [tilespmem:s8+$0x50]  }
0x81: {  	v20 =	vor.u32 v1, v15;
	[tilespmem:v23+s24+$0x0] =	vst.idx.msk $0xffff, v25;
	v23 =	vld [tilespmem:s8+$0x90];
	v24 =	vadd.f32 v24, v10  }
0x82: {  	v25 =	vadd.f32 v31, v10;
	[tilespmem:v22+s24+$0x0] =	vst.idx.msk $0xffff, v28;
	v22 =	vld [tilespmem:s8+$0x10];
	v28 =	vor.u32 v5, v16  }
0x83: {  	v36 =	vor.u32 v6, v17;
	v29 =	vadd.f32 v29, v10;
	v31 =	vld [tilespmem:s18+$0xFFFFE0E0];
	[tilespmem:v21+s24+$0x0] =	vst.idx.msk $0xffff, v24  }
0x84: {  	[tilespmem:v27+s24+$0x0] =	vst.idx.msk $0xffff, v25;
	v21 =	vadd.f32 v60, v10;
	v24 =	vor.u32 v5, v18;
	v25 =	vld [tilespmem:s8+$0xE0]  }
0x85: {  	v27 =	vld [tilespmem:s18+$0xFFFFE020];
	[tilespmem:v26+s24+$0x0] =	vst.idx.msk $0xffff, v29;
	v26 =	vor.u32 v2, v13;
	v29 =	vadd.f32 v30, v10  }
0x86: {  	v30 =	vld [tilespmem:s18+$0xFFFFE060];
	[tilespmem:v20+s24+$0x0] =	vst.idx.msk $0xffff, v21;
	v21 =	vor.u32 v6, v19;
	v20 =	vadd.f32 v23, v10  }
0x87: {  	v23 =	vor.u32 v2, v12;
	v62 =	vld [tilespmem:s18+$0xFFFFE0A0];
	v22 =	vadd.f32 v22, v10;
	[tilespmem:v28+s24+$0x0] =	vst.idx.msk $0xffff, v29  }
0x88: {  	v29 =	vor.u32 v2, v14;
	v28 =	vadd.f32 v31, v9;
	v31 =	vld [tilespmem:s8+$0x60];
	[tilespmem:v61+s24+$0x0] =	vst.idx.msk $0xffff, v20  }
0x89: {  	v20 =	vor.u32 v2, v15;
	[tilespmem:v24+s24+$0x0] =	vst.idx.msk $0xffff, v22;
	v22 =	vld [tilespmem:s8+$0xA0];
	v24 =	vadd.f32 v25, v9  }
0x8a: {  	v63 =	vor.u32 v6, v16;
	v25 =	vadd.f32 v27, v9;
	[tilespmem:v26+s24+$0x0] =	vst.idx.msk $0xffff, v28;
	v26 =	vld [tilespmem:s8+$0x20]  }
0x8b: {  	v37 =	vor.u32 v6, v18;
	v27 =	vadd.f32 v30, v9;
	v35 =	vld [tilespmem:s18+$0xFFFFE0F0];
	[tilespmem:v21+s24+$0x0] =	vst.idx.msk $0xffff, v24  }
0x8c: {  	s9 =	simm.s32 $0x8;
	v32 =	vor.u32 v3, v14;
	[tilespmem:v23+s24+$0x0] =	vst.idx.msk $0xffff, v25;
	v23 =	vadd.f32 v62, v9;
	v38 =	vld [tilespmem:s8+$0xF0]  }
0x8d: {  	v21 =	vmov s9;
	v28 =	vld [tilespmem:s18+$0xFFFFE030];
	[tilespmem:v29+s24+$0x0] =	vst.idx.msk $0xffff, v27;
	v29 =	vor.u32 v3, v13;
	v25 =	vadd.f32 v31, v9  }
0x8e: {  	s13 =	simm.s32 $0x9;
	v30 =	vor.u32 v7, v19;
	v24 =	vand.u32 $0x7C, v21;
	v27 =	vld [tilespmem:s18+$0xFFFFE070];
	[tilespmem:v20+s24+$0x0] =	vst.idx.msk $0xffff, v23;
	v20 =	vadd.f32 v22, v9  }
0x8f: {  	s9 =	simm.s32 $0xA;
	v21 =	vmov s13;
	v31 =	vor.u32 v3, v12;
	v23 =	vld [tilespmem:s18+$0xFFFFE0B0];
	v22 =	vadd.f32 v26, v9;
	[tilespmem:v63+s24+$0x0] =	vst.idx.msk $0xffff, v25  }
0x90: {  	v34 =	vmov s9;
	s13 =	simm.s32 $0xB;
	v19 =	vbroadcast v24, $0x0;
	v33 =	vadd.f32 v35, v8;
	v24 =	vld [tilespmem:s8+$0x70];
	[tilespmem:v36+s24+$0x0] =	vst.idx.msk $0xffff, v20  }
0x91: {  	s7 =	simm.s32 $0xC;
	s9 =	sshrl.u32 s5, $0x4;
	v25 =	vor.u32 v3, v15;
	v20 =	vmov s13;
	[tilespmem:v37+s24+$0x0] =	vst.idx.msk $0xffff, v22;
	v26 =	vld [tilespmem:s8+$0xB0];
	v35 =	vadd.f32 v38, v8  }
.LBB2_6:
0x92: {  	p2 =	slt.u32 s7, $0x7C;
	v20 =	vand.u32 $0x7F, v20;
	v22 =	vadd.f32 v28, v8;
	[tilespmem:v29+s24+$0x0] =	vst.idx.msk $0xffff, v33;
	v28 =	vld [tilespmem:s8+$0x30];
	v16 =	vor.u32 v7, v16;
	s8 =	smov.u32 s18;
	s18 =	sadd.s32 $0x100, s18  }
0x93: {  	v17 =	vor.u32 v7, v17;
	v29 =	vld [tilespmem:s18+$0xFFFFE0C0];
	v20 =	vbroadcast v20, $0x0;
	v27 =	vadd.f32 v27, v8;
	[tilespmem:v30+s24+$0x0] =	vst.idx.msk $0xffff, v35  }
0x94: {  	v21 =	vand.u32 $0x7D, v21;
	v18 =	vor.u32 v7, v18;
	[tilespmem:v31+s24+$0x0] =	vst.idx.msk $0xffff, v22;
	v22 =	vadd.f32 v23, v8;
	v23 =	vld [tilespmem:s8+$0xC0]  }
0x95: {  	v31 =	vand.u32 $0x7E, v34;
	v30 =	vld [tilespmem:s18+$0xFFFFE000];
	v33 =	vor.u32 v0, v20;
	[tilespmem:v32+s24+$0x0] =	vst.idx.msk $0xffff, v27;
	v24 =	vadd.f32 v24, v8  }
0x96: {  	v21 =	vbroadcast v21, $0x0;
	v27 =	vld [tilespmem:s18+$0xFFFFE040];
	[tilespmem:v25+s24+$0x0] =	vst.idx.msk $0xffff, v22;
	v22 =	vor.u32 v4, v13;
	v25 =	vadd.f32 v26, v8  }
0x97: {  	v31 =	vbroadcast v31, $0x0;
	v26 =	vor.u32 v0, v19;
	v32 =	vld [tilespmem:s18+$0xFFFFE080];
	v28 =	vadd.f32 v28, v8;
	[tilespmem:v16+s24+$0x0] =	vst.idx.msk $0xffff, v24  }
0x98: {  	v24 =	vor.u32 v0, v21;
	v16 =	vmov v14;
	v29 =	vadd.f32 v29, v11;
	v34 =	vld [tilespmem:s8+$0x40];
	[tilespmem:v17+s24+$0x0] =	vst.idx.msk $0xffff, v25  }
0x99: {  	v14 =	vmov v21;
	v25 =	vor.u32 v0, v31;
	v35 =	vld [tilespmem:s8+$0x80];
	v23 =	vadd.f32 v23, v11;
	[tilespmem:v18+s24+$0x0] =	vst.idx.msk $0xffff, v28  }
0x9a: {  	v17 =	vmov v15;
	v28 =	vor.u32 v4, v16;
	v36 =	vadd.f32 v30, v11;
	[tilespmem:v33+s24+$0x0] =	vst.idx.msk $0xffff, v29;
	v21 =	vld [tilespmem:s8+$0x0]  }
0x9b: {  	v15 =	vmov v31;
	v30 =	vor.u32 v4, v17;
	v27 =	vadd.f32 v27, v11;
	v29 =	vld [tilespmem:s18+$0xFFFFE0D0];
	[tilespmem:v22+s24+$0x0] =	vst.idx.msk $0xffff, v23  }
0x9c: {  	v18 =	vmov v12;
	v23 =	vor.u32 v4, v12;
	[tilespmem:v26+s24+$0x0] =	vst.idx.msk $0xffff, v36;
	v22 =	vadd.f32 v32, v11;
	v26 =	vld [tilespmem:s8+$0xD0]  }
0x9d: {  	v12 =	vmov v19;
	v31 =	vld [tilespmem:s18+$0xFFFFE010];
	[tilespmem:v24+s24+$0x0] =	vst.idx.msk $0xffff, v27;
	v24 =	vor.u32 v1, v20;
	v27 =	vadd.f32 v34, v11  }
0x9e: {  	v19 =	vld [tilespmem:s18+$0xFFFFE050];
	[tilespmem:v25+s24+$0x0] =	vst.idx.msk $0xffff, v22;
	v22 =	vadd.f32 v35, v11;
	v25 =	vor.u32 v5, v13  }
0x9f: {  	v32 =	vor.u32 v1, v12;
	v33 =	vld [tilespmem:s18+$0xFFFFE090];
	v21 =	vadd.f32 v21, v11;
	[tilespmem:v28+s24+$0x0] =	vst.idx.msk $0xffff, v27  }
0xa0: {  	v27 =	vor.u32 v1, v14;
	v28 =	vadd.f32 v29, v10;
	v29 =	vld [tilespmem:s8+$0x50];
	[tilespmem:v30+s24+$0x0] =	vst.idx.msk $0xffff, v22  }
0xa1: {  	v22 =	vor.u32 v1, v15;
	[tilespmem:v23+s24+$0x0] =	vst.idx.msk $0xffff, v21;
	v21 =	vld [tilespmem:s8+$0x90];
	v23 =	vadd.f32 v26, v10  }
0xa2: {  	v26 =	vadd.f32 v31, v10;
	[tilespmem:v24+s24+$0x0] =	vst.idx.msk $0xffff, v28;
	v24 =	vld [tilespmem:s8+$0x10];
	v28 =	vor.u32 v5, v16  }
0xa3: {  	v31 =	vor.u32 v5, v17;
	v19 =	vadd.f32 v19, v10;
	v30 =	vld [tilespmem:s18+$0xFFFFE0E0];
	[tilespmem:v25+s24+$0x0] =	vst.idx.msk $0xffff, v23  }
0xa4: {  	v25 =	vor.u32 v5, v18;
	[tilespmem:v32+s24+$0x0] =	vst.idx.msk $0xffff, v26;
	v23 =	vadd.f32 v33, v10;
	v26 =	vld [tilespmem:s8+$0xE0]  }
0xa5: {  	v32 =	vld [tilespmem:s18+$0xFFFFE020];
	[tilespmem:v27+s24+$0x0] =	vst.idx.msk $0xffff, v19;
	v19 =	vor.u32 v2, v20;
	v27 =	vadd.f32 v29, v10  }
0xa6: {  	v29 =	vld [tilespmem:s18+$0xFFFFE060];
	[tilespmem:v22+s24+$0x0] =	vst.idx.msk $0xffff, v23;
	v21 =	vadd.f32 v21, v10;
	v22 =	vor.u32 v6, v13  }
0xa7: {  	v23 =	vor.u32 v2, v12;
	v33 =	vld [tilespmem:s18+$0xFFFFE0A0];
	v24 =	vadd.f32 v24, v10;
	[tilespmem:v28+s24+$0x0] =	vst.idx.msk $0xffff, v27  }
0xa8: {  	v27 =	vor.u32 v2, v14;
	v28 =	vadd.f32 v30, v9;
	v30 =	vld [tilespmem:s8+$0x60];
	[tilespmem:v31+s24+$0x0] =	vst.idx.msk $0xffff, v21  }
0xa9: {  	v31 =	vor.u32 v2, v15;
	[tilespmem:v25+s24+$0x0] =	vst.idx.msk $0xffff, v24;
	v24 =	vld [tilespmem:s8+$0xA0];
	v21 =	vadd.f32 v26, v9  }
0xaa: {  	v26 =	vor.u32 v6, v16;
	v25 =	vadd.f32 v32, v9;
	[tilespmem:v19+s24+$0x0] =	vst.idx.msk $0xffff, v28;
	v19 =	vld [tilespmem:s8+$0x20]  }
0xab: {  	v36 =	vor.u32 v6, v17;
	v29 =	vadd.f32 v29, v9;
	v35 =	vld [tilespmem:s18+$0xFFFFE0F0];
	[tilespmem:v22+s24+$0x0] =	vst.idx.msk $0xffff, v21  }
0xac: {  	v37 =	vor.u32 v6, v18;
	v21 =	vmov s7;
	[tilespmem:v23+s24+$0x0] =	vst.idx.msk $0xffff, v25;
	v22 =	vadd.f32 v33, v9;
	v38 =	vld [tilespmem:s8+$0xF0]  }
.Ltmp2:
0xad: {  	s13 =	sadd.s32 $0x1, s7;
	v25 =	vand.u32 $0x7C, v21;
	v28 =	vld [tilespmem:s18+$0xFFFFE030];
	[tilespmem:v27+s24+$0x0] =	vst.idx.msk $0xffff, v29;
	v29 =	vor.u32 v3, v20;
	v32 =	vadd.f32 v30, v9;
	(pc) =	sbr.rel @p2 .LBB2_6-.Ltmp2, $4  }
0xae: {  	v21 =	vmov s13;
	s13 =	sadd.s32 $0x2, s7;
	v30 =	vor.u32 v7, v13;
	v13 =	vmovc v20;
	v27 =	vld [tilespmem:s18+$0xFFFFE070];
	[tilespmem:v31+s24+$0x0] =	vst.idx.msk $0xffff, v22;
	v22 =	vadd.f32 v24, v9  }
0xaf: {  	v34 =	vmov s13;
	v31 =	vor.u32 v3, v12;
	v23 =	vld [tilespmem:s18+$0xFFFFE0B0];
	v39 =	vadd.f32 v19, v9;
	[tilespmem:v26+s24+$0x0] =	vst.idx.msk $0xffff, v32  }
0xb0: {  	s13 =	sadd.s32 $0x3, s7;
	v19 =	vbroadcast v25, $0x0;
	v32 =	vor.u32 v3, v14;
	v33 =	vadd.f32 v35, v8;
	v24 =	vld [tilespmem:s8+$0x70];
	[tilespmem:v36+s24+$0x0] =	vst.idx.msk $0xffff, v22  }
0xb1: {  	s7 =	sadd.s32 $0x4, s7;
	v20 =	vmov s13;
	v25 =	vor.u32 v3, v15;
	[tilespmem:v37+s24+$0x0] =	vst.idx.msk $0xffff, v39;
	v26 =	vld [tilespmem:s8+$0xB0];
	v35 =	vadd.f32 v38, v8  }
0xb2: {  	v20 =	vand.u32 $0x7F, v20;
	s7 =	sadd.s32 $0x100, s18  }
0xb3: {  	v36 =	vld [tilespmem:s7+$0xFFFFE0C0];
	v22 =	vbroadcast v20, $0x0;
	v20 =	vand.u32 $0x7D, v21  }
0xb4: {  	v21 =	vand.u32 $0x7E, v34;
	v53 =	vld [tilespmem:s7+$0xFFFFE040];
	v20 =	vbroadcast v20, $0x0  }
0xb5: {  	v38 =	vld [tilespmem:s7+$0xFFFFE080];
	v21 =	vbroadcast v21, $0x0;
	v37 =	vor.u32 v0, v22  }
0xb6: {  	v39 =	vld [tilespmem:s7+$0xFFFFE000];
	v40 =	vor.u32 v0, v20  }
0xb7: {  	v41 =	vor.u32 v0, v21  }
0xb8: {  	v42 =	vor.u32 v0, v19;
	v36 =	vadd.f32 v36, v11  }
0xb9: {  	v34 =	vadd.f32 v53, v11  }
0xba: {  	v54 =	vadd.f32 v38, v11;
	[tilespmem:v37+s24+$0x0] =	vst.idx.msk $0xffff, v36  }
0xbb: {  	v55 =	vadd.f32 v39, v11;
	v56 =	vld [tilespmem:s7+$0xFFFFE0D0];
	[tilespmem:v40+s24+$0x0] =	vst.idx.msk $0xffff, v34  }
0xbc: {  	[tilespmem:v41+s24+$0x0] =	vst.idx.msk $0xffff, v54;
	v34 =	vld [tilespmem:s7+$0xFFFFE050]  }
0xbd: {  	v57 =	vor.u32 v1, v22;
	[tilespmem:v42+s24+$0x0] =	vst.idx.msk $0xffff, v55;
	v58 =	vld [tilespmem:s7+$0xFFFFE090]  }
0xbe: {  	v60 =	vor.u32 v1, v20;
	v59 =	vld [tilespmem:s7+$0xFFFFE010]  }
0xbf: {  	v61 =	vor.u32 v1, v21  }
0xc0: {  	v62 =	vor.u32 v1, v19;
	v38 =	vadd.f32 v56, v10  }
0xc1: {  	v34 =	vadd.f32 v34, v10  }
0xc2: {  	v63 =	vadd.f32 v58, v10;
	[tilespmem:v57+s24+$0x0] =	vst.idx.msk $0xffff, v38  }
0xc3: {  	v43 =	vadd.f32 v59, v10;
	[tilespmem:v60+s24+$0x0] =	vst.idx.msk $0xffff, v34;
	v44 =	vld [tilespmem:s7+$0xFFFFE0E0]  }
0xc4: {  	[tilespmem:v61+s24+$0x0] =	vst.idx.msk $0xffff, v63;
	v45 =	vld [tilespmem:s7+$0xFFFFE060]  }
0xc5: {  	v46 =	vor.u32 v2, v22;
	[tilespmem:v62+s24+$0x0] =	vst.idx.msk $0xffff, v43;
	v47 =	vld [tilespmem:s7+$0xFFFFE0A0]  }
0xc6: {  	v28 =	vadd.f32 v28, v8;
	[tilespmem:v29+s24+$0x0] =	vst.idx.msk $0xffff, v33;
	v48 =	vor.u32 v2, v20;
	v29 =	vld [tilespmem:s7+$0xFFFFE020]  }
0xc7: {  	[tilespmem:v30+s24+$0x0] =	vst.idx.msk $0xffff, v35;
	v27 =	vadd.f32 v27, v8;
	v30 =	vor.u32 v2, v21  }
0xc8: {  	[tilespmem:v31+s24+$0x0] =	vst.idx.msk $0xffff, v28;
	v28 =	vor.u32 v2, v19;
	v31 =	vadd.f32 v44, v9  }
0xc9: {  	[tilespmem:v32+s24+$0x0] =	vst.idx.msk $0xffff, v27;
	v27 =	vadd.f32 v45, v9  }
0xca: {  	v16 =	vor.u32 v7, v16;
	v49 =	vadd.f32 v47, v9;
	[tilespmem:v46+s24+$0x0] =	vst.idx.msk $0xffff, v31;
	v31 =	vld [tilespmem:s8+$0x30]  }
0xcb: {  	v17 =	vor.u32 v7, v17;
	v29 =	vadd.f32 v29, v9;
	v34 =	vld [tilespmem:s7+$0xFFFFE0F0];
	[tilespmem:v48+s24+$0x0] =	vst.idx.msk $0xffff, v27  }
0xcc: {  	v18 =	vor.u32 v7, v18;
	v23 =	vadd.f32 v23, v8;
	[tilespmem:v30+s24+$0x0] =	vst.idx.msk $0xffff, v49;
	v27 =	vld [tilespmem:s7+$0xFFFFE070]  }
0xcd: {  	v24 =	vadd.f32 v24, v8;
	[tilespmem:v28+s24+$0x0] =	vst.idx.msk $0xffff, v29;
	v28 =	vor.u32 v3, v22;
	v29 =	vld [tilespmem:s7+$0xFFFFE0B0]  }
0xce: {  	[tilespmem:v25+s24+$0x0] =	vst.idx.msk $0xffff, v23;
	v23 =	vadd.f32 v26, v8;
	v26 =	vor.u32 v3, v20;
	v25 =	vld [tilespmem:s7+$0xFFFFE030]  }
0xcf: {  	[tilespmem:v16+s24+$0x0] =	vst.idx.msk $0xffff, v24;
	v16 =	vor.u32 v3, v21;
	v30 =	vld [tilespmem:s18+$0xC0];
	v31 =	vadd.f32 v31, v8  }
0xd0: {  	v24 =	vld [tilespmem:s18+$0x40];
	[tilespmem:v17+s24+$0x0] =	vst.idx.msk $0xffff, v23;
	v17 =	vor.u32 v3, v19;
	v23 =	vadd.f32 v34, v8  }
0xd1: {  	v50 =	vor.u32 v4, v13;
	v51 =	vld [tilespmem:s18+$0x80];
	[tilespmem:v18+s24+$0x0] =	vst.idx.msk $0xffff, v31;
	v18 =	vadd.f32 v27, v8  }
0xd2: {  	v27 =	vld [tilespmem:s18+$0x0];
	v31 =	vor.u32 v4, v14;
	[tilespmem:v28+s24+$0x0] =	vst.idx.msk $0xffff, v23;
	v23 =	vadd.f32 v29, v8  }
0xd3: {  	v25 =	vadd.f32 v25, v8;
	v28 =	vor.u32 v4, v15;
	v29 =	vld [tilespmem:s7+$0xC0];
	[tilespmem:v26+s24+$0x0] =	vst.idx.msk $0xffff, v18  }
0xd4: {  	v18 =	vadd.f32 v30, v11;
	v26 =	vor.u32 v4, v12;
	[tilespmem:v16+s24+$0x0] =	vst.idx.msk $0xffff, v23;
	v16 =	vld [tilespmem:s7+$0x40]  }
0xd5: {  	[tilespmem:v17+s24+$0x0] =	vst.idx.msk $0xffff, v25;
	v17 =	vor.u32 v4, v22;
	v23 =	vadd.f32 v24, v11;
	v24 =	vld [tilespmem:s7+$0x80]  }
0xd6: {  	v25 =	vld [tilespmem:s7+$0x0];
	v30 =	vor.u32 v4, v20;
	[tilespmem:v50+s24+$0x0] =	vst.idx.msk $0xffff, v18;
	v18 =	vadd.f32 v51, v11  }
0xd7: {  	v32 =	vld [tilespmem:s18+$0xD0];
	v27 =	vadd.f32 v27, v11;
	[tilespmem:v31+s24+$0x0] =	vst.idx.msk $0xffff, v23;
	v23 =	vor.u32 v4, v21  }
0xd8: {  	v31 =	vld [tilespmem:s18+$0x50];
	[tilespmem:v28+s24+$0x0] =	vst.idx.msk $0xffff, v18;
	v28 =	vor.u32 v4, v19;
	v18 =	vadd.f32 v29, v11  }
0xd9: {  	v29 =	vor.u32 v5, v13;
	[tilespmem:v26+s24+$0x0] =	vst.idx.msk $0xffff, v27;
	v26 =	vld [tilespmem:s18+$0x90];
	v16 =	vadd.f32 v16, v11  }
0xda: {  	v52 =	vor.u32 v5, v14;
	v27 =	vld [tilespmem:s18+$0x10];
	[tilespmem:v17+s24+$0x0] =	vst.idx.msk $0xffff, v18;
	v17 =	vadd.f32 v24, v11  }
0xdb: {  	v18 =	vor.u32 v5, v15;
	v11 =	vadd.f32 v25, v11;
	v24 =	vld [tilespmem:s7+$0xD0];
	[tilespmem:v30+s24+$0x0] =	vst.idx.msk $0xffff, v16  }
0xdc: {  	v25 =	vor.u32 v5, v12;
	v16 =	vadd.f32 v32, v10;
	v30 =	vld [tilespmem:s7+$0x50];
	[tilespmem:v23+s24+$0x0] =	vst.idx.msk $0xffff, v17  }
0xdd: {  	v17 =	vadd.f32 v31, v10;
	v23 =	vor.u32 v5, v22;
	[tilespmem:v28+s24+$0x0] =	vst.idx.msk $0xffff, v11;
	v11 =	vld [tilespmem:s7+$0x90]  }
0xde: {  	v28 =	vor.u32 v5, v20;
	[tilespmem:v29+s24+$0x0] =	vst.idx.msk $0xffff, v16;
	v16 =	vadd.f32 v26, v10;
	v26 =	vld [tilespmem:s7+$0x10]  }
0xdf: {  	v29 =	vld [tilespmem:s18+$0xE0];
	v27 =	vadd.f32 v27, v10;
	[tilespmem:v52+s24+$0x0] =	vst.idx.msk $0xffff, v17;
	v17 =	vor.u32 v5, v21  }
0xe0: {  	v31 =	vld [tilespmem:s18+$0x60];
	[tilespmem:v18+s24+$0x0] =	vst.idx.msk $0xffff, v16;
	v18 =	vor.u32 v5, v19;
	v16 =	vadd.f32 v24, v10  }
0xe1: {  	v24 =	vor.u32 v6, v13;
	[tilespmem:v25+s24+$0x0] =	vst.idx.msk $0xffff, v27;
	v25 =	vld [tilespmem:s18+$0xA0];
	v27 =	vadd.f32 v30, v10  }
0xe2: {  	v53 =	vor.u32 v6, v14;
	v30 =	vld [tilespmem:s18+$0x20];
	[tilespmem:v23+s24+$0x0] =	vst.idx.msk $0xffff, v16;
	v11 =	vadd.f32 v11, v10  }
0xe3: {  	v16 =	vor.u32 v6, v15;
	v10 =	vadd.f32 v26, v10;
	v23 =	vld [tilespmem:s7+$0xE0];
	[tilespmem:v28+s24+$0x0] =	vst.idx.msk $0xffff, v27  }
0xe4: {  	v26 =	vadd.f32 v29, v9;
	v27 =	vor.u32 v6, v12;
	v28 =	vld [tilespmem:s7+$0x60];
	[tilespmem:v17+s24+$0x0] =	vst.idx.msk $0xffff, v11  }
0xe5: {  	v11 =	vadd.f32 v31, v9;
	v17 =	vor.u32 v6, v22;
	[tilespmem:v18+s24+$0x0] =	vst.idx.msk $0xffff, v10;
	v10 =	vld [tilespmem:s7+$0xA0]  }
0xe6: {  	[tilespmem:v24+s24+$0x0] =	vst.idx.msk $0xffff, v26;
	v18 =	vadd.f32 v25, v9;
	v24 =	vld [tilespmem:s7+$0x20];
	v25 =	vor.u32 v6, v20  }
0xe7: {  	v26 =	vld [tilespmem:s18+$0xF0];
	v29 =	vadd.f32 v30, v9;
	[tilespmem:v53+s24+$0x0] =	vst.idx.msk $0xffff, v11;
	v11 =	vor.u32 v6, v21  }
0xe8: {  	v30 =	vld [tilespmem:s18+$0x70];
	[tilespmem:v16+s24+$0x0] =	vst.idx.msk $0xffff, v18;
	v18 =	vor.u32 v6, v19;
	v16 =	vadd.f32 v23, v9  }
0xe9: {  	v13 =	vor.u32 v7, v13;
	[tilespmem:v27+s24+$0x0] =	vst.idx.msk $0xffff, v29;
	v23 =	vld [tilespmem:s18+$0xB0];
	v27 =	vadd.f32 v28, v9  }
0xea: {  	v14 =	vor.u32 v7, v14;
	v28 =	vld [tilespmem:s18+$0x30];
	[tilespmem:v17+s24+$0x0] =	vst.idx.msk $0xffff, v16;
	v10 =	vadd.f32 v10, v9  }
0xeb: {  	v15 =	vor.u32 v7, v15;
	v9 =	vadd.f32 v24, v9;
	v16 =	vld [tilespmem:s7+$0xF0];
	[tilespmem:v25+s24+$0x0] =	vst.idx.msk $0xffff, v27  }
0xec: {  	v12 =	vor.u32 v7, v12;
	v17 =	vadd.f32 v26, v8;
	v24 =	vld [tilespmem:s7+$0x70];
	[tilespmem:v11+s24+$0x0] =	vst.idx.msk $0xffff, v10  }
0xed: {  	v10 =	vadd.f32 v30, v8;
	v11 =	vor.u32 v7, v22;
	[tilespmem:v18+s24+$0x0] =	vst.idx.msk $0xffff, v9;
	v9 =	vld [tilespmem:s7+$0xB0]  }
0xee: {  	v18 =	vor.u32 v7, v20;
	[tilespmem:v13+s24+$0x0] =	vst.idx.msk $0xffff, v17;
	v13 =	vadd.f32 v23, v8;
	v17 =	vld [tilespmem:s7+$0x30]  }
0xef: {  	v20 =	vadd.f32 v28, v8;
	[tilespmem:v14+s24+$0x0] =	vst.idx.msk $0xffff, v10;
	v10 =	vor.u32 v7, v21  }
0xf0: {  	v14 =	vor.u32 v7, v19;
	[tilespmem:v15+s24+$0x0] =	vst.idx.msk $0xffff, v13;
	v13 =	vadd.f32 v16, v8  }
0xf1: {  	[tilespmem:v12+s24+$0x0] =	vst.idx.msk $0xffff, v20;
	v12 =	vadd.f32 v24, v8  }
0xf2: {  	s5 =	sshll.u32 s5, $0x8;
	[tilespmem:v11+s24+$0x0] =	vst.idx.msk $0xffff, v13;
	v9 =	vadd.f32 v9, v8  }
0xf3: {  	s18 =	sand.u32 $0xE00, s5;
	v8 =	vadd.f32 v17, v8;
	[tilespmem:v18+s24+$0x0] =	vst.idx.msk $0xffff, v12  }
0xf4: {  	s5 =	sshll.u32 s9, $0xF;
	s9 =	sadd.s32 s2, s18;
	[tilespmem:v10+s24+$0x0] =	vst.idx.msk $0xffff, v9  }
0xf5: {  	s7 =	sadd.s32 s5, s9;
	[tilespmem:v14+s24+$0x0] =	vst.idx.msk $0xffff, v8  }
0xf6: {  	[hbm4b:s7+s25] =	stream.strided.scatter [tilespmem:s24], [sflag:$0x5], $0x4000, s26, s25, $0x38;
	[tilespmem:$0x13400] =	vst v63  }
0xf7: {  	_ =	swait.ge [sflag:s28], $0x2000  }
0xf8: {  	[sflag:s28] =	ssyncset.done $0x0  }
0xf9: {  	[sflag:s28] =	ssyncadd.s32 $0xFFFFE000  }
0xfa: {  	_ =	swait.ge [sflag:s28], $0x2000  }
0xfb: {  	[sflag:s28] =	ssyncset.done $0x0  }
0xfc: {  	s7 =	simm.s32 @!p0 $0x1;
	[sflag:s28] =	ssyncadd.s32 $0xFFFFE000  }
0xfd: {  	_ =	swait.ge @!p0 [sflag:s7], $0x100  }
0xfe: {  	s8 =	simm.s32 @!p0 $0x0;
	[sflag:s7] =	ssyncset.done @!p0 $0x0  }
0xff: {  	s9 =	simm.s32 @!p0 $0x200;
	[sflag:s7] =	ssyncadd.s32 @!p0 $0xFFFFFF00;
	s7 =	simm.s32 @!p0 $0x80  }
0x100: {  	[tilespmem:s9], [sflag:$0x3] =	stream.indirect.gather @!p0 [hbm4b:s4+s7], $0x40, s8, s7, $0xb8;
	[tilespmem:$0x13400] =	vst v63  }
0x101: {  	s9 =	simm.s32 @!p0 $0x2200  }
0x102: {  	[tilespmem:s9], [sflag:$0x3] =	stream.indirect.gather @!p0 [hbm4b:s4+s7], $0x40, s7, s7, $0xb8;
	[tilespmem:$0x13400] =	vst v63  }
0x103: {  	s7 =	sadd.s32 @!p0 s11, s17;
	s9 =	simm.s32 @!p0 $0x100  }
0x104: {  	[tilespmem:s9], [sflag:$0x2] =	stream.linear.gather @!p0 [hbm4b:s7+s8], $0x100, $0x38;
	[tilespmem:$0x13400] =	vst v63  }
0x105: {  	p0 =	por p0, !p1  }
0x106: {  	_ =	swait.ge @p0 [sflag:s31], $0x4000  }
0x107: {  	s13 =	simm.s32 $0x3;
	[sflag:s31] =	ssyncset.done @p0 $0x0  }
0x108: {  	v8 =	vmov s13;
	[sflag:s31] =	ssyncadd.s32 @p0 $0xFFFFC000  }
0x109: {  	v8 =	vand.u32 $0x7F, v8;
	s8 =	simm.s32 $0x4200;
	v11 =	vld [tilespmem:s12+$0x10200]  }
0x10a: {  	v19 =	vbroadcast v8, $0x0;
	s17 =	simm.s32 $0x1;
	v12 =	vld [tilespmem:s8+$0xC0]  }
0x10b: {  	v8 =	vmov s17;
	s9 =	simm.s32 $0x2  }
0x10c: {  	v14 =	vor.u32 v0, v19;
	v8 =	vand.u32 $0x7D, v8;
	v13 =	vmov s9;
	v10 =	vld [tilespmem:s12+$0x10210]  }
0x10d: {  	s13 =	simm.s32 $0x0;
	v16 =	vbroadcast v8, $0x0;
	v13 =	vand.u32 $0x7E, v13;
	v15 =	vld [tilespmem:s8+$0x40]  }
0x10e: {  	v18 =	vmov s13;
	v17 =	vbroadcast v13, $0x0;
	v9 =	vld [tilespmem:s12+$0x10220]  }
0x10f: {  	v13 =	vand.u32 $0x7C, v18;
	v21 =	vor.u32 v0, v16;
	v20 =	vld [tilespmem:s8+$0x80];
	v12 =	vadd.f32 v12, v11  }
0x110: {  	v18 =	vbroadcast v13, $0x0;
	v13 =	vld [tilespmem:s8+$0x0]  }
0x111: {  	v8 =	vld [tilespmem:s12+$0x10230];
	v22 =	vor.u32 v0, v17;
	[tilespmem:v14+s29+$0x0] =	vst.idx.msk $0xffff, v12  }
0x112: {  	v12 =	vor.u32 v0, v18;
	v14 =	vadd.f32 v15, v11;
	v15 =	vld [tilespmem:s8+$0xD0];
	_ =	sdelay $0x1  }
0x113: {  	v20 =	vadd.f32 v20, v11;
	[tilespmem:v21+s29+$0x0] =	vst.idx.msk $0xffff, v14;
	v14 =	vor.u32 v1, v19  }
0x114: {  	v13 =	vadd.f32 v13, v11;
	v21 =	vld [tilespmem:s8+$0x50]  }
0x115: {  	[tilespmem:v22+s29+$0x0] =	vst.idx.msk $0xffff, v20  }
0x116: {  	v20 =	vld [tilespmem:s8+$0x90];
	[tilespmem:v12+s29+$0x0] =	vst.idx.msk $0xffff, v13;
	v12 =	vor.u32 v1, v16;
	v13 =	vadd.f32 v15, v10  }
0x117: {  	v15 =	vld [tilespmem:s8+$0x10]  }
0x118: {  	v22 =	vor.u32 v1, v17;
	[tilespmem:v14+s29+$0x0] =	vst.idx.msk $0xffff, v13  }
0x119: {  	v13 =	vor.u32 v1, v18;
	v14 =	vadd.f32 v21, v10;
	v21 =	vld [tilespmem:s8+$0xE0];
	_ =	sdelay $0x1  }
0x11a: {  	v20 =	vadd.f32 v20, v10;
	[tilespmem:v12+s29+$0x0] =	vst.idx.msk $0xffff, v14;
	v12 =	vor.u32 v2, v19  }
0x11b: {  	v14 =	vadd.f32 v15, v10;
	v15 =	vld [tilespmem:s8+$0x60]  }
0x11c: {  	[tilespmem:v22+s29+$0x0] =	vst.idx.msk $0xffff, v20  }
0x11d: {  	v20 =	vld [tilespmem:s8+$0xA0];
	[tilespmem:v13+s29+$0x0] =	vst.idx.msk $0xffff, v14;
	v13 =	vor.u32 v2, v16;
	v14 =	vadd.f32 v21, v9  }
0x11e: {  	v21 =	vld [tilespmem:s8+$0x20]  }
0x11f: {  	v22 =	vor.u32 v2, v17;
	[tilespmem:v12+s29+$0x0] =	vst.idx.msk $0xffff, v14  }
0x120: {  	v12 =	vor.u32 v2, v18;
	v14 =	vadd.f32 v15, v9;
	v15 =	vld [tilespmem:s8+$0xF0];
	_ =	sdelay $0x1  }
0x121: {  	v20 =	vadd.f32 v20, v9;
	[tilespmem:v13+s29+$0x0] =	vst.idx.msk $0xffff, v14;
	v13 =	vor.u32 v3, v19  }
0x122: {  	s13 =	simm.s32 $0x6;
	v14 =	vadd.f32 v21, v9;
	v21 =	vld [tilespmem:s8+$0x70]  }
0x123: {  	v25 =	vmov s13;
	s17 =	simm.s32 $0x4;
	s9 =	simm.s32 $0x7;
	v24 =	vor.u32 v3, v16;
	[tilespmem:v22+s29+$0x0] =	vst.idx.msk $0xffff, v20  }
0x124: {  	s12 =	simm.s32 $0x5;
	v20 =	vmov s17;
	v22 =	vld [tilespmem:s8+$0xB0];
	[tilespmem:v12+s29+$0x0] =	vst.idx.msk $0xffff, v14;
	v14 =	vadd.f32 v15, v8;
	v15 =	vmov s9  }
0x125: {  	v23 =	vmov s12;
	s12 =	simm.s32 $0x4300;
	v12 =	vand.u32 $0x7C, v20;
	v20 =	vld [tilespmem:s8+$0x30];
	v15 =	vand.u32 $0x7F, v15  }
0x126: {  	v25 =	vand.u32 $0x7E, v25;
	v26 =	vor.u32 v3, v17;
	v27 =	vld [tilespmem:s12+$0xC0];
	[tilespmem:v13+s29+$0x0] =	vst.idx.msk $0xffff, v14;
	v13 =	vbroadcast v15, $0x0  }
0x127: {  	v31 =	vor.u32 v4, v19;
	v28 =	vor.u32 v3, v18;
	v15 =	vadd.f32 v21, v8;
	v21 =	vld [tilespmem:s8+$0x20C0]  }
0x128: {  	v12 =	vbroadcast v12, $0x0;
	v14 =	vand.u32 $0x7D, v23;
	v23 =	vld [tilespmem:s12+$0x0];
	v29 =	vor.u32 v0, v13  }
0x129: {  	v59 =	vor.u32 v6, v16;
	v30 =	vld [tilespmem:s12+$0x40];
	v22 =	vadd.f32 v22, v8;
	v14 =	vbroadcast v14, $0x0  }
0x12a: {  	v54 =	vld [tilespmem:s12+$0x80];
	[tilespmem:v24+s29+$0x0] =	vst.idx.msk $0xffff, v15;
	v24 =	vor.u32 v0, v12;
	v15 =	vbroadcast v25, $0x0;
	v20 =	vadd.f32 v20, v8  }
0x12b: {  	[tilespmem:v26+s29+$0x0] =	vst.idx.msk $0xffff, v22;
	v25 =	vadd.f32 v27, v11;
	v22 =	vor.u32 v0, v14;
	v26 =	vld [tilespmem:s8+$0x2040]  }
0x12c: {  	v27 =	vld [tilespmem:s8+$0x2080];
	[tilespmem:v28+s29+$0x0] =	vst.idx.msk $0xffff, v20;
	v20 =	vor.u32 v0, v15;
	v21 =	vadd.f32 v21, v11  }
0x12d: {  	v23 =	vadd.f32 v23, v11;
	v28 =	vor.u32 v4, v16;
	[tilespmem:v29+s29+$0x0] =	vst.idx.msk $0xffff, v25;
	v25 =	vld [tilespmem:s8+$0x2000]  }
0x12e: {  	v55 =	vor.u32 v4, v17;
	v29 =	vadd.f32 v30, v11;
	v30 =	vld [tilespmem:s12+$0xD0];
	[tilespmem:v31+s29+$0x0] =	vst.idx.msk $0xffff, v21  }
0x12f: {  	[tilespmem:v24+s29+$0x0] =	vst.idx.msk $0xffff, v23;
	v23 =	vor.u32 v4, v18;
	v21 =	vadd.f32 v54, v11;
	v24 =	vld [tilespmem:s8+$0x20D0]  }
0x130: {  	v31 =	vld [tilespmem:s12+$0x10];
	v26 =	vadd.f32 v26, v11;
	[tilespmem:v22+s29+$0x0] =	vst.idx.msk $0xffff, v29;
	v22 =	vor.u32 v1, v13  }
0x131: {  	v29 =	vld [tilespmem:s12+$0x50];
	[tilespmem:v20+s29+$0x0] =	vst.idx.msk $0xffff, v21;
	v20 =	vadd.f32 v27, v11;
	v21 =	vor.u32 v5, v19  }
0x132: {  	v27 =	vor.u32 v1, v12;
	[tilespmem:v28+s29+$0x0] =	vst.idx.msk $0xffff, v26;
	v56 =	vld [tilespmem:s12+$0x90];
	v25 =	vadd.f32 v25, v11  }
0x133: {  	v26 =	vor.u32 v1, v14;
	[tilespmem:v55+s29+$0x0] =	vst.idx.msk $0xffff, v20;
	v28 =	vadd.f32 v30, v10;
	v30 =	vld [tilespmem:s8+$0x2050]  }
0x134: {  	v20 =	vor.u32 v1, v15;
	[tilespmem:v23+s29+$0x0] =	vst.idx.msk $0xffff, v25;
	v23 =	vld [tilespmem:s8+$0x2090];
	v24 =	vadd.f32 v24, v10  }
0x135: {  	v25 =	vadd.f32 v31, v10;
	[tilespmem:v22+s29+$0x0] =	vst.idx.msk $0xffff, v28;
	v22 =	vld [tilespmem:s8+$0x2010];
	v28 =	vor.u32 v5, v16  }
0x136: {  	v57 =	vor.u32 v5, v17;
	v29 =	vadd.f32 v29, v10;
	v31 =	vld [tilespmem:s12+$0xE0];
	[tilespmem:v21+s29+$0x0] =	vst.idx.msk $0xffff, v24  }
0x137: {  	[tilespmem:v27+s29+$0x0] =	vst.idx.msk $0xffff, v25;
	v21 =	vadd.f32 v56, v10;
	v24 =	vor.u32 v5, v18;
	v25 =	vld [tilespmem:s8+$0x20E0]  }
0x138: {  	v27 =	vld [tilespmem:s12+$0x20];
	[tilespmem:v26+s29+$0x0] =	vst.idx.msk $0xffff, v29;
	v26 =	vor.u32 v2, v13;
	v29 =	vadd.f32 v30, v10  }
0x139: {  	v30 =	vld [tilespmem:s12+$0x60];
	[tilespmem:v20+s29+$0x0] =	vst.idx.msk $0xffff, v21;
	v21 =	vor.u32 v6, v19;
	v20 =	vadd.f32 v23, v10  }
0x13a: {  	v23 =	vor.u32 v2, v12;
	v58 =	vld [tilespmem:s12+$0xA0];
	v22 =	vadd.f32 v22, v10;
	[tilespmem:v28+s29+$0x0] =	vst.idx.msk $0xffff, v29  }
0x13b: {  	v29 =	vor.u32 v2, v14;
	v28 =	vadd.f32 v31, v9;
	v31 =	vld [tilespmem:s8+$0x2060];
	[tilespmem:v57+s29+$0x0] =	vst.idx.msk $0xffff, v20  }
0x13c: {  	v20 =	vor.u32 v2, v15;
	[tilespmem:v24+s29+$0x0] =	vst.idx.msk $0xffff, v22;
	v22 =	vld [tilespmem:s8+$0x20A0];
	v24 =	vadd.f32 v25, v9  }
0x13d: {  	v61 =	vor.u32 v6, v17;
	v25 =	vadd.f32 v27, v9;
	[tilespmem:v26+s29+$0x0] =	vst.idx.msk $0xffff, v28;
	v26 =	vld [tilespmem:s8+$0x2020]  }
0x13e: {  	v62 =	vor.u32 v6, v18;
	v27 =	vadd.f32 v30, v9;
	v60 =	vld [tilespmem:s12+$0xF0];
	[tilespmem:v21+s29+$0x0] =	vst.idx.msk $0xffff, v24  }
0x13f: {  	s13 =	simm.s32 $0xA;
	v32 =	vor.u32 v3, v14;
	[tilespmem:v23+s29+$0x0] =	vst.idx.msk $0xffff, v25;
	v23 =	vadd.f32 v58, v9;
	v63 =	vld [tilespmem:s8+$0x20F0]  }
0x140: {  	v34 =	vmov s13;
	s17 =	simm.s32 $0x8;
	v28 =	vld [tilespmem:s12+$0x30];
	[tilespmem:v29+s29+$0x0] =	vst.idx.msk $0xffff, v27;
	v29 =	vor.u32 v3, v13;
	v25 =	vadd.f32 v31, v9  }
0x141: {  	v30 =	vor.u32 v7, v19;
	v21 =	vmov s17;
	v27 =	vld [tilespmem:s12+$0x70];
	[tilespmem:v20+s29+$0x0] =	vst.idx.msk $0xffff, v23;
	v20 =	vadd.f32 v22, v9  }
0x142: {  	s9 =	simm.s32 $0x9;
	v24 =	vand.u32 $0x7C, v21;
	v31 =	vor.u32 v3, v12;
	v23 =	vld [tilespmem:s12+$0xB0];
	v22 =	vadd.f32 v26, v9;
	[tilespmem:v59+s29+$0x0] =	vst.idx.msk $0xffff, v25  }
0x143: {  	s17 =	simm.s32 $0xB;
	v21 =	vmov s9;
	v19 =	vbroadcast v24, $0x0;
	v33 =	vadd.f32 v60, v8;
	v24 =	vld [tilespmem:s8+$0x2070];
	[tilespmem:v61+s29+$0x0] =	vst.idx.msk $0xffff, v20  }
0x144: {  	s7 =	simm.s32 $0xC;
	v25 =	vor.u32 v3, v15;
	v20 =	vmov s17;
	[tilespmem:v62+s29+$0x0] =	vst.idx.msk $0xffff, v22;
	v26 =	vld [tilespmem:s8+$0x20B0];
	v35 =	vadd.f32 v63, v8  }
.LBB2_8:
0x145: {  	p0 =	slt.u32 s7, $0x7C;
	v20 =	vand.u32 $0x7F, v20;
	v22 =	vadd.f32 v28, v8;
	[tilespmem:v29+s29+$0x0] =	vst.idx.msk $0xffff, v33;
	v28 =	vld [tilespmem:s8+$0x2030];
	v16 =	vor.u32 v7, v16;
	s8 =	smov.u32 s12;
	s12 =	sadd.s32 $0x100, s12  }
0x146: {  	v17 =	vor.u32 v7, v17;
	v29 =	vld [tilespmem:s12+$0xC0];
	v20 =	vbroadcast v20, $0x0;
	v27 =	vadd.f32 v27, v8;
	[tilespmem:v30+s29+$0x0] =	vst.idx.msk $0xffff, v35  }
0x147: {  	v21 =	vand.u32 $0x7D, v21;
	v18 =	vor.u32 v7, v18;
	[tilespmem:v31+s29+$0x0] =	vst.idx.msk $0xffff, v22;
	v22 =	vadd.f32 v23, v8;
	v23 =	vld [tilespmem:s8+$0x20C0]  }
0x148: {  	v31 =	vand.u32 $0x7E, v34;
	v30 =	vld [tilespmem:s12+$0x0];
	v33 =	vor.u32 v0, v20;
	[tilespmem:v32+s29+$0x0] =	vst.idx.msk $0xffff, v27;
	v24 =	vadd.f32 v24, v8  }
0x149: {  	v21 =	vbroadcast v21, $0x0;
	v27 =	vld [tilespmem:s12+$0x40];
	[tilespmem:v25+s29+$0x0] =	vst.idx.msk $0xffff, v22;
	v22 =	vor.u32 v4, v13;
	v25 =	vadd.f32 v26, v8  }
0x14a: {  	v31 =	vbroadcast v31, $0x0;
	v26 =	vor.u32 v0, v19;
	v32 =	vld [tilespmem:s12+$0x80];
	v28 =	vadd.f32 v28, v8;
	[tilespmem:v16+s29+$0x0] =	vst.idx.msk $0xffff, v24  }
0x14b: {  	v24 =	vor.u32 v0, v21;
	v16 =	vmov v14;
	v29 =	vadd.f32 v29, v11;
	v34 =	vld [tilespmem:s8+$0x2040];
	[tilespmem:v17+s29+$0x0] =	vst.idx.msk $0xffff, v25  }
0x14c: {  	v14 =	vmov v21;
	v25 =	vor.u32 v0, v31;
	v35 =	vld [tilespmem:s8+$0x2080];
	v23 =	vadd.f32 v23, v11;
	[tilespmem:v18+s29+$0x0] =	vst.idx.msk $0xffff, v28  }
0x14d: {  	v17 =	vmov v15;
	v28 =	vor.u32 v4, v16;
	v36 =	vadd.f32 v30, v11;
	[tilespmem:v33+s29+$0x0] =	vst.idx.msk $0xffff, v29;
	v21 =	vld [tilespmem:s8+$0x2000]  }
0x14e: {  	v15 =	vmov v31;
	v30 =	vor.u32 v4, v17;
	v27 =	vadd.f32 v27, v11;
	v29 =	vld [tilespmem:s12+$0xD0];
	[tilespmem:v22+s29+$0x0] =	vst.idx.msk $0xffff, v23  }
0x14f: {  	v18 =	vmov v12;
	v23 =	vor.u32 v4, v12;
	[tilespmem:v26+s29+$0x0] =	vst.idx.msk $0xffff, v36;
	v22 =	vadd.f32 v32, v11;
	v26 =	vld [tilespmem:s8+$0x20D0]  }
0x150: {  	v12 =	vmov v19;
	v31 =	vld [tilespmem:s12+$0x10];
	[tilespmem:v24+s29+$0x0] =	vst.idx.msk $0xffff, v27;
	v24 =	vor.u32 v1, v20;
	v27 =	vadd.f32 v34, v11  }
0x151: {  	v19 =	vld [tilespmem:s12+$0x50];
	[tilespmem:v25+s29+$0x0] =	vst.idx.msk $0xffff, v22;
	v22 =	vadd.f32 v35, v11;
	v25 =	vor.u32 v5, v13  }
0x152: {  	v32 =	vor.u32 v1, v12;
	v33 =	vld [tilespmem:s12+$0x90];
	v21 =	vadd.f32 v21, v11;
	[tilespmem:v28+s29+$0x0] =	vst.idx.msk $0xffff, v27  }
0x153: {  	v27 =	vor.u32 v1, v14;
	v28 =	vadd.f32 v29, v10;
	v29 =	vld [tilespmem:s8+$0x2050];
	[tilespmem:v30+s29+$0x0] =	vst.idx.msk $0xffff, v22  }
0x154: {  	v22 =	vor.u32 v1, v15;
	[tilespmem:v23+s29+$0x0] =	vst.idx.msk $0xffff, v21;
	v21 =	vld [tilespmem:s8+$0x2090];
	v23 =	vadd.f32 v26, v10  }
0x155: {  	v26 =	vadd.f32 v31, v10;
	[tilespmem:v24+s29+$0x0] =	vst.idx.msk $0xffff, v28;
	v24 =	vld [tilespmem:s8+$0x2010];
	v28 =	vor.u32 v5, v16  }
0x156: {  	v31 =	vor.u32 v5, v17;
	v19 =	vadd.f32 v19, v10;
	v30 =	vld [tilespmem:s12+$0xE0];
	[tilespmem:v25+s29+$0x0] =	vst.idx.msk $0xffff, v23  }
0x157: {  	v25 =	vor.u32 v5, v18;
	[tilespmem:v32+s29+$0x0] =	vst.idx.msk $0xffff, v26;
	v23 =	vadd.f32 v33, v10;
	v26 =	vld [tilespmem:s8+$0x20E0]  }
0x158: {  	v32 =	vld [tilespmem:s12+$0x20];
	[tilespmem:v27+s29+$0x0] =	vst.idx.msk $0xffff, v19;
	v19 =	vor.u32 v2, v20;
	v27 =	vadd.f32 v29, v10  }
0x159: {  	v29 =	vld [tilespmem:s12+$0x60];
	[tilespmem:v22+s29+$0x0] =	vst.idx.msk $0xffff, v23;
	v21 =	vadd.f32 v21, v10;
	v22 =	vor.u32 v6, v13  }
0x15a: {  	v23 =	vor.u32 v2, v12;
	v33 =	vld [tilespmem:s12+$0xA0];
	v24 =	vadd.f32 v24, v10;
	[tilespmem:v28+s29+$0x0] =	vst.idx.msk $0xffff, v27  }
0x15b: {  	v27 =	vor.u32 v2, v14;
	v28 =	vadd.f32 v30, v9;
	v30 =	vld [tilespmem:s8+$0x2060];
	[tilespmem:v31+s29+$0x0] =	vst.idx.msk $0xffff, v21  }
0x15c: {  	v31 =	vor.u32 v2, v15;
	[tilespmem:v25+s29+$0x0] =	vst.idx.msk $0xffff, v24;
	v24 =	vld [tilespmem:s8+$0x20A0];
	v21 =	vadd.f32 v26, v9  }
0x15d: {  	v26 =	vor.u32 v6, v16;
	v25 =	vadd.f32 v32, v9;
	[tilespmem:v19+s29+$0x0] =	vst.idx.msk $0xffff, v28;
	v19 =	vld [tilespmem:s8+$0x2020]  }
0x15e: {  	v36 =	vor.u32 v6, v17;
	v29 =	vadd.f32 v29, v9;
	v35 =	vld [tilespmem:s12+$0xF0];
	[tilespmem:v22+s29+$0x0] =	vst.idx.msk $0xffff, v21  }
0x15f: {  	v37 =	vor.u32 v6, v18;
	v21 =	vmov s7;
	[tilespmem:v23+s29+$0x0] =	vst.idx.msk $0xffff, v25;
	v22 =	vadd.f32 v33, v9;
	v38 =	vld [tilespmem:s8+$0x20F0]  }
.Ltmp3:
0x160: {  	s9 =	sadd.s32 $0x1, s7;
	v25 =	vand.u32 $0x7C, v21;
	v28 =	vld [tilespmem:s12+$0x30];
	[tilespmem:v27+s29+$0x0] =	vst.idx.msk $0xffff, v29;
	v29 =	vor.u32 v3, v20;
	v32 =	vadd.f32 v30, v9;
	(pc) =	sbr.rel @p0 .LBB2_8-.Ltmp3, $4  }
0x161: {  	v21 =	vmov s9;
	s9 =	sadd.s32 $0x2, s7;
	v30 =	vor.u32 v7, v13;
	v13 =	vmovc v20;
	v27 =	vld [tilespmem:s12+$0x70];
	[tilespmem:v31+s29+$0x0] =	vst.idx.msk $0xffff, v22;
	v22 =	vadd.f32 v24, v9  }
0x162: {  	v34 =	vmov s9;
	v31 =	vor.u32 v3, v12;
	v23 =	vld [tilespmem:s12+$0xB0];
	v39 =	vadd.f32 v19, v9;
	[tilespmem:v26+s29+$0x0] =	vst.idx.msk $0xffff, v32  }
0x163: {  	s9 =	sadd.s32 $0x3, s7;
	v19 =	vbroadcast v25, $0x0;
	v32 =	vor.u32 v3, v14;
	v33 =	vadd.f32 v35, v8;
	v24 =	vld [tilespmem:s8+$0x2070];
	[tilespmem:v36+s29+$0x0] =	vst.idx.msk $0xffff, v22  }
0x164: {  	s7 =	sadd.s32 $0x4, s7;
	v20 =	vmov s9;
	v25 =	vor.u32 v3, v15;
	[tilespmem:v37+s29+$0x0] =	vst.idx.msk $0xffff, v39;
	v26 =	vld [tilespmem:s8+$0x20B0];
	v35 =	vadd.f32 v38, v8  }
0x165: {  	v20 =	vand.u32 $0x7F, v20;
	s7 =	sadd.s32 $0x100, s12  }
0x166: {  	v55 =	vand.u32 $0x7D, v21;
	v36 =	vld [tilespmem:s7+$0xC0];
	v22 =	vbroadcast v20, $0x0  }
0x167: {  	v56 =	vand.u32 $0x7E, v34;
	v57 =	vld [tilespmem:s7+$0x40];
	v20 =	vbroadcast v55, $0x0  }
0x168: {  	v38 =	vld [tilespmem:s7+$0x80];
	v21 =	vbroadcast v56, $0x0;
	v37 =	vor.u32 v0, v22  }
0x169: {  	v39 =	vld [tilespmem:s7+$0x0];
	v40 =	vor.u32 v0, v20  }
0x16a: {  	v41 =	vor.u32 v0, v21  }
0x16b: {  	v42 =	vor.u32 v0, v19;
	v36 =	vadd.f32 v36, v11  }
0x16c: {  	v34 =	vadd.f32 v57, v11  }
0x16d: {  	v58 =	vadd.f32 v38, v11;
	[tilespmem:v37+s29+$0x0] =	vst.idx.msk $0xffff, v36  }
0x16e: {  	v59 =	vadd.f32 v39, v11;
	[tilespmem:v40+s29+$0x0] =	vst.idx.msk $0xffff, v34;
	v60 =	vld [tilespmem:s7+$0xD0]  }
0x16f: {  	[tilespmem:v41+s29+$0x0] =	vst.idx.msk $0xffff, v58;
	v34 =	vld [tilespmem:s7+$0x50]  }
0x170: {  	v61 =	vor.u32 v1, v22;
	[tilespmem:v42+s29+$0x0] =	vst.idx.msk $0xffff, v59;
	v62 =	vld [tilespmem:s7+$0x90]  }
0x171: {  	v45 =	vor.u32 v1, v20;
	v63 =	vld [tilespmem:s7+$0x10]  }
0x172: {  	v46 =	vor.u32 v1, v21  }
0x173: {  	v47 =	vor.u32 v1, v19;
	v38 =	vadd.f32 v60, v10  }
0x174: {  	v34 =	vadd.f32 v34, v10  }
0x175: {  	v48 =	vadd.f32 v62, v10;
	[tilespmem:v61+s29+$0x0] =	vst.idx.msk $0xffff, v38  }
0x176: {  	v49 =	vadd.f32 v63, v10;
	[tilespmem:v45+s29+$0x0] =	vst.idx.msk $0xffff, v34;
	v50 =	vld [tilespmem:s7+$0xE0]  }
0x177: {  	[tilespmem:v46+s29+$0x0] =	vst.idx.msk $0xffff, v48;
	v51 =	vld [tilespmem:s7+$0x60]  }
0x178: {  	v52 =	vor.u32 v2, v22;
	[tilespmem:v47+s29+$0x0] =	vst.idx.msk $0xffff, v49;
	v53 =	vld [tilespmem:s7+$0xA0]  }
0x179: {  	v28 =	vadd.f32 v28, v8;
	[tilespmem:v29+s29+$0x0] =	vst.idx.msk $0xffff, v33;
	v55 =	vor.u32 v2, v20;
	v54 =	vld [tilespmem:s7+$0x20]  }
0x17a: {  	[tilespmem:v30+s29+$0x0] =	vst.idx.msk $0xffff, v35;
	v27 =	vadd.f32 v27, v8;
	v56 =	vor.u32 v2, v21  }
0x17b: {  	[tilespmem:v31+s29+$0x0] =	vst.idx.msk $0xffff, v28;
	v57 =	vor.u32 v2, v19;
	v58 =	vadd.f32 v50, v9  }
0x17c: {  	[tilespmem:v32+s29+$0x0] =	vst.idx.msk $0xffff, v27;
	v59 =	vadd.f32 v51, v9  }
0x17d: {  	v16 =	vor.u32 v7, v16;
	v60 =	vld [tilespmem:s8+$0x2030];
	v61 =	vadd.f32 v53, v9;
	[tilespmem:v52+s29+$0x0] =	vst.idx.msk $0xffff, v58  }
0x17e: {  	v17 =	vor.u32 v7, v17;
	v29 =	vadd.f32 v54, v9;
	[tilespmem:v55+s29+$0x0] =	vst.idx.msk $0xffff, v59;
	v34 =	vld [tilespmem:s7+$0xF0]  }
0x17f: {  	v18 =	vor.u32 v7, v18;
	v23 =	vadd.f32 v23, v8;
	[tilespmem:v56+s29+$0x0] =	vst.idx.msk $0xffff, v61;
	v27 =	vld [tilespmem:s7+$0x70]  }
0x180: {  	v24 =	vadd.f32 v24, v8;
	v62 =	vor.u32 v3, v22;
	[tilespmem:v57+s29+$0x0] =	vst.idx.msk $0xffff, v29;
	v63 =	vld [tilespmem:s7+$0xB0]  }
0x181: {  	[tilespmem:v25+s29+$0x0] =	vst.idx.msk $0xffff, v23;
	v36 =	vadd.f32 v26, v8;
	v38 =	vor.u32 v3, v20;
	v37 =	vld [tilespmem:s7+$0x30]  }
0x182: {  	[tilespmem:v16+s29+$0x0] =	vst.idx.msk $0xffff, v24;
	v39 =	vld [tilespmem:s12+$0x20C0];
	v40 =	vor.u32 v3, v21;
	v31 =	vadd.f32 v60, v8  }
0x183: {  	v41 =	vld [tilespmem:s12+$0x2040];
	v42 =	vor.u32 v3, v19;
	[tilespmem:v17+s29+$0x0] =	vst.idx.msk $0xffff, v36;
	v43 =	vadd.f32 v34, v8  }
0x184: {  	v44 =	vor.u32 v4, v13;
	v45 =	vld [tilespmem:s12+$0x2080];
	[tilespmem:v18+s29+$0x0] =	vst.idx.msk $0xffff, v31;
	v46 =	vadd.f32 v27, v8  }
0x185: {  	v47 =	vld [tilespmem:s12+$0x2000];
	v48 =	vor.u32 v4, v14;
	v49 =	vadd.f32 v63, v8;
	[tilespmem:v62+s29+$0x0] =	vst.idx.msk $0xffff, v43  }
0x186: {  	v50 =	vor.u32 v4, v15;
	v25 =	vadd.f32 v37, v8;
	[tilespmem:v38+s29+$0x0] =	vst.idx.msk $0xffff, v46;
	v51 =	vld [tilespmem:s7+$0x20C0]  }
0x187: {  	v53 =	vor.u32 v4, v12;
	v52 =	vadd.f32 v39, v11;
	[tilespmem:v40+s29+$0x0] =	vst.idx.msk $0xffff, v49;
	v54 =	vld [tilespmem:s7+$0x2040]  }
0x188: {  	v55 =	vadd.f32 v41, v11;
	v56 =	vor.u32 v4, v22;
	[tilespmem:v42+s29+$0x0] =	vst.idx.msk $0xffff, v25;
	v57 =	vld [tilespmem:s7+$0x2080]  }
0x189: {  	v58 =	vadd.f32 v45, v11;
	v59 =	vor.u32 v4, v20;
	[tilespmem:v44+s29+$0x0] =	vst.idx.msk $0xffff, v52;
	v25 =	vld [tilespmem:s7+$0x2000]  }
0x18a: {  	v60 =	vor.u32 v4, v21;
	[tilespmem:v48+s29+$0x0] =	vst.idx.msk $0xffff, v55;
	v32 =	vld [tilespmem:s12+$0x20D0];
	v27 =	vadd.f32 v47, v11  }
0x18b: {  	v31 =	vld [tilespmem:s12+$0x2050];
	[tilespmem:v50+s29+$0x0] =	vst.idx.msk $0xffff, v58;
	v62 =	vor.u32 v4, v19;
	v61 =	vadd.f32 v51, v11  }
0x18c: {  	v36 =	vld [tilespmem:s12+$0x2090];
	v63 =	vor.u32 v5, v13;
	[tilespmem:v53+s29+$0x0] =	vst.idx.msk $0xffff, v27;
	v16 =	vadd.f32 v54, v11  }
0x18d: {  	v37 =	vor.u32 v5, v14;
	v27 =	vld [tilespmem:s12+$0x2010];
	v38 =	vadd.f32 v57, v11;
	[tilespmem:v56+s29+$0x0] =	vst.idx.msk $0xffff, v61  }
0x18e: {  	v39 =	vor.u32 v5, v15;
	v41 =	vadd.f32 v25, v11;
	[tilespmem:v59+s29+$0x0] =	vst.idx.msk $0xffff, v16;
	v40 =	vld [tilespmem:s7+$0x20D0]  }
0x18f: {  	v42 =	vadd.f32 v32, v10;
	v43 =	vor.u32 v5, v12;
	[tilespmem:v60+s29+$0x0] =	vst.idx.msk $0xffff, v38;
	v30 =	vld [tilespmem:s7+$0x2050]  }
0x190: {  	v45 =	vor.u32 v5, v22;
	v44 =	vadd.f32 v31, v10;
	[tilespmem:v62+s29+$0x0] =	vst.idx.msk $0xffff, v41;
	v46 =	vld [tilespmem:s7+$0x2090]  }
0x191: {  	v49 =	vor.u32 v5, v20;
	v47 =	vadd.f32 v36, v10;
	[tilespmem:v63+s29+$0x0] =	vst.idx.msk $0xffff, v42;
	v48 =	vld [tilespmem:s7+$0x2010]  }
0x192: {  	v50 =	vor.u32 v5, v21;
	[tilespmem:v37+s29+$0x0] =	vst.idx.msk $0xffff, v44;
	v29 =	vld [tilespmem:s12+$0x20E0];
	v27 =	vadd.f32 v27, v10  }
0x193: {  	v53 =	vor.u32 v5, v19;
	[tilespmem:v39+s29+$0x0] =	vst.idx.msk $0xffff, v47;
	v51 =	vld [tilespmem:s12+$0x2060];
	v52 =	vadd.f32 v40, v10  }
0x194: {  	v55 =	vld [tilespmem:s12+$0x20A0];
	v54 =	vor.u32 v6, v13;
	[tilespmem:v43+s29+$0x0] =	vst.idx.msk $0xffff, v27;
	v56 =	vadd.f32 v30, v10  }
0x195: {  	v58 =	vor.u32 v6, v14;
	v57 =	vld [tilespmem:s12+$0x2020];
	v11 =	vadd.f32 v46, v10;
	[tilespmem:v45+s29+$0x0] =	vst.idx.msk $0xffff, v52  }
0x196: {  	v59 =	vor.u32 v6, v15;
	v60 =	vadd.f32 v48, v10;
	[tilespmem:v49+s29+$0x0] =	vst.idx.msk $0xffff, v56;
	v23 =	vld [tilespmem:s7+$0x20E0]  }
0x197: {  	v62 =	vor.u32 v6, v12;
	v61 =	vadd.f32 v29, v9;
	[tilespmem:v50+s29+$0x0] =	vst.idx.msk $0xffff, v11;
	v28 =	vld [tilespmem:s7+$0x2060]  }
0x198: {  	v33 =	vor.u32 v6, v22;
	v63 =	vadd.f32 v51, v9;
	[tilespmem:v53+s29+$0x0] =	vst.idx.msk $0xffff, v60;
	v34 =	vld [tilespmem:s7+$0x20A0]  }
0x199: {  	v37 =	vor.u32 v6, v20;
	v35 =	vadd.f32 v55, v9;
	[tilespmem:v54+s29+$0x0] =	vst.idx.msk $0xffff, v61;
	v36 =	vld [tilespmem:s7+$0x2020]  }
0x19a: {  	v39 =	vor.u32 v6, v21;
	v26 =	vld [tilespmem:s12+$0x20F0];
	[tilespmem:v58+s29+$0x0] =	vst.idx.msk $0xffff, v63;
	v38 =	vadd.f32 v57, v9  }
0x19b: {  	v42 =	vor.u32 v6, v19;
	[tilespmem:v59+s29+$0x0] =	vst.idx.msk $0xffff, v35;
	v40 =	vld [tilespmem:s12+$0x2070];
	v41 =	vadd.f32 v23, v9  }
0x19c: {  	v43 =	vor.u32 v7, v13;
	v44 =	vld [tilespmem:s12+$0x20B0];
	[tilespmem:v62+s29+$0x0] =	vst.idx.msk $0xffff, v38;
	v45 =	vadd.f32 v28, v9  }
0x19d: {  	v47 =	vor.u32 v7, v14;
	v46 =	vld [tilespmem:s12+$0x2030];
	v10 =	vadd.f32 v34, v9;
	[tilespmem:v33+s29+$0x0] =	vst.idx.msk $0xffff, v41  }
0x19e: {  	v48 =	vor.u32 v7, v15;
	v49 =	vadd.f32 v36, v9;
	[tilespmem:v37+s29+$0x0] =	vst.idx.msk $0xffff, v45;
	v16 =	vld [tilespmem:s7+$0x20F0]  }
0x19f: {  	v51 =	vor.u32 v7, v12;
	v50 =	vadd.f32 v26, v8;
	[tilespmem:v39+s29+$0x0] =	vst.idx.msk $0xffff, v10;
	v52 =	vld [tilespmem:s7+$0x2070]  }
0x1a0: {  	v54 =	vor.u32 v7, v22;
	v53 =	vadd.f32 v40, v8;
	[tilespmem:v42+s29+$0x0] =	vst.idx.msk $0xffff, v49;
	v55 =	vld [tilespmem:s7+$0x20B0]  }
0x1a1: {  	v58 =	vor.u32 v7, v20;
	[tilespmem:v43+s29+$0x0] =	vst.idx.msk $0xffff, v50;
	v56 =	vadd.f32 v44, v8;
	v57 =	vld [tilespmem:s7+$0x2030]  }
0x1a2: {  	v60 =	vor.u32 v7, v21;
	[tilespmem:v47+s29+$0x0] =	vst.idx.msk $0xffff, v53;
	v59 =	vadd.f32 v46, v8  }
0x1a3: {  	s0 =	sadd.s32 $0x1, s0;
	v62 =	vor.u32 v7, v19;
	[tilespmem:v48+s29+$0x0] =	vst.idx.msk $0xffff, v56;
	v61 =	vadd.f32 v16, v8  }
0x1a4: {  	p0 =	sne.s32 s0, $0x32;
	[tilespmem:v51+s29+$0x0] =	vst.idx.msk $0xffff, v59;
	v63 =	vadd.f32 v52, v8  }
.Ltmp4:
0x1a5: {  	v9 =	vadd.f32 v55, v8;
	[tilespmem:v54+s29+$0x0] =	vst.idx.msk $0xffff, v61;
	(pc) =	sbr.rel @p0 .LBB2_2-.Ltmp4, $4  }
0x1a6: {  	s5 =	sadd.s32 s2, s5;
	v8 =	vadd.f32 v57, v8;
	[tilespmem:v58+s29+$0x0] =	vst.idx.msk $0xffff, v63  }
0x1a7: {  	s5 =	sadd.s32 s18, s5;
	[tilespmem:v60+s29+$0x0] =	vst.idx.msk $0xffff, v9  }
0x1a8: {  	s5 =	sadd.s32 $0x100, s5;
	[tilespmem:v62+s29+$0x0] =	vst.idx.msk $0xffff, v8  }
0x1a9: {  	[hbm4b:s5+s25] =	stream.strided.scatter [tilespmem:s29], [sflag:$0x6], $0x4000, s26, s25, $0x38;
	[tilespmem:$0x13400] =	vst v63  }
0x1aa: {  	_ =	swait.ge [sflag:s30], $0x4000  }
0x1ab: {  	[sflag:s30] =	ssyncset.done $0x0  }
0x1ac: {  	[sflag:s30] =	ssyncadd.s32 $0xFFFFC000  }
0x1ad: {  	_ =	swait.ge [sflag:s31], $0x4000  }
0x1ae: {  	s1 =	sadd.s32 $0x1, s1;
	s0 =	rddreg [dreg:$0x7]  }
0x1af: {  	p0 =	sne.s32 s1, s0  }
.Ltmp5:
0x1b0: {  	_ = 	snop;
	(pc) =	sbr.rel @p0 .LBB2_1-.Ltmp5, $3  }
0x1b1: {  	_ =	sdelay $0x1  }
0x1b2: {  	[sflag:s31] =	ssyncset.done $0x0  }
0x1b3: {  	[sflag:s31] =	ssyncadd.s32 $0xFFFFC000  }
0x1b4: {  	_ =	sfence.sel $0x180000  }
0x1b5: {  	[bflag:$0x0] =	sbarrier.arrive $0xFFFF  }
0x1b6: {  	_ =	strace $0x90000047  }
0x1b7: {  	s0 =	stileid.u32;
	[bflag:$0x2] =	sbarrier.arrive $0xFFFF  }
0x1b8: {  	p0 =	sne.s32 s0, $0x0;
	s0 =	rddreg [dreg:$0x3]  }
0x1b9: {  	s0 =	sadd.s32 @!p0 $0x100000, s0  }
0x1ba: {  	[sflag:s0] =	ssyncadd.tile.s32 @!p0 $0x1;
	_ =	shalt  }
.Lfunc_end2:
_tile_overlayer_lowered:
.L_overlay_start_2:
0x1bb: {  	(tag) =	ssettag $0x2  }
0x1bc: {  	s0 =	rddreg [dreg:$0x0];
	s2 =	stileid.u32  }
0x1bd: {  	s1 =	rddreg [dreg:$0x1];
	p0 =	sne.s32 s2, $0x0  }
0x1be: {  	s3 =	rddreg [dreg:$0x2];
	[bflag:$0x3] =	sbarrier.arrive $0xFFFF;
	s2 =	simm.s32 @!p0 $0x1C07  }
0x1bf: {  	[timem:s3], [sflag:s2] =	dma.local @!p0 [hbm:s0], s1  }
0x1c0: {  	s0 =	simm.s32 @!p0 $0x7  }
0x1c1: {  	_ =	swait.ge @!p0 [sflag:s0], s1  }
0x1c2: {  	s1 =	ssub.s32 @!p0 $0x0, s1;
	[sflag:s0] =	ssyncset.done @!p0 $0x0  }
0x1c3: {  	[sflag:s0] =	ssyncadd.s32 @!p0 s1  }
0x1c4: {  	[bflag:$0x3] =	sbarrier.arrive $0xFFFF  }
0x1c5: {  	_ =	shalt  }

</sc_bundles>
